<compile_context>
chip_gen: v7x
topology: tpu7x:2x2x1
jax: 0.10.2.dev20260603
libtpu: 0.0.44.dev20260713+nightly
codegen_flags: <defaults>
</compile_context>

<pallas_src>
import functools

import jax
import jax.numpy as jnp
from jax import lax
from jax.experimental import pallas as pl
from jax.experimental.pallas import tpu as pltpu
from jax.experimental.pallas import tpu_sc as plsc

_D = 64
_B = 16384
_CW = 256
_MAIN = 999936
_NCH = _MAIN // _CW
_TAILC = _NCH


def _popcnt(mask):
    return plsc.all_reduce_population_count(mask)[0]


def _compress_store(ref, start, x, mask):
    pos = start + plsc.cumsum(jnp.where(mask, 1, 0)) - 1
    pos = jnp.where(mask, pos, 0)
    plsc.store_scatter(ref, [pos], x, mask=mask)
    return _popcnt(mask)


def _build(num_cores, num_subcores):
    nw = num_cores * num_subcores
    n_kk = -3 * (-(_NCH // nw + 1) // 3)
    mesh = plsc.VectorSubcoreMesh(core_axis_name="c", subcore_axis_name="s")

    @functools.partial(
        pl.kernel,
        mesh=mesh,
        out_type=jax.ShapeDtypeStruct((_B, 1, _D), jnp.float32),
        scratch_types=[
            pltpu.VMEM((_B,), jnp.int32),
            pltpu.VMEM((_B + 16,), jnp.int32),
            pltpu.VMEM((_B + 16,), jnp.int32),
            pltpu.VMEM((_B + 16,), jnp.int32),
            pltpu.VMEM((_D, _CW), jnp.float32),
            pltpu.VMEM((_D, _CW), jnp.float32),
            pltpu.VMEM((_D, _CW), jnp.float32),
            pltpu.VMEM((_D, _D), jnp.float32),
            pltpu.VMEM((16, 1, _D), jnp.float32),
            pltpu.SemaphoreType.DMA,
            pltpu.SemaphoreType.DMA,
            pltpu.SemaphoreType.DMA,
            pltpu.SemaphoreType.DMA,
        ],
        compiler_params=pltpu.CompilerParams(needs_layout_passes=False),
    )
    def k(idx_hbm, table_hbm, tail_hbm, out_hbm,
          idx_v, me_e, me_j, cl, buf_a, buf_b, buf_c, tailbuf, ring,
          sem_a, sem_b, sem_c, osem):
        wid = lax.axis_index("s") * num_cores + lax.axis_index("c")
        nmine = jnp.where(wid < _NCH % nw, _NCH // nw + 1, _NCH // nw)
        iota16 = lax.iota(jnp.int32, 16)
        bufs = (buf_a, buf_b, buf_c)
        sems = (sem_a, sem_b, sem_c)

        def issue(kk, buf, sem):
            c = wid + kk * nw
            c_dma = jnp.where(kk < nmine, c, 0)
            pltpu.async_copy(
                table_hbm.at[:, pl.ds(c_dma * _CW, _CW)], buf, sem)

        for r in range(3):
            issue(jnp.int32(r), bufs[r], sems[r])

        for s in range(16):
            pltpu.async_copy(
                out_hbm.at[pl.ds(0, 1)], ring.at[pl.ds(s, 1)], osem)

        pltpu.sync_copy(idx_hbm, idx_v)
        pltpu.sync_copy(tail_hbm, tailbuf)

        def collect(g, cur):
            ev = idx_v[pl.ds(g * 16, 16)]
            jv = iota16 + g * 16
            own = ((ev >> 8) & (nw - 1)) == wid
            _compress_store(me_e, cur, ev, own)
            return cur + _compress_store(me_j, cur, jv, own)

        n_me = pl.loop(0, _B // 16, init_carry=jnp.int32(0))(collect)
        n_me_g = (n_me + 15) >> 4

        def chunk_pairs(c):
            def scan(g, cc):
                ev = me_e[pl.ds(g * 16, 16)]
                jv = me_j[pl.ds(g * 16, 16)]
                m = ((ev >> 8) == c) & ((iota16 + g * 16) < n_me)
                packed = ((ev & 255) << 14) | jv
                return cc + _compress_store(cl, cc, packed, m)

            return pl.loop(0, n_me_g, init_carry=jnp.int32(0))(scan)

        def emit_matches(n_pairs, ocnt0, load):
            def one(i, ocnt):
                pk = plsc.load_gather(cl, [jnp.full((16,), i, jnp.int32)])
                colv = pk >> 14
                j = pk[0] & (_B - 1)
                slot = ocnt & 15
                pltpu.make_async_copy(
                    out_hbm.at[pl.ds(0, 1)], ring.at[pl.ds(0, 1)], osem
                ).wait()
                for t in range(_D // 16):
                    ring[slot, 0, pl.ds(t * 16, 16)] = load(t, colv)
                pltpu.async_copy(
                    ring.at[pl.ds(slot, 1)], out_hbm.at[pl.ds(j, 1)], osem)
                return ocnt + 1

            return pl.loop(0, n_pairs, init_carry=ocnt0)(one)

        def process(kk, buf, sem, ocnt):
            pltpu.make_async_copy(
                table_hbm.at[:, pl.ds(0, _CW)], buf, sem).wait()
            c = jnp.where(kk < nmine, wid + kk * nw, -1)
            n_pairs = chunk_pairs(c)

            def load(t, colv):
                rows = iota16 + t * 16
                return plsc.load_gather(buf, [rows, colv])

            return emit_matches(n_pairs, ocnt, load)

        def body(q, ocnt):
            for r in range(3):
                kk = 3 * q + r
                ocnt = process(kk, bufs[r], sems[r], ocnt)
                issue(kk + 3, bufs[r], sems[r])
            return ocnt

        ocnt = pl.loop(0, n_kk // 3, init_carry=jnp.int32(0))(body)
        for r in range(3):
            pltpu.make_async_copy(
                table_hbm.at[:, pl.ds(0, _CW)], bufs[r], sems[r]).wait()

        n_tail = chunk_pairs(jnp.int32(_TAILC))

        def tail_load(t, colv):
            rows = iota16 + t * 16
            return plsc.load_gather(tailbuf, [rows, colv])

        ocnt = emit_matches(n_tail, ocnt, tail_load)

        del ocnt
        for _ in range(16):
            pltpu.make_async_copy(
                out_hbm.at[pl.ds(0, 1)], ring.at[pl.ds(0, 1)], osem).wait()

    return k


def kernel(entities, entity_embeddings):
    info = plsc.get_sparse_core_info()
    fn = _build(info.num_cores, info.num_subcores)
    tail = entity_embeddings[_MAIN:].T
    out = fn(entities.astype(jnp.int32), entity_embeddings.T, tail)
    return out.reshape(_B, _D)

# --- scband reference (transcript-rebuilt; emitter-appended) ---
"""Pipeline reference for scband-base-cwamodule-33835752358230 (READ-ONLY COPY).

The authoritative reference and input builder live on the scoring server;
editing this copy changes nothing except your own understanding.
"""

import jax, jax.numpy as jnp
import numpy as np

NUM_ENTITIES = 1000000
EMBED_DIM = 64
BATCH = 16384

def setup_inputs(seed: int = 0) -> dict:
    key = jax.random.key(seed)
    k1, k2 = jax.random.split(key)
    entities = jax.random.randint(k1, (BATCH,), 0, NUM_ENTITIES, dtype=jnp.int64 if jax.config.read('jax_enable_x64') else jnp.int32)
    entity_embeddings = jax.random.normal(k2, (NUM_ENTITIES, EMBED_DIM), dtype=jnp.float32)
    return {"entities": entities, "entity_embeddings": entity_embeddings}

def reference(entities, entity_embeddings):
    # Faithful translation of BaseCWAModule._get_entity_embeddings:
    #   self.entity_embeddings(entities).view(-1, self.embedding_dim)
    emb = jnp.take(entity_embeddings, entities, axis=0)
    return emb.reshape(-1, EMBED_DIM)

if __name__ == "__main__":
    import jax
    _d = setup_inputs()
    print(jax.jit(kernel)(*tuple(_d.values())))

</pallas_src>

<mosaic_0001>
#map = affine_map<(d0, d1) -> (0)>
#map1 = affine_map<(d0, d1) -> (0, 0)>
#map2 = affine_map<(d0, d1) -> (0, 0, 0)>
module attributes {stable_mosaic.version = 14 : i64} {
  func.func @k(%arg0: i32, %arg1: i32, %arg2: memref<16384xi32, #tpu.memory_space<hbm>>, %arg3: memref<64x1000000xf32, #tpu.memory_space<hbm>>, %arg4: memref<64x64xf32, #tpu.memory_space<hbm>>, %arg5: memref<16384x1x64xf32, #tpu.memory_space<hbm>>, %arg6: memref<16384xi32, #tpu.memory_space<vmem>>, %arg7: memref<16400xi32, #tpu.memory_space<vmem>>, %arg8: memref<16400xi32, #tpu.memory_space<vmem>>, %arg9: memref<16400xi32, #tpu.memory_space<vmem>>, %arg10: memref<64x256xf32, #tpu.memory_space<vmem>>, %arg11: memref<64x256xf32, #tpu.memory_space<vmem>>, %arg12: memref<64x256xf32, #tpu.memory_space<vmem>>, %arg13: memref<64x64xf32, #tpu.memory_space<vmem>>, %arg14: memref<16x1x64xf32, #tpu.memory_space<vmem>>, %arg15: memref<!tpu.dma_semaphore, #tpu.memory_space<semaphore_mem>>, %arg16: memref<!tpu.dma_semaphore, #tpu.memory_space<semaphore_mem>>, %arg17: memref<!tpu.dma_semaphore, #tpu.memory_space<semaphore_mem>>, %arg18: memref<!tpu.dma_semaphore, #tpu.memory_space<semaphore_mem>>) attributes {dimension_semantics = [#tpu.dimension_semantics<core_parallel>, #tpu.dimension_semantics<subcore_parallel>], iteration_bounds = array<i64: 2, 16>, scalar_prefetch = 0 : i64, scratch_operands = 13 : i64, tpu.core_type = #tpu.core_type<sc_vector_subcore>, window_params = [{transform_indices = #map}, {transform_indices = #map1}, {transform_indices = #map1}, {transform_indices = #map2}]} {
    %mul3A = arith.constant 2 : i32
    %mul3A_0 = arith.muli %arg1, %mul3A : i32
    %add3A = arith.addi %mul3A_0, %arg0 : i32
    %lt3A = arith.constant 2 : i32
    %lt3A_1 = arith.cmpi slt, %add3A, %lt3A : i32
    %jit3A = arith.constant 123 : i32
    %jit3A_2 = arith.constant 122 : i32
    %select_n3A = arith.select %lt3A_1, %jit3A, %jit3A_2 : i32
    %iota3A = tpu.iota {dimensions = array<i32: 0>} : vector<16xi32>
    %mul3A_3 = arith.constant 0 : i32
    %mul3A_4 = arith.constant 32 : i32
    %mul3A_5 = arith.muli %mul3A_3, %mul3A_4 : i32
    %add3A_6 = arith.addi %add3A, %mul3A_5 : i32
    %lt3A_7 = arith.constant 0 : i32
    %lt3A_8 = arith.cmpi slt, %lt3A_7, %select_n3A : i32
    %jit3A_9 = arith.constant 0 : i32
    %select_n3A_10 = arith.select %lt3A_8, %add3A_6, %jit3A_9 : i32
    %mul3A_11 = arith.constant 256 : i32
    %mul3A_12 = arith.muli %select_n3A_10, %mul3A_11 : i32
    %dma_start3A = arith.constant 0 : i32
    %dma_start3A_13 = tpu.memref_slice %arg3[%dma_start3A, %mul3A_12] : memref<64x1000000xf32, #tpu.memory_space<hbm>> -> memref<64x256xf32, #tpu.memory_space<hbm>>
    %dma_start3A_14 = arith.constant 0 : i32
    %dma_start3A_15 = tpu.memref_slice %arg3[%dma_start3A_14, %mul3A_12] : memref<64x1000000xf32, #tpu.memory_space<hbm>> -> memref<64x256xf32, #tpu.memory_space<hbm>>
    tpu.enqueue_dma source(%dma_start3A_15 : memref<64x256xf32, #tpu.memory_space<hbm>>) target(%arg10 : memref<64x256xf32, #tpu.memory_space<vmem>>) target_semaphore(%arg15 : memref<!tpu.dma_semaphore, #tpu.memory_space<semaphore_mem>>)
    %mul3A_16 = arith.constant 1 : i32
    %mul3A_17 = arith.constant 32 : i32
    %mul3A_18 = arith.muli %mul3A_16, %mul3A_17 : i32
    %add3A_19 = arith.addi %add3A, %mul3A_18 : i32
    %lt3A_20 = arith.constant 1 : i32
    %lt3A_21 = arith.cmpi slt, %lt3A_20, %select_n3A : i32
    %jit3A_22 = arith.constant 0 : i32
    %select_n3A_23 = arith.select %lt3A_21, %add3A_19, %jit3A_22 : i32
    %mul3A_24 = arith.constant 256 : i32
    %mul3A_25 = arith.muli %select_n3A_23, %mul3A_24 : i32
    %dma_start3A_26 = arith.constant 0 : i32
    %dma_start3A_27 = tpu.memref_slice %arg3[%dma_start3A_26, %mul3A_25] : memref<64x1000000xf32, #tpu.memory_space<hbm>> -> memref<64x256xf32, #tpu.memory_space<hbm>>
    %dma_start3A_28 = arith.constant 0 : i32
    %dma_start3A_29 = tpu.memref_slice %arg3[%dma_start3A_28, %mul3A_25] : memref<64x1000000xf32, #tpu.memory_space<hbm>> -> memref<64x256xf32, #tpu.memory_space<hbm>>
    tpu.enqueue_dma source(%dma_start3A_29 : memref<64x256xf32, #tpu.memory_space<hbm>>) target(%arg11 : memref<64x256xf32, #tpu.memory_space<vmem>>) target_semaphore(%arg16 : memref<!tpu.dma_semaphore, #tpu.memory_space<semaphore_mem>>)
    %mul3A_30 = arith.constant 2 : i32
    %mul3A_31 = arith.constant 32 : i32
    %mul3A_32 = arith.muli %mul3A_30, %mul3A_31 : i32
    %add3A_33 = arith.addi %add3A, %mul3A_32 : i32
    %lt3A_34 = arith.constant 2 : i32
    %lt3A_35 = arith.cmpi slt, %lt3A_34, %select_n3A : i32
    %jit3A_36 = arith.constant 0 : i32
    %select_n3A_37 = arith.select %lt3A_35, %add3A_33, %jit3A_36 : i32
    %mul3A_38 = arith.constant 256 : i32
    %mul3A_39 = arith.muli %select_n3A_37, %mul3A_38 : i32
    %dma_start3A_40 = arith.constant 0 : i32
    %dma_start3A_41 = tpu.memref_slice %arg3[%dma_start3A_40, %mul3A_39] : memref<64x1000000xf32, #tpu.memory_space<hbm>> -> memref<64x256xf32, #tpu.memory_space<hbm>>
    %dma_start3A_42 = arith.constant 0 : i32
    %dma_start3A_43 = tpu.memref_slice %arg3[%dma_start3A_42, %mul3A_39] : memref<64x1000000xf32, #tpu.memory_space<hbm>> -> memref<64x256xf32, #tpu.memory_space<hbm>>
    tpu.enqueue_dma source(%dma_start3A_43 : memref<64x256xf32, #tpu.memory_space<hbm>>) target(%arg12 : memref<64x256xf32, #tpu.memory_space<vmem>>) target_semaphore(%arg17 : memref<!tpu.dma_semaphore, #tpu.memory_space<semaphore_mem>>)
    %dma_start3A_44 = arith.constant 0 : i32
    %dma_start3A_45 = arith.constant 0 : i32
    %dma_start3A_46 = arith.constant 0 : i32
    %dma_start3A_47 = tpu.memref_slice %arg14[%dma_start3A_44, %dma_start3A_45, %dma_start3A_46] : memref<16x1x64xf32, #tpu.memory_space<vmem>> -> memref<1x1x64xf32, #tpu.memory_space<vmem>>
    %dma_start3A_48 = arith.constant 0 : i32
    %dma_start3A_49 = arith.constant 0 : i32
    %dma_start3A_50 = arith.constant 0 : i32
    %dma_start3A_51 = tpu.memref_slice %arg5[%dma_start3A_48, %dma_start3A_49, %dma_start3A_50] : memref<16384x1x64xf32, #tpu.memory_space<hbm>> -> memref<1x1x64xf32, #tpu.memory_space<hbm>>
    %dma_start3A_52 = arith.constant 0 : i32
    %dma_start3A_53 = arith.constant 0 : i32
    %dma_start3A_54 = arith.constant 0 : i32
    %dma_start3A_55 = tpu.memref_slice %arg14[%dma_start3A_52, %dma_start3A_53, %dma_start3A_54] : memref<16x1x64xf32, #tpu.memory_space<vmem>> -> memref<1x1x64xf32, #tpu.memory_space<vmem>>
    %dma_start3A_56 = arith.constant 0 : i32
    %dma_start3A_57 = arith.constant 0 : i32
    %dma_start3A_58 = arith.constant 0 : i32
    %dma_start3A_59 = tpu.memref_slice %arg5[%dma_start3A_56, %dma_start3A_57, %dma_start3A_58] : memref<16384x1x64xf32, #tpu.memory_space<hbm>> -> memref<1x1x64xf32, #tpu.memory_space<hbm>>
    tpu.enqueue_dma source(%dma_start3A_59 : memref<1x1x64xf32, #tpu.memory_space<hbm>>) target(%dma_start3A_55 : memref<1x1x64xf32, #tpu.memory_space<vmem>>) target_semaphore(%arg18 : memref<!tpu.dma_semaphore, #tpu.memory_space<semaphore_mem>>)
    %dma_start3A_60 = arith.constant 1 : i32
    %dma_start3A_61 = arith.constant 0 : i32
    %dma_start3A_62 = arith.constant 0 : i32
    %dma_start3A_63 = tpu.memref_slice %arg14[%dma_start3A_60, %dma_start3A_61, %dma_start3A_62] : memref<16x1x64xf32, #tpu.memory_space<vmem>> -> memref<1x1x64xf32, #tpu.memory_space<vmem>>
    %dma_start3A_64 = arith.constant 0 : i32
    %dma_start3A_65 = arith.constant 0 : i32
    %dma_start3A_66 = arith.constant 0 : i32
    %dma_start3A_67 = tpu.memref_slice %arg5[%dma_start3A_64, %dma_start3A_65, %dma_start3A_66] : memref<16384x1x64xf32, #tpu.memory_space<hbm>> -> memref<1x1x64xf32, #tpu.memory_space<hbm>>
    %dma_start3A_68 = arith.constant 1 : i32
    %dma_start3A_69 = arith.constant 0 : i32
    %dma_start3A_70 = arith.constant 0 : i32
    %dma_start3A_71 = tpu.memref_slice %arg14[%dma_start3A_68, %dma_start3A_69, %dma_start3A_70] : memref<16x1x64xf32, #tpu.memory_space<vmem>> -> memref<1x1x64xf32, #tpu.memory_space<vmem>>
    %dma_start3A_72 = arith.constant 0 : i32
    %dma_start3A_73 = arith.constant 0 : i32
    %dma_start3A_74 = arith.constant 0 : i32
    %dma_start3A_75 = tpu.memref_slice %arg5[%dma_start3A_72, %dma_start3A_73, %dma_start3A_74] : memref<16384x1x64xf32, #tpu.memory_space<hbm>> -> memref<1x1x64xf32, #tpu.memory_space<hbm>>
    tpu.enqueue_dma source(%dma_start3A_75 : memref<1x1x64xf32, #tpu.memory_space<hbm>>) target(%dma_start3A_71 : memref<1x1x64xf32, #tpu.memory_space<vmem>>) target_semaphore(%arg18 : memref<!tpu.dma_semaphore, #tpu.memory_space<semaphore_mem>>)
    %dma_start3A_76 = arith.constant 2 : i32
    %dma_start3A_77 = arith.constant 0 : i32
    %dma_start3A_78 = arith.constant 0 : i32
    %dma_start3A_79 = tpu.memref_slice %arg14[%dma_start3A_76, %dma_start3A_77, %dma_start3A_78] : memref<16x1x64xf32, #tpu.memory_space<vmem>> -> memref<1x1x64xf32, #tpu.memory_space<vmem>>
    %dma_start3A_80 = arith.constant 0 : i32
    %dma_start3A_81 = arith.constant 0 : i32
    %dma_start3A_82 = arith.constant 0 : i32
    %dma_start3A_83 = tpu.memref_slice %arg5[%dma_start3A_80, %dma_start3A_81, %dma_start3A_82] : memref<16384x1x64xf32, #tpu.memory_space<hbm>> -> memref<1x1x64xf32, #tpu.memory_space<hbm>>
    %dma_start3A_84 = arith.constant 2 : i32
    %dma_start3A_85 = arith.constant 0 : i32
    %dma_start3A_86 = arith.constant 0 : i32
    %dma_start3A_87 = tpu.memref_slice %arg14[%dma_start3A_84, %dma_start3A_85, %dma_start3A_86] : memref<16x1x64xf32, #tpu.memory_space<vmem>> -> memref<1x1x64xf32, #tpu.memory_space<vmem>>
    %dma_start3A_88 = arith.constant 0 : i32
    %dma_start3A_89 = arith.constant 0 : i32
    %dma_start3A_90 = arith.constant 0 : i32
    %dma_start3A_91 = tpu.memref_slice %arg5[%dma_start3A_88, %dma_start3A_89, %dma_start3A_90] : memref<16384x1x64xf32, #tpu.memory_space<hbm>> -> memref<1x1x64xf32, #tpu.memory_space<hbm>>
    tpu.enqueue_dma source(%dma_start3A_91 : memref<1x1x64xf32, #tpu.memory_space<hbm>>) target(%dma_start3A_87 : memref<1x1x64xf32, #tpu.memory_space<vmem>>) target_semaphore(%arg18 : memref<!tpu.dma_semaphore, #tpu.memory_space<semaphore_mem>>)
    %dma_start3A_92 = arith.constant 3 : i32
    %dma_start3A_93 = arith.constant 0 : i32
    %dma_start3A_94 = arith.constant 0 : i32
    %dma_start3A_95 = tpu.memref_slice %arg14[%dma_start3A_92, %dma_start3A_93, %dma_start3A_94] : memref<16x1x64xf32, #tpu.memory_space<vmem>> -> memref<1x1x64xf32, #tpu.memory_space<vmem>>
    %dma_start3A_96 = arith.constant 0 : i32
    %dma_start3A_97 = arith.constant 0 : i32
    %dma_start3A_98 = arith.constant 0 : i32
    %dma_start3A_99 = tpu.memref_slice %arg5[%dma_start3A_96, %dma_start3A_97, %dma_start3A_98] : memref<16384x1x64xf32, #tpu.memory_space<hbm>> -> memref<1x1x64xf32, #tpu.memory_space<hbm>>
    %dma_start3A_100 = arith.constant 3 : i32
    %dma_start3A_101 = arith.constant 0 : i32
    %dma_start3A_102 = arith.constant 0 : i32
    %dma_start3A_103 = tpu.memref_slice %arg14[%dma_start3A_100, %dma_start3A_101, %dma_start3A_102] : memref<16x1x64xf32, #tpu.memory_space<vmem>> -> memref<1x1x64xf32, #tpu.memory_space<vmem>>
    %dma_start3A_104 = arith.constant 0 : i32
    %dma_start3A_105 = arith.constant 0 : i32
    %dma_start3A_106 = arith.constant 0 : i32
    %dma_start3A_107 = tpu.memref_slice %arg5[%dma_start3A_104, %dma_start3A_105, %dma_start3A_106] : memref<16384x1x64xf32, #tpu.memory_space<hbm>> -> memref<1x1x64xf32, #tpu.memory_space<hbm>>
    tpu.enqueue_dma source(%dma_start3A_107 : memref<1x1x64xf32, #tpu.memory_space<hbm>>) target(%dma_start3A_103 : memref<1x1x64xf32, #tpu.memory_space<vmem>>) target_semaphore(%arg18 : memref<!tpu.dma_semaphore, #tpu.memory_space<semaphore_mem>>)
    %dma_start3A_108 = arith.constant 4 : i32
    %dma_start3A_109 = arith.constant 0 : i32
    %dma_start3A_110 = arith.constant 0 : i32
    %dma_start3A_111 = tpu.memref_slice %arg14[%dma_start3A_108, %dma_start3A_109, %dma_start3A_110] : memref<16x1x64xf32, #tpu.memory_space<vmem>> -> memref<1x1x64xf32, #tpu.memory_space<vmem>>
    %dma_start3A_112 = arith.constant 0 : i32
    %dma_start3A_113 = arith.constant 0 : i32
    %dma_start3A_114 = arith.constant 0 : i32
    %dma_start3A_115 = tpu.memref_slice %arg5[%dma_start3A_112, %dma_start3A_113, %dma_start3A_114] : memref<16384x1x64xf32, #tpu.memory_space<hbm>> -> memref<1x1x64xf32, #tpu.memory_space<hbm>>
    %dma_start3A_116 = arith.constant 4 : i32
    %dma_start3A_117 = arith.constant 0 : i32
    %dma_start3A_118 = arith.constant 0 : i32
    %dma_start3A_119 = tpu.memref_slice %arg14[%dma_start3A_116, %dma_start3A_117, %dma_start3A_118] : memref<16x1x64xf32, #tpu.memory_space<vmem>> -> memref<1x1x64xf32, #tpu.memory_space<vmem>>
    %dma_start3A_120 = arith.constant 0 : i32
    %dma_start3A_121 = arith.constant 0 : i32
    %dma_start3A_122 = arith.constant 0 : i32
    %dma_start3A_123 = tpu.memref_slice %arg5[%dma_start3A_120, %dma_start3A_121, %dma_start3A_122] : memref<16384x1x64xf32, #tpu.memory_space<hbm>> -> memref<1x1x64xf32, #tpu.memory_space<hbm>>
    tpu.enqueue_dma source(%dma_start3A_123 : memref<1x1x64xf32, #tpu.memory_space<hbm>>) target(%dma_start3A_119 : memref<1x1x64xf32, #tpu.memory_space<vmem>>) target_semaphore(%arg18 : memref<!tpu.dma_semaphore, #tpu.memory_space<semaphore_mem>>)
    %dma_start3A_124 = arith.constant 5 : i32
    %dma_start3A_125 = arith.constant 0 : i32
    %dma_start3A_126 = arith.constant 0 : i32
    %dma_start3A_127 = tpu.memref_slice %arg14[%dma_start3A_124, %dma_start3A_125, %dma_start3A_126] : memref<16x1x64xf32, #tpu.memory_space<vmem>> -> memref<1x1x64xf32, #tpu.memory_space<vmem>>
    %dma_start3A_128 = arith.constant 0 : i32
    %dma_start3A_129 = arith.constant 0 : i32
    %dma_start3A_130 = arith.constant 0 : i32
    %dma_start3A_131 = tpu.memref_slice %arg5[%dma_start3A_128, %dma_start3A_129, %dma_start3A_130] : memref<16384x1x64xf32, #tpu.memory_space<hbm>> -> memref<1x1x64xf32, #tpu.memory_space<hbm>>
    %dma_start3A_132 = arith.constant 5 : i32
    %dma_start3A_133 = arith.constant 0 : i32
    %dma_start3A_134 = arith.constant 0 : i32
    %dma_start3A_135 = tpu.memref_slice %arg14[%dma_start3A_132, %dma_start3A_133, %dma_start3A_134] : memref<16x1x64xf32, #tpu.memory_space<vmem>> -> memref<1x1x64xf32, #tpu.memory_space<vmem>>
    %dma_start3A_136 = arith.constant 0 : i32
    %dma_start3A_137 = arith.constant 0 : i32
    %dma_start3A_138 = arith.constant 0 : i32
    %dma_start3A_139 = tpu.memref_slice %arg5[%dma_start3A_136, %dma_start3A_137, %dma_start3A_138] : memref<16384x1x64xf32, #tpu.memory_space<hbm>> -> memref<1x1x64xf32, #tpu.memory_space<hbm>>
    tpu.enqueue_dma source(%dma_start3A_139 : memref<1x1x64xf32, #tpu.memory_space<hbm>>) target(%dma_start3A_135 : memref<1x1x64xf32, #tpu.memory_space<vmem>>) target_semaphore(%arg18 : memref<!tpu.dma_semaphore, #tpu.memory_space<semaphore_mem>>)
    %dma_start3A_140 = arith.constant 6 : i32
    %dma_start3A_141 = arith.constant 0 : i32
    %dma_start3A_142 = arith.constant 0 : i32
    %dma_start3A_143 = tpu.memref_slice %arg14[%dma_start3A_140, %dma_start3A_141, %dma_start3A_142] : memref<16x1x64xf32, #tpu.memory_space<vmem>> -> memref<1x1x64xf32, #tpu.memory_space<vmem>>
    %dma_start3A_144 = arith.constant 0 : i32
    %dma_start3A_145 = arith.constant 0 : i32
    %dma_start3A_146 = arith.constant 0 : i32
    %dma_start3A_147 = tpu.memref_slice %arg5[%dma_start3A_144, %dma_start3A_145, %dma_start3A_146] : memref<16384x1x64xf32, #tpu.memory_space<hbm>> -> memref<1x1x64xf32, #tpu.memory_space<hbm>>
    %dma_start3A_148 = arith.constant 6 : i32
    %dma_start3A_149 = arith.constant 0 : i32
    %dma_start3A_150 = arith.constant 0 : i32
    %dma_start3A_151 = tpu.memref_slice %arg14[%dma_start3A_148, %dma_start3A_149, %dma_start3A_150] : memref<16x1x64xf32, #tpu.memory_space<vmem>> -> memref<1x1x64xf32, #tpu.memory_space<vmem>>
    %dma_start3A_152 = arith.constant 0 : i32
    %dma_start3A_153 = arith.constant 0 : i32
    %dma_start3A_154 = arith.constant 0 : i32
    %dma_start3A_155 = tpu.memref_slice %arg5[%dma_start3A_152, %dma_start3A_153, %dma_start3A_154] : memref<16384x1x64xf32, #tpu.memory_space<hbm>> -> memref<1x1x64xf32, #tpu.memory_space<hbm>>
    tpu.enqueue_dma source(%dma_start3A_155 : memref<1x1x64xf32, #tpu.memory_space<hbm>>) target(%dma_start3A_151 : memref<1x1x64xf32, #tpu.memory_space<vmem>>) target_semaphore(%arg18 : memref<!tpu.dma_semaphore, #tpu.memory_space<semaphore_mem>>)
    %dma_start3A_156 = arith.constant 7 : i32
    %dma_start3A_157 = arith.constant 0 : i32
    %dma_start3A_158 = arith.constant 0 : i32
    %dma_start3A_159 = tpu.memref_slice %arg14[%dma_start3A_156, %dma_start3A_157, %dma_start3A_158] : memref<16x1x64xf32, #tpu.memory_space<vmem>> -> memref<1x1x64xf32, #tpu.memory_space<vmem>>
    %dma_start3A_160 = arith.constant 0 : i32
    %dma_start3A_161 = arith.constant 0 : i32
    %dma_start3A_162 = arith.constant 0 : i32
    %dma_start3A_163 = tpu.memref_slice %arg5[%dma_start3A_160, %dma_start3A_161, %dma_start3A_162] : memref<16384x1x64xf32, #tpu.memory_space<hbm>> -> memref<1x1x64xf32, #tpu.memory_space<hbm>>
    %dma_start3A_164 = arith.constant 7 : i32
    %dma_start3A_165 = arith.constant 0 : i32
    %dma_start3A_166 = arith.constant 0 : i32
    %dma_start3A_167 = tpu.memref_slice %arg14[%dma_start3A_164, %dma_start3A_165, %dma_start3A_166] : memref<16x1x64xf32, #tpu.memory_space<vmem>> -> memref<1x1x64xf32, #tpu.memory_space<vmem>>
    %dma_start3A_168 = arith.constant 0 : i32
    %dma_start3A_169 = arith.constant 0 : i32
    %dma_start3A_170 = arith.constant 0 : i32
    %dma_start3A_171 = tpu.memref_slice %arg5[%dma_start3A_168, %dma_start3A_169, %dma_start3A_170] : memref<16384x1x64xf32, #tpu.memory_space<hbm>> -> memref<1x1x64xf32, #tpu.memory_space<hbm>>
    tpu.enqueue_dma source(%dma_start3A_171 : memref<1x1x64xf32, #tpu.memory_space<hbm>>) target(%dma_start3A_167 : memref<1x1x64xf32, #tpu.memory_space<vmem>>) target_semaphore(%arg18 : memref<!tpu.dma_semaphore, #tpu.memory_space<semaphore_mem>>)
    %dma_start3A_172 = arith.constant 8 : i32
    %dma_start3A_173 = arith.constant 0 : i32
    %dma_start3A_174 = arith.constant 0 : i32
    %dma_start3A_175 = tpu.memref_slice %arg14[%dma_start3A_172, %dma_start3A_173, %dma_start3A_174] : memref<16x1x64xf32, #tpu.memory_space<vmem>> -> memref<1x1x64xf32, #tpu.memory_space<vmem>>
    %dma_start3A_176 = arith.constant 0 : i32
    %dma_start3A_177 = arith.constant 0 : i32
    %dma_start3A_178 = arith.constant 0 : i32
    %dma_start3A_179 = tpu.memref_slice %arg5[%dma_start3A_176, %dma_start3A_177, %dma_start3A_178] : memref<16384x1x64xf32, #tpu.memory_space<hbm>> -> memref<1x1x64xf32, #tpu.memory_space<hbm>>
    %dma_start3A_180 = arith.constant 8 : i32
    %dma_start3A_181 = arith.constant 0 : i32
    %dma_start3A_182 = arith.constant 0 : i32
    %dma_start3A_183 = tpu.memref_slice %arg14[%dma_start3A_180, %dma_start3A_181, %dma_start3A_182] : memref<16x1x64xf32, #tpu.memory_space<vmem>> -> memref<1x1x64xf32, #tpu.memory_space<vmem>>
    %dma_start3A_184 = arith.constant 0 : i32
    %dma_start3A_185 = arith.constant 0 : i32
    %dma_start3A_186 = arith.constant 0 : i32
    %dma_start3A_187 = tpu.memref_slice %arg5[%dma_start3A_184, %dma_start3A_185, %dma_start3A_186] : memref<16384x1x64xf32, #tpu.memory_space<hbm>> -> memref<1x1x64xf32, #tpu.memory_space<hbm>>
    tpu.enqueue_dma source(%dma_start3A_187 : memref<1x1x64xf32, #tpu.memory_space<hbm>>) target(%dma_start3A_183 : memref<1x1x64xf32, #tpu.memory_space<vmem>>) target_semaphore(%arg18 : memref<!tpu.dma_semaphore, #tpu.memory_space<semaphore_mem>>)
    %dma_start3A_188 = arith.constant 9 : i32
    %dma_start3A_189 = arith.constant 0 : i32
    %dma_start3A_190 = arith.constant 0 : i32
    %dma_start3A_191 = tpu.memref_slice %arg14[%dma_start3A_188, %dma_start3A_189, %dma_start3A_190] : memref<16x1x64xf32, #tpu.memory_space<vmem>> -> memref<1x1x64xf32, #tpu.memory_space<vmem>>
    %dma_start3A_192 = arith.constant 0 : i32
    %dma_start3A_193 = arith.constant 0 : i32
    %dma_start3A_194 = arith.constant 0 : i32
    %dma_start3A_195 = tpu.memref_slice %arg5[%dma_start3A_192, %dma_start3A_193, %dma_start3A_194] : memref<16384x1x64xf32, #tpu.memory_space<hbm>> -> memref<1x1x64xf32, #tpu.memory_space<hbm>>
    %dma_start3A_196 = arith.constant 9 : i32
    %dma_start3A_197 = arith.constant 0 : i32
    %dma_start3A_198 = arith.constant 0 : i32
    %dma_start3A_199 = tpu.memref_slice %arg14[%dma_start3A_196, %dma_start3A_197, %dma_start3A_198] : memref<16x1x64xf32, #tpu.memory_space<vmem>> -> memref<1x1x64xf32, #tpu.memory_space<vmem>>
    %dma_start3A_200 = arith.constant 0 : i32
    %dma_start3A_201 = arith.constant 0 : i32
    %dma_start3A_202 = arith.constant 0 : i32
    %dma_start3A_203 = tpu.memref_slice %arg5[%dma_start3A_200, %dma_start3A_201, %dma_start3A_202] : memref<16384x1x64xf32, #tpu.memory_space<hbm>> -> memref<1x1x64xf32, #tpu.memory_space<hbm>>
    tpu.enqueue_dma source(%dma_start3A_203 : memref<1x1x64xf32, #tpu.memory_space<hbm>>) target(%dma_start3A_199 : memref<1x1x64xf32, #tpu.memory_space<vmem>>) target_semaphore(%arg18 : memref<!tpu.dma_semaphore, #tpu.memory_space<semaphore_mem>>)
    %dma_start3A_204 = arith.constant 10 : i32
    %dma_start3A_205 = arith.constant 0 : i32
    %dma_start3A_206 = arith.constant 0 : i32
    %dma_start3A_207 = tpu.memref_slice %arg14[%dma_start3A_204, %dma_start3A_205, %dma_start3A_206] : memref<16x1x64xf32, #tpu.memory_space<vmem>> -> memref<1x1x64xf32, #tpu.memory_space<vmem>>
    %dma_start3A_208 = arith.constant 0 : i32
    %dma_start3A_209 = arith.constant 0 : i32
    %dma_start3A_210 = arith.constant 0 : i32
    %dma_start3A_211 = tpu.memref_slice %arg5[%dma_start3A_208, %dma_start3A_209, %dma_start3A_210] : memref<16384x1x64xf32, #tpu.memory_space<hbm>> -> memref<1x1x64xf32, #tpu.memory_space<hbm>>
    %dma_start3A_212 = arith.constant 10 : i32
    %dma_start3A_213 = arith.constant 0 : i32
    %dma_start3A_214 = arith.constant 0 : i32
    %dma_start3A_215 = tpu.memref_slice %arg14[%dma_start3A_212, %dma_start3A_213, %dma_start3A_214] : memref<16x1x64xf32, #tpu.memory_space<vmem>> -> memref<1x1x64xf32, #tpu.memory_space<vmem>>
    %dma_start3A_216 = arith.constant 0 : i32
    %dma_start3A_217 = arith.constant 0 : i32
    %dma_start3A_218 = arith.constant 0 : i32
    %dma_start3A_219 = tpu.memref_slice %arg5[%dma_start3A_216, %dma_start3A_217, %dma_start3A_218] : memref<16384x1x64xf32, #tpu.memory_space<hbm>> -> memref<1x1x64xf32, #tpu.memory_space<hbm>>
    tpu.enqueue_dma source(%dma_start3A_219 : memref<1x1x64xf32, #tpu.memory_space<hbm>>) target(%dma_start3A_215 : memref<1x1x64xf32, #tpu.memory_space<vmem>>) target_semaphore(%arg18 : memref<!tpu.dma_semaphore, #tpu.memory_space<semaphore_mem>>)
    %dma_start3A_220 = arith.constant 11 : i32
    %dma_start3A_221 = arith.constant 0 : i32
    %dma_start3A_222 = arith.constant 0 : i32
    %dma_start3A_223 = tpu.memref_slice %arg14[%dma_start3A_220, %dma_start3A_221, %dma_start3A_222] : memref<16x1x64xf32, #tpu.memory_space<vmem>> -> memref<1x1x64xf32, #tpu.memory_space<vmem>>
    %dma_start3A_224 = arith.constant 0 : i32
    %dma_start3A_225 = arith.constant 0 : i32
    %dma_start3A_226 = arith.constant 0 : i32
    %dma_start3A_227 = tpu.memref_slice %arg5[%dma_start3A_224, %dma_start3A_225, %dma_start3A_226] : memref<16384x1x64xf32, #tpu.memory_space<hbm>> -> memref<1x1x64xf32, #tpu.memory_space<hbm>>
    %dma_start3A_228 = arith.constant 11 : i32
    %dma_start3A_229 = arith.constant 0 : i32
    %dma_start3A_230 = arith.constant 0 : i32
    %dma_start3A_231 = tpu.memref_slice %arg14[%dma_start3A_228, %dma_start3A_229, %dma_start3A_230] : memref<16x1x64xf32, #tpu.memory_space<vmem>> -> memref<1x1x64xf32, #tpu.memory_space<vmem>>
    %dma_start3A_232 = arith.constant 0 : i32
    %dma_start3A_233 = arith.constant 0 : i32
    %dma_start3A_234 = arith.constant 0 : i32
    %dma_start3A_235 = tpu.memref_slice %arg5[%dma_start3A_232, %dma_start3A_233, %dma_start3A_234] : memref<16384x1x64xf32, #tpu.memory_space<hbm>> -> memref<1x1x64xf32, #tpu.memory_space<hbm>>
    tpu.enqueue_dma source(%dma_start3A_235 : memref<1x1x64xf32, #tpu.memory_space<hbm>>) target(%dma_start3A_231 : memref<1x1x64xf32, #tpu.memory_space<vmem>>) target_semaphore(%arg18 : memref<!tpu.dma_semaphore, #tpu.memory_space<semaphore_mem>>)
    %dma_start3A_236 = arith.constant 12 : i32
    %dma_start3A_237 = arith.constant 0 : i32
    %dma_start3A_238 = arith.constant 0 : i32
    %dma_start3A_239 = tpu.memref_slice %arg14[%dma_start3A_236, %dma_start3A_237, %dma_start3A_238] : memref<16x1x64xf32, #tpu.memory_space<vmem>> -> memref<1x1x64xf32, #tpu.memory_space<vmem>>
    %dma_start3A_240 = arith.constant 0 : i32
    %dma_start3A_241 = arith.constant 0 : i32
    %dma_start3A_242 = arith.constant 0 : i32
    %dma_start3A_243 = tpu.memref_slice %arg5[%dma_start3A_240, %dma_start3A_241, %dma_start3A_242] : memref<16384x1x64xf32, #tpu.memory_space<hbm>> -> memref<1x1x64xf32, #tpu.memory_space<hbm>>
    %dma_start3A_244 = arith.constant 12 : i32
    %dma_start3A_245 = arith.constant 0 : i32
    %dma_start3A_246 = arith.constant 0 : i32
    %dma_start3A_247 = tpu.memref_slice %arg14[%dma_start3A_244, %dma_start3A_245, %dma_start3A_246] : memref<16x1x64xf32, #tpu.memory_space<vmem>> -> memref<1x1x64xf32, #tpu.memory_space<vmem>>
    %dma_start3A_248 = arith.constant 0 : i32
    %dma_start3A_249 = arith.constant 0 : i32
    %dma_start3A_250 = arith.constant 0 : i32
    %dma_start3A_251 = tpu.memref_slice %arg5[%dma_start3A_248, %dma_start3A_249, %dma_start3A_250] : memref<16384x1x64xf32, #tpu.memory_space<hbm>> -> memref<1x1x64xf32, #tpu.memory_space<hbm>>
    tpu.enqueue_dma source(%dma_start3A_251 : memref<1x1x64xf32, #tpu.memory_space<hbm>>) target(%dma_start3A_247 : memref<1x1x64xf32, #tpu.memory_space<vmem>>) target_semaphore(%arg18 : memref<!tpu.dma_semaphore, #tpu.memory_space<semaphore_mem>>)
    %dma_start3A_252 = arith.constant 13 : i32
    %dma_start3A_253 = arith.constant 0 : i32
    %dma_start3A_254 = arith.constant 0 : i32
    %dma_start3A_255 = tpu.memref_slice %arg14[%dma_start3A_252, %dma_start3A_253, %dma_start3A_254] : memref<16x1x64xf32, #tpu.memory_space<vmem>> -> memref<1x1x64xf32, #tpu.memory_space<vmem>>
    %dma_start3A_256 = arith.constant 0 : i32
    %dma_start3A_257 = arith.constant 0 : i32
    %dma_start3A_258 = arith.constant 0 : i32
    %dma_start3A_259 = tpu.memref_slice %arg5[%dma_start3A_256, %dma_start3A_257, %dma_start3A_258] : memref<16384x1x64xf32, #tpu.memory_space<hbm>> -> memref<1x1x64xf32, #tpu.memory_space<hbm>>
    %dma_start3A_260 = arith.constant 13 : i32
    %dma_start3A_261 = arith.constant 0 : i32
    %dma_start3A_262 = arith.constant 0 : i32
    %dma_start3A_263 = tpu.memref_slice %arg14[%dma_start3A_260, %dma_start3A_261, %dma_start3A_262] : memref<16x1x64xf32, #tpu.memory_space<vmem>> -> memref<1x1x64xf32, #tpu.memory_space<vmem>>
    %dma_start3A_264 = arith.constant 0 : i32
    %dma_start3A_265 = arith.constant 0 : i32
    %dma_start3A_266 = arith.constant 0 : i32
    %dma_start3A_267 = tpu.memref_slice %arg5[%dma_start3A_264, %dma_start3A_265, %dma_start3A_266] : memref<16384x1x64xf32, #tpu.memory_space<hbm>> -> memref<1x1x64xf32, #tpu.memory_space<hbm>>
    tpu.enqueue_dma source(%dma_start3A_267 : memref<1x1x64xf32, #tpu.memory_space<hbm>>) target(%dma_start3A_263 : memref<1x1x64xf32, #tpu.memory_space<vmem>>) target_semaphore(%arg18 : memref<!tpu.dma_semaphore, #tpu.memory_space<semaphore_mem>>)
    %dma_start3A_268 = arith.constant 14 : i32
    %dma_start3A_269 = arith.constant 0 : i32
    %dma_start3A_270 = arith.constant 0 : i32
    %dma_start3A_271 = tpu.memref_slice %arg14[%dma_start3A_268, %dma_start3A_269, %dma_start3A_270] : memref<16x1x64xf32, #tpu.memory_space<vmem>> -> memref<1x1x64xf32, #tpu.memory_space<vmem>>
    %dma_start3A_272 = arith.constant 0 : i32
    %dma_start3A_273 = arith.constant 0 : i32
    %dma_start3A_274 = arith.constant 0 : i32
    %dma_start3A_275 = tpu.memref_slice %arg5[%dma_start3A_272, %dma_start3A_273, %dma_start3A_274] : memref<16384x1x64xf32, #tpu.memory_space<hbm>> -> memref<1x1x64xf32, #tpu.memory_space<hbm>>
    %dma_start3A_276 = arith.constant 14 : i32
    %dma_start3A_277 = arith.constant 0 : i32
    %dma_start3A_278 = arith.constant 0 : i32
    %dma_start3A_279 = tpu.memref_slice %arg14[%dma_start3A_276, %dma_start3A_277, %dma_start3A_278] : memref<16x1x64xf32, #tpu.memory_space<vmem>> -> memref<1x1x64xf32, #tpu.memory_space<vmem>>
    %dma_start3A_280 = arith.constant 0 : i32
    %dma_start3A_281 = arith.constant 0 : i32
    %dma_start3A_282 = arith.constant 0 : i32
    %dma_start3A_283 = tpu.memref_slice %arg5[%dma_start3A_280, %dma_start3A_281, %dma_start3A_282] : memref<16384x1x64xf32, #tpu.memory_space<hbm>> -> memref<1x1x64xf32, #tpu.memory_space<hbm>>
    tpu.enqueue_dma source(%dma_start3A_283 : memref<1x1x64xf32, #tpu.memory_space<hbm>>) target(%dma_start3A_279 : memref<1x1x64xf32, #tpu.memory_space<vmem>>) target_semaphore(%arg18 : memref<!tpu.dma_semaphore, #tpu.memory_space<semaphore_mem>>)
    %dma_start3A_284 = arith.constant 15 : i32
    %dma_start3A_285 = arith.constant 0 : i32
    %dma_start3A_286 = arith.constant 0 : i32
    %dma_start3A_287 = tpu.memref_slice %arg14[%dma_start3A_284, %dma_start3A_285, %dma_start3A_286] : memref<16x1x64xf32, #tpu.memory_space<vmem>> -> memref<1x1x64xf32, #tpu.memory_space<vmem>>
    %dma_start3A_288 = arith.constant 0 : i32
    %dma_start3A_289 = arith.constant 0 : i32
    %dma_start3A_290 = arith.constant 0 : i32
    %dma_start3A_291 = tpu.memref_slice %arg5[%dma_start3A_288, %dma_start3A_289, %dma_start3A_290] : memref<16384x1x64xf32, #tpu.memory_space<hbm>> -> memref<1x1x64xf32, #tpu.memory_space<hbm>>
    %dma_start3A_292 = arith.constant 15 : i32
    %dma_start3A_293 = arith.constant 0 : i32
    %dma_start3A_294 = arith.constant 0 : i32
    %dma_start3A_295 = tpu.memref_slice %arg14[%dma_start3A_292, %dma_start3A_293, %dma_start3A_294] : memref<16x1x64xf32, #tpu.memory_space<vmem>> -> memref<1x1x64xf32, #tpu.memory_space<vmem>>
    %dma_start3A_296 = arith.constant 0 : i32
    %dma_start3A_297 = arith.constant 0 : i32
    %dma_start3A_298 = arith.constant 0 : i32
    %dma_start3A_299 = tpu.memref_slice %arg5[%dma_start3A_296, %dma_start3A_297, %dma_start3A_298] : memref<16384x1x64xf32, #tpu.memory_space<hbm>> -> memref<1x1x64xf32, #tpu.memory_space<hbm>>
    tpu.enqueue_dma source(%dma_start3A_299 : memref<1x1x64xf32, #tpu.memory_space<hbm>>) target(%dma_start3A_295 : memref<1x1x64xf32, #tpu.memory_space<vmem>>) target_semaphore(%arg18 : memref<!tpu.dma_semaphore, #tpu.memory_space<semaphore_mem>>)
    "tpu.region"() ({
      %run_scoped3A = tpu.sem_alloc : memref<!tpu.dma_semaphore, #tpu.memory_space<semaphore_mem>>
      tpu.enqueue_dma source(%arg2 : memref<16384xi32, #tpu.memory_space<hbm>>) target(%arg6 : memref<16384xi32, #tpu.memory_space<vmem>>) target_semaphore(%run_scoped3A : memref<!tpu.dma_semaphore, #tpu.memory_space<semaphore_mem>>)
      tpu.wait_dma2 semaphore(%run_scoped3A : memref<!tpu.dma_semaphore, #tpu.memory_space<semaphore_mem>>) src(%arg2 : memref<16384xi32, #tpu.memory_space<hbm>>) dst(%arg6 : memref<16384xi32, #tpu.memory_space<vmem>>)
      tpu.yield
    }) : () -> ()
    "tpu.region"() ({
      %run_scoped3A = tpu.sem_alloc : memref<!tpu.dma_semaphore, #tpu.memory_space<semaphore_mem>>
      tpu.enqueue_dma source(%arg4 : memref<64x64xf32, #tpu.memory_space<hbm>>) target(%arg13 : memref<64x64xf32, #tpu.memory_space<vmem>>) target_semaphore(%run_scoped3A : memref<!tpu.dma_semaphore, #tpu.memory_space<semaphore_mem>>)
      tpu.wait_dma2 semaphore(%run_scoped3A : memref<!tpu.dma_semaphore, #tpu.memory_space<semaphore_mem>>) src(%arg4 : memref<64x64xf32, #tpu.memory_space<hbm>>) dst(%arg13 : memref<64x64xf32, #tpu.memory_space<vmem>>)
      tpu.yield
    }) : () -> ()
    %scan3A = arith.constant 0 : i32
    %scan3A_300 = arith.constant 0 : i32
    %scan3A_301 = arith.constant 1024 : i32
    %scan3A_302 = arith.addi %scan3A_300, %scan3A_301 : i32
    %scan3A_303 = arith.constant 1 : i32
    %scan3A_304 = scf.for %scan3A_630 = %scan3A_300 to %scan3A_302 step %scan3A_303 iter_args(%scan3A_631 = %scan3A) -> (i32)  : i32 {
      %mul3A_632 = arith.constant 1 : i32
      %mul3A_633 = arith.muli %scan3A_630, %mul3A_632 : i32
      %add3A_634 = arith.constant 0 : i32
      %add3A_635 = arith.addi %add3A_634, %mul3A_633 : i32
      %mul3A_636 = arith.constant 16 : i32
      %mul3A_637 = arith.muli %add3A_635, %mul3A_636 : i32
      %get3A = arith.index_cast %mul3A_637 : i32 to index
      %get3A_638 = tpu.vector_load %arg6[%get3A] {strides = array<i32>} : memref<16384xi32, #tpu.memory_space<vmem>>, vector<16xi32>,
      %mul3A_639 = arith.constant 16 : i32
      %mul3A_640 = arith.muli %add3A_635, %mul3A_639 : i32
      %add3A_641 = vector.broadcast %mul3A_640 : i32 to vector<16xi32>
      %add3A_642 = arith.addi %iota3A, %add3A_641 : vector<16xi32>
      %shift_right_arithmetic3A_643 = arith.constant 8 : i32
      %shift_right_arithmetic3A_644 = vector.broadcast %shift_right_arithmetic3A_643 : i32 to vector<16xi32>
      %shift_right_arithmetic3A_645 = arith.shrsi %get3A_638, %shift_right_arithmetic3A_644 : vector<16xi32>
      %and3A = arith.constant 31 : i32
      %and3A_646 = vector.broadcast %and3A : i32 to vector<16xi32>
      %and3A_647 = arith.andi %shift_right_arithmetic3A_645, %and3A_646 : vector<16xi32>
      %eq3A = vector.broadcast %add3A : i32 to vector<16xi32>
      %eq3A_648 = arith.cmpi eq, %and3A_647, %eq3A : vector<16xi32>
      %jit3A_649 = arith.constant 1 : i32
      %jit3A_650 = arith.constant 0 : i32
      %broadcast_in_dim3A = vector.broadcast %jit3A_649 : i32 to vector<16xi32>
      %broadcast_in_dim3A_651 = vector.broadcast %jit3A_650 : i32 to vector<16xi32>
      %select_n3A_652 = arith.select %eq3A_648, %broadcast_in_dim3A, %broadcast_in_dim3A_651 : vector<16xi1>, vector<16xi32>
      %broadcast_in_dim3A_653 = arith.constant true
      %broadcast_in_dim3A_654 = vector.broadcast %broadcast_in_dim3A_653 : i1 to vector<16xi1>
      %masked_cumsum3A = tpu.scan <sum>, %select_n3A_652 masked %broadcast_in_dim3A_654 : vector<16xi32>, vector<16xi1> -> vector<16xi32>
      %add3A_655 = vector.broadcast %scan3A_631 : i32 to vector<16xi32>
      %add3A_656 = arith.addi %add3A_655, %masked_cumsum3A : vector<16xi32>
      %sub3A_657 = arith.constant 1 : i32
      %sub3A_658 = vector.broadcast %sub3A_657 : i32 to vector<16xi32>
      %sub3A_659 = arith.subi %add3A_656, %sub3A_658 : vector<16xi32>
      %jit3A_660 = arith.constant 0 : i32
      %broadcast_in_dim3A_661 = vector.broadcast %jit3A_660 : i32 to vector<16xi32>
      %select_n3A_662 = arith.select %eq3A_648, %sub3A_659, %broadcast_in_dim3A_661 : vector<16xi1>, vector<16xi32>
      tpu.vector_store_idx %arg7[%select_n3A_662], %get3A_638 masked %eq3A_648 : memref<16400xi32, #tpu.memory_space<vmem>>[vector<16xi32>], vector<16xi32>, vector<16xi1>
      %all_reduce_population_count3A = tpu.all_reduce %eq3A_648 {dim = 0 : i64, kind = #tpu.reduction_kind<sum>} : vector<16xi1> -> vector<16xi32>
      %slice3A = vector.extract_strided_slice %all_reduce_population_count3A {offsets = [0], sizes = [1], strides = [1]} : vector<16xi32> to vector<1xi32>
      %squeeze3A = vector.extract %slice3A[0] : i32 from vector<1xi32>
      %jit3A_663 = arith.constant 1 : i32
      %jit3A_664 = arith.constant 0 : i32
      %broadcast_in_dim3A_665 = vector.broadcast %jit3A_663 : i32 to vector<16xi32>
      %broadcast_in_dim3A_666 = vector.broadcast %jit3A_664 : i32 to vector<16xi32>
      %select_n3A_667 = arith.select %eq3A_648, %broadcast_in_dim3A_665, %broadcast_in_dim3A_666 : vector<16xi1>, vector<16xi32>
      %broadcast_in_dim3A_668 = arith.constant true
      %broadcast_in_dim3A_669 = vector.broadcast %broadcast_in_dim3A_668 : i1 to vector<16xi1>
      %masked_cumsum3A_670 = tpu.scan <sum>, %select_n3A_667 masked %broadcast_in_dim3A_669 : vector<16xi32>, vector<16xi1> -> vector<16xi32>
      %add3A_671 = vector.broadcast %scan3A_631 : i32 to vector<16xi32>
      %add3A_672 = arith.addi %add3A_671, %masked_cumsum3A_670 : vector<16xi32>
      %sub3A_673 = arith.constant 1 : i32
      %sub3A_674 = vector.broadcast %sub3A_673 : i32 to vector<16xi32>
      %sub3A_675 = arith.subi %add3A_672, %sub3A_674 : vector<16xi32>
      %jit3A_676 = arith.constant 0 : i32
      %broadcast_in_dim3A_677 = vector.broadcast %jit3A_676 : i32 to vector<16xi32>
      %select_n3A_678 = arith.select %eq3A_648, %sub3A_675, %broadcast_in_dim3A_677 : vector<16xi1>, vector<16xi32>
      tpu.vector_store_idx %arg8[%select_n3A_678], %add3A_642 masked %eq3A_648 : memref<16400xi32, #tpu.memory_space<vmem>>[vector<16xi32>], vector<16xi32>, vector<16xi1>
      %all_reduce_population_count3A_679 = tpu.all_reduce %eq3A_648 {dim = 0 : i64, kind = #tpu.reduction_kind<sum>} : vector<16xi1> -> vector<16xi32>
      %slice3A_680 = vector.extract_strided_slice %all_reduce_population_count3A_679 {offsets = [0], sizes = [1], strides = [1]} : vector<16xi32> to vector<1xi32>
      %squeeze3A_681 = vector.extract %slice3A_680[0] : i32 from vector<1xi32>
      %add3A_682 = arith.addi %scan3A_631, %squeeze3A_681 : i32
      scf.yield %add3A_682 : i32
    }
    %scan3A_305 = arith.constant 1024 : i32
    %add3A_306 = arith.constant 15 : i32
    %add3A_307 = arith.addi %scan3A_304, %add3A_306 : i32
    %shift_right_arithmetic3A = arith.constant 4 : i32
    %shift_right_arithmetic3A_308 = arith.shrsi %add3A_307, %shift_right_arithmetic3A : i32
    %scan3A_309 = arith.constant 0 : i32
    %scan3A_310 = arith.constant 0 : i32
    %scan3A_311 = arith.constant 41 : i32
    %scan3A_312 = arith.addi %scan3A_310, %scan3A_311 : i32
    %scan3A_313 = arith.constant 1 : i32
    %scan3A_314 = scf.for %scan3A_630 = %scan3A_310 to %scan3A_312 step %scan3A_313 iter_args(%scan3A_631 = %scan3A_309) -> (i32)  : i32 {
      %mul3A_632 = arith.constant 1 : i32
      %mul3A_633 = arith.muli %scan3A_630, %mul3A_632 : i32
      %add3A_634 = arith.constant 0 : i32
      %add3A_635 = arith.addi %add3A_634, %mul3A_633 : i32
      %mul3A_636 = arith.constant 3 : i32
      %mul3A_637 = arith.muli %mul3A_636, %add3A_635 : i32
      %add3A_638 = arith.constant 0 : i32
      %add3A_639 = arith.addi %mul3A_637, %add3A_638 : i32
      %dma_wait3A_640 = arith.constant 0 : i32
      %dma_wait3A_641 = arith.constant 0 : i32
      %dma_wait3A_642 = tpu.memref_slice %arg3[%dma_wait3A_640, %dma_wait3A_641] : memref<64x1000000xf32, #tpu.memory_space<hbm>> -> memref<64x256xf32, #tpu.memory_space<hbm>>
      %dma_wait3A_643 = arith.constant 0 : i32
      %dma_wait3A_644 = arith.constant 0 : i32
      %dma_wait3A_645 = tpu.memref_slice %arg3[%dma_wait3A_643, %dma_wait3A_644] : memref<64x1000000xf32, #tpu.memory_space<hbm>> -> memref<64x256xf32, #tpu.memory_space<hbm>>
      tpu.wait_dma2 semaphore(%arg15 : memref<!tpu.dma_semaphore, #tpu.memory_space<semaphore_mem>>) src(%dma_wait3A_645 : memref<64x256xf32, #tpu.memory_space<hbm>>) dst(%arg10 : memref<64x256xf32, #tpu.memory_space<vmem>>)
      %lt3A_646 = arith.cmpi slt, %add3A_639, %select_n3A : i32
      %mul3A_647 = arith.constant 32 : i32
      %mul3A_648 = arith.muli %add3A_639, %mul3A_647 : i32
      %add3A_649 = arith.addi %add3A, %mul3A_648 : i32
      %jit3A_650 = arith.constant -1 : i32
      %select_n3A_651 = arith.select %lt3A_646, %add3A_649, %jit3A_650 : i32
      %sub3A_652 = arith.constant 0 : i32
      %sub3A_653 = arith.subi %shift_right_arithmetic3A_308, %sub3A_652 : i32
      %sub3A_654 = arith.constant 1 : i32
      %sub3A_655 = arith.constant 1 : i32
      %sub3A_656 = arith.subi %sub3A_654, %sub3A_655 : i32
      %add3A_657 = arith.addi %sub3A_653, %sub3A_656 : i32
      %div3A_658 = arith.constant 1 : i32
      %div3A_659 = arith.divsi %add3A_657, %div3A_658 : i32
      %while3A_660 = arith.constant 1 : i32
      %while3A_661 = arith.constant 0 : i32
      %while3A_662 = arith.constant 0 : i32
      %while3A_663 = arith.constant 0 : i32
      %while3A_664 = arith.subi %div3A_659, %while3A_662 : i32
      %while3A_665 = arith.addi %while3A_662, %while3A_664 : i32
      %while3A_666 = arith.constant 1 : i32
      %while3A_667 = arith.divsi %while3A_664, %while3A_666 : i32
      %while3A_668 = arith.muli %while3A_667, %while3A_666 : i32
      %while3A_669 = arith.addi %while3A_662, %while3A_668 : i32
      %while3A_670 = arith.constant 1 : i32
      %while3A_671 = scf.for %while3A_855 = %while3A_662 to %while3A_669 step %while3A_670 iter_args(%while3A_856 = %while3A_663) -> (i32)  : i32 {
        %mul3A_857 = arith.muli %while3A_855, %while3A_660 : i32
        %add3A_858 = arith.addi %while3A_661, %mul3A_857 : i32
        %mul3A_859 = arith.constant 16 : i32
        %mul3A_860 = arith.muli %add3A_858, %mul3A_859 : i32
        %get3A = arith.index_cast %mul3A_860 : i32 to index
        %get3A_861 = tpu.vector_load %arg7[%get3A] {strides = array<i32>} : memref<16400xi32, #tpu.memory_space<vmem>>, vector<16xi32>,
        %mul3A_862 = arith.constant 16 : i32
        %mul3A_863 = arith.muli %add3A_858, %mul3A_862 : i32
        %get3A_864 = arith.index_cast %mul3A_863 : i32 to index
        %get3A_865 = tpu.vector_load %arg8[%get3A_864] {strides = array<i32>} : memref<16400xi32, #tpu.memory_space<vmem>>, vector<16xi32>,
        %shift_right_arithmetic3A_866 = arith.constant 8 : i32
        %shift_right_arithmetic3A_867 = vector.broadcast %shift_right_arithmetic3A_866 : i32 to vector<16xi32>
        %shift_right_arithmetic3A_868 = arith.shrsi %get3A_861, %shift_right_arithmetic3A_867 : vector<16xi32>
        %eq3A = vector.broadcast %select_n3A_651 : i32 to vector<16xi32>
        %eq3A_869 = arith.cmpi eq, %shift_right_arithmetic3A_868, %eq3A : vector<16xi32>
        %mul3A_870 = arith.constant 16 : i32
        %mul3A_871 = arith.muli %add3A_858, %mul3A_870 : i32
        %add3A_872 = vector.broadcast %mul3A_871 : i32 to vector<16xi32>
        %add3A_873 = arith.addi %iota3A, %add3A_872 : vector<16xi32>
        %lt3A_874 = vector.broadcast %scan3A_304 : i32 to vector<16xi32>
        %lt3A_875 = arith.cmpi slt, %add3A_873, %lt3A_874 : vector<16xi32>
        %and3A = arith.andi %eq3A_869, %lt3A_875 : vector<16xi1>
        %and3A_876 = arith.constant 255 : i32
        %and3A_877 = vector.broadcast %and3A_876 : i32 to vector<16xi32>
        %and3A_878 = arith.andi %get3A_861, %and3A_877 : vector<16xi32>
        %shift_left3A = arith.constant 14 : i32
        %shift_left3A_879 = vector.broadcast %shift_left3A : i32 to vector<16xi32>
        %shift_left3A_880 = arith.shli %and3A_878, %shift_left3A_879 : vector<16xi32>
        %or3A = arith.ori %shift_left3A_880, %get3A_865 : vector<16xi32>
        %jit3A_881 = arith.constant 1 : i32
        %jit3A_882 = arith.constant 0 : i32
        %broadcast_in_dim3A = vector.broadcast %jit3A_881 : i32 to vector<16xi32>
        %broadcast_in_dim3A_883 = vector.broadcast %jit3A_882 : i32 to vector<16xi32>
        %select_n3A_884 = arith.select %and3A, %broadcast_in_dim3A, %broadcast_in_dim3A_883 : vector<16xi1>, vector<16xi32>
        %broadcast_in_dim3A_885 = arith.constant true
        %broadcast_in_dim3A_886 = vector.broadcast %broadcast_in_dim3A_885 : i1 to vector<16xi1>
        %masked_cumsum3A = tpu.scan <sum>, %select_n3A_884 masked %broadcast_in_dim3A_886 : vector<16xi32>, vector<16xi1> -> vector<16xi32>
        %add3A_887 = vector.broadcast %while3A_856 : i32 to vector<16xi32>
        %add3A_888 = arith.addi %add3A_887, %masked_cumsum3A : vector<16xi32>
        %sub3A_889 = arith.constant 1 : i32
        %sub3A_890 = vector.broadcast %sub3A_889 : i32 to vector<16xi32>
        %sub3A_891 = arith.subi %add3A_888, %sub3A_890 : vector<16xi32>
        %jit3A_892 = arith.constant 0 : i32
        %broadcast_in_dim3A_893 = vector.broadcast %jit3A_892 : i32 to vector<16xi32>
        %select_n3A_894 = arith.select %and3A, %sub3A_891, %broadcast_in_dim3A_893 : vector<16xi1>, vector<16xi32>
        tpu.vector_store_idx %arg9[%select_n3A_894], %or3A masked %and3A : memref<16400xi32, #tpu.memory_space<vmem>>[vector<16xi32>], vector<16xi32>, vector<16xi1>
        %all_reduce_population_count3A = tpu.all_reduce %and3A {dim = 0 : i64, kind = #tpu.reduction_kind<sum>} : vector<16xi1> -> vector<16xi32>
        %slice3A = vector.extract_strided_slice %all_reduce_population_count3A {offsets = [0], sizes = [1], strides = [1]} : vector<16xi32> to vector<1xi32>
        %squeeze3A = vector.extract %slice3A[0] : i32 from vector<1xi32>
        %add3A_895 = arith.addi %while3A_856, %squeeze3A : i32
        scf.yield %add3A_895 : i32
      }
      %while3A_672 = arith.constant 1 : i32
      %while3A_673 = scf.for %while3A_855 = %while3A_669 to %while3A_665 step %while3A_672 iter_args(%while3A_856 = %while3A_671) -> (i32)  : i32 {
        %mul3A_857 = arith.muli %while3A_855, %while3A_660 : i32
        %add3A_858 = arith.addi %while3A_661, %mul3A_857 : i32
        %mul3A_859 = arith.constant 16 : i32
        %mul3A_860 = arith.muli %add3A_858, %mul3A_859 : i32
        %get3A = arith.index_cast %mul3A_860 : i32 to index
        %get3A_861 = tpu.vector_load %arg7[%get3A] {strides = array<i32>} : memref<16400xi32, #tpu.memory_space<vmem>>, vector<16xi32>,
        %mul3A_862 = arith.constant 16 : i32
        %mul3A_863 = arith.muli %add3A_858, %mul3A_862 : i32
        %get3A_864 = arith.index_cast %mul3A_863 : i32 to index
        %get3A_865 = tpu.vector_load %arg8[%get3A_864] {strides = array<i32>} : memref<16400xi32, #tpu.memory_space<vmem>>, vector<16xi32>,
        %shift_right_arithmetic3A_866 = arith.constant 8 : i32
        %shift_right_arithmetic3A_867 = vector.broadcast %shift_right_arithmetic3A_866 : i32 to vector<16xi32>
        %shift_right_arithmetic3A_868 = arith.shrsi %get3A_861, %shift_right_arithmetic3A_867 : vector<16xi32>
        %eq3A = vector.broadcast %select_n3A_651 : i32 to vector<16xi32>
        %eq3A_869 = arith.cmpi eq, %shift_right_arithmetic3A_868, %eq3A : vector<16xi32>
        %mul3A_870 = arith.constant 16 : i32
        %mul3A_871 = arith.muli %add3A_858, %mul3A_870 : i32
        %add3A_872 = vector.broadcast %mul3A_871 : i32 to vector<16xi32>
        %add3A_873 = arith.addi %iota3A, %add3A_872 : vector<16xi32>
        %lt3A_874 = vector.broadcast %scan3A_304 : i32 to vector<16xi32>
        %lt3A_875 = arith.cmpi slt, %add3A_873, %lt3A_874 : vector<16xi32>
        %and3A = arith.andi %eq3A_869, %lt3A_875 : vector<16xi1>
        %and3A_876 = arith.constant 255 : i32
        %and3A_877 = vector.broadcast %and3A_876 : i32 to vector<16xi32>
        %and3A_878 = arith.andi %get3A_861, %and3A_877 : vector<16xi32>
        %shift_left3A = arith.constant 14 : i32
        %shift_left3A_879 = vector.broadcast %shift_left3A : i32 to vector<16xi32>
        %shift_left3A_880 = arith.shli %and3A_878, %shift_left3A_879 : vector<16xi32>
        %or3A = arith.ori %shift_left3A_880, %get3A_865 : vector<16xi32>
        %jit3A_881 = arith.constant 1 : i32
        %jit3A_882 = arith.constant 0 : i32
        %broadcast_in_dim3A = vector.broadcast %jit3A_881 : i32 to vector<16xi32>
        %broadcast_in_dim3A_883 = vector.broadcast %jit3A_882 : i32 to vector<16xi32>
        %select_n3A_884 = arith.select %and3A, %broadcast_in_dim3A, %broadcast_in_dim3A_883 : vector<16xi1>, vector<16xi32>
        %broadcast_in_dim3A_885 = arith.constant true
        %broadcast_in_dim3A_886 = vector.broadcast %broadcast_in_dim3A_885 : i1 to vector<16xi1>
        %masked_cumsum3A = tpu.scan <sum>, %select_n3A_884 masked %broadcast_in_dim3A_886 : vector<16xi32>, vector<16xi1> -> vector<16xi32>
        %add3A_887 = vector.broadcast %while3A_856 : i32 to vector<16xi32>
        %add3A_888 = arith.addi %add3A_887, %masked_cumsum3A : vector<16xi32>
        %sub3A_889 = arith.constant 1 : i32
        %sub3A_890 = vector.broadcast %sub3A_889 : i32 to vector<16xi32>
        %sub3A_891 = arith.subi %add3A_888, %sub3A_890 : vector<16xi32>
        %jit3A_892 = arith.constant 0 : i32
        %broadcast_in_dim3A_893 = vector.broadcast %jit3A_892 : i32 to vector<16xi32>
        %select_n3A_894 = arith.select %and3A, %sub3A_891, %broadcast_in_dim3A_893 : vector<16xi1>, vector<16xi32>
        tpu.vector_store_idx %arg9[%select_n3A_894], %or3A masked %and3A : memref<16400xi32, #tpu.memory_space<vmem>>[vector<16xi32>], vector<16xi32>, vector<16xi1>
        %all_reduce_population_count3A = tpu.all_reduce %and3A {dim = 0 : i64, kind = #tpu.reduction_kind<sum>} : vector<16xi1> -> vector<16xi32>
        %slice3A = vector.extract_strided_slice %all_reduce_population_count3A {offsets = [0], sizes = [1], strides = [1]} : vector<16xi32> to vector<1xi32>
        %squeeze3A = vector.extract %slice3A[0] : i32 from vector<1xi32>
        %add3A_895 = arith.addi %while3A_856, %squeeze3A : i32
        scf.yield %add3A_895 : i32
      }
      %sub3A_674 = arith.constant 0 : i32
      %sub3A_675 = arith.subi %while3A_673, %sub3A_674 : i32
      %sub3A_676 = arith.constant 1 : i32
      %sub3A_677 = arith.constant 1 : i32
      %sub3A_678 = arith.subi %sub3A_676, %sub3A_677 : i32
      %add3A_679 = arith.addi %sub3A_675, %sub3A_678 : i32
      %div3A_680 = arith.constant 1 : i32
      %div3A_681 = arith.divsi %add3A_679, %div3A_680 : i32
      %while3A_682 = arith.constant 1 : i32
      %while3A_683 = arith.constant 0 : i32
      %while3A_684 = arith.constant 0 : i32
      %while3A_685 = arith.subi %div3A_681, %while3A_684 : i32
      %while3A_686 = arith.addi %while3A_684, %while3A_685 : i32
      %while3A_687 = arith.constant 1 : i32
      %while3A_688 = arith.divsi %while3A_685, %while3A_687 : i32
      %while3A_689 = arith.muli %while3A_688, %while3A_687 : i32
      %while3A_690 = arith.addi %while3A_684, %while3A_689 : i32
      %while3A_691 = arith.constant 1 : i32
      %while3A_692 = scf.for %while3A_855 = %while3A_684 to %while3A_690 step %while3A_691 iter_args(%while3A_856 = %scan3A_631) -> (i32)  : i32 {
        %mul3A_857 = arith.muli %while3A_855, %while3A_682 : i32
        %add3A_858 = arith.addi %while3A_683, %mul3A_857 : i32
        %broadcast_in_dim3A = vector.broadcast %add3A_858 : i32 to vector<16xi32>
        %gather3A = tpu.vector_load_idx %arg9[%broadcast_in_dim3A] : memref<16400xi32, #tpu.memory_space<vmem>>[vector<16xi32>], vector<16xi32>,
        %shift_right_arithmetic3A_859 = arith.constant 14 : i32
        %shift_right_arithmetic3A_860 = vector.broadcast %shift_right_arithmetic3A_859 : i32 to vector<16xi32>
        %shift_right_arithmetic3A_861 = arith.shrsi %gather3A, %shift_right_arithmetic3A_860 : vector<16xi32>
        %slice3A = vector.extract_strided_slice %gather3A {offsets = [0], sizes = [1], strides = [1]} : vector<16xi32> to vector<1xi32>
        %squeeze3A = vector.extract %slice3A[0] : i32 from vector<1xi32>
        %and3A = arith.constant 16383 : i32
        %and3A_862 = arith.andi %squeeze3A, %and3A : i32
        %and3A_863 = arith.constant 15 : i32
        %and3A_864 = arith.andi %while3A_856, %and3A_863 : i32
        %dma_wait3A_865 = arith.constant 0 : i32
        %dma_wait3A_866 = arith.constant 0 : i32
        %dma_wait3A_867 = arith.constant 0 : i32
        %dma_wait3A_868 = tpu.memref_slice %arg14[%dma_wait3A_865, %dma_wait3A_866, %dma_wait3A_867] : memref<16x1x64xf32, #tpu.memory_space<vmem>> -> memref<1x1x64xf32, #tpu.memory_space<vmem>>
        %dma_wait3A_869 = arith.constant 0 : i32
        %dma_wait3A_870 = arith.constant 0 : i32
        %dma_wait3A_871 = arith.constant 0 : i32
        %dma_wait3A_872 = tpu.memref_slice %arg5[%dma_wait3A_869, %dma_wait3A_870, %dma_wait3A_871] : memref<16384x1x64xf32, #tpu.memory_space<hbm>> -> memref<1x1x64xf32, #tpu.memory_space<hbm>>
        %dma_wait3A_873 = arith.constant 0 : i32
        %dma_wait3A_874 = arith.constant 0 : i32
        %dma_wait3A_875 = arith.constant 0 : i32
        %dma_wait3A_876 = tpu.memref_slice %arg14[%dma_wait3A_873, %dma_wait3A_874, %dma_wait3A_875] : memref<16x1x64xf32, #tpu.memory_space<vmem>> -> memref<1x1x64xf32, #tpu.memory_space<vmem>>
        %dma_wait3A_877 = arith.constant 0 : i32
        %dma_wait3A_878 = arith.constant 0 : i32
        %dma_wait3A_879 = arith.constant 0 : i32
        %dma_wait3A_880 = tpu.memref_slice %arg5[%dma_wait3A_877, %dma_wait3A_878, %dma_wait3A_879] : memref<16384x1x64xf32, #tpu.memory_space<hbm>> -> memref<1x1x64xf32, #tpu.memory_space<hbm>>
        tpu.wait_dma2 semaphore(%arg18 : memref<!tpu.dma_semaphore, #tpu.memory_space<semaphore_mem>>) src(%dma_wait3A_880 : memref<1x1x64xf32, #tpu.memory_space<hbm>>) dst(%dma_wait3A_876 : memref<1x1x64xf32, #tpu.memory_space<vmem>>)
        %add3A_881 = arith.constant 0 : i32
        %add3A_882 = vector.broadcast %add3A_881 : i32 to vector<16xi32>
        %add3A_883 = arith.addi %iota3A, %add3A_882 : vector<16xi32>
        %gather3A_884 = tpu.vector_load_idx %arg10[%add3A_883, %shift_right_arithmetic3A_861] : memref<64x256xf32, #tpu.memory_space<vmem>>[vector<16xi32>, vector<16xi32>], vector<16xf32>,
        %swap3A = arith.constant 0 : i32
        %swap3A_885 = arith.index_cast %and3A_864 : i32 to index
        %swap3A_886 = arith.index_cast %swap3A : i32 to index
        %swap3A_887 = arith.constant 0 : index
        %swap3A_888 = tpu.vector_load %arg14[%swap3A_885, %swap3A_886, %swap3A_887] {strides = array<i32>} : memref<16x1x64xf32, #tpu.memory_space<vmem>>, vector<16xf32>,
        tpu.vector_store %arg14[%swap3A_885, %swap3A_886, %swap3A_887], %gather3A_884 {strides = array<i32>} : memref<16x1x64xf32, #tpu.memory_space<vmem>>, vector<16xf32>,
        %add3A_889 = arith.constant 16 : i32
        %add3A_890 = vector.broadcast %add3A_889 : i32 to vector<16xi32>
        %add3A_891 = arith.addi %iota3A, %add3A_890 : vector<16xi32>
        %gather3A_892 = tpu.vector_load_idx %arg10[%add3A_891, %shift_right_arithmetic3A_861] : memref<64x256xf32, #tpu.memory_space<vmem>>[vector<16xi32>, vector<16xi32>], vector<16xf32>,
        %swap3A_893 = arith.constant 0 : i32
        %swap3A_894 = arith.index_cast %and3A_864 : i32 to index
        %swap3A_895 = arith.index_cast %swap3A_893 : i32 to index
        %swap3A_896 = arith.constant 16 : index
        %swap3A_897 = tpu.vector_load %arg14[%swap3A_894, %swap3A_895, %swap3A_896] {strides = array<i32>} : memref<16x1x64xf32, #tpu.memory_space<vmem>>, vector<16xf32>,
        tpu.vector_store %arg14[%swap3A_894, %swap3A_895, %swap3A_896], %gather3A_892 {strides = array<i32>} : memref<16x1x64xf32, #tpu.memory_space<vmem>>, vector<16xf32>,
        %add3A_898 = arith.constant 32 : i32
        %add3A_899 = vector.broadcast %add3A_898 : i32 to vector<16xi32>
        %add3A_900 = arith.addi %iota3A, %add3A_899 : vector<16xi32>
        %gather3A_901 = tpu.vector_load_idx %arg10[%add3A_900, %shift_right_arithmetic3A_861] : memref<64x256xf32, #tpu.memory_space<vmem>>[vector<16xi32>, vector<16xi32>], vector<16xf32>,
        %swap3A_902 = arith.constant 0 : i32
        %swap3A_903 = arith.index_cast %and3A_864 : i32 to index
        %swap3A_904 = arith.index_cast %swap3A_902 : i32 to index
        %swap3A_905 = arith.constant 32 : index
        %swap3A_906 = tpu.vector_load %arg14[%swap3A_903, %swap3A_904, %swap3A_905] {strides = array<i32>} : memref<16x1x64xf32, #tpu.memory_space<vmem>>, vector<16xf32>,
        tpu.vector_store %arg14[%swap3A_903, %swap3A_904, %swap3A_905], %gather3A_901 {strides = array<i32>} : memref<16x1x64xf32, #tpu.memory_space<vmem>>, vector<16xf32>,
        %add3A_907 = arith.constant 48 : i32
        %add3A_908 = vector.broadcast %add3A_907 : i32 to vector<16xi32>
        %add3A_909 = arith.addi %iota3A, %add3A_908 : vector<16xi32>
        %gather3A_910 = tpu.vector_load_idx %arg10[%add3A_909, %shift_right_arithmetic3A_861] : memref<64x256xf32, #tpu.memory_space<vmem>>[vector<16xi32>, vector<16xi32>], vector<16xf32>,
        %swap3A_911 = arith.constant 0 : i32
        %swap3A_912 = arith.index_cast %and3A_864 : i32 to index
        %swap3A_913 = arith.index_cast %swap3A_911 : i32 to index
        %swap3A_914 = arith.constant 48 : index
        %swap3A_915 = tpu.vector_load %arg14[%swap3A_912, %swap3A_913, %swap3A_914] {strides = array<i32>} : memref<16x1x64xf32, #tpu.memory_space<vmem>>, vector<16xf32>,
        tpu.vector_store %arg14[%swap3A_912, %swap3A_913, %swap3A_914], %gather3A_910 {strides = array<i32>} : memref<16x1x64xf32, #tpu.memory_space<vmem>>, vector<16xf32>,
        %dma_start3A_916 = arith.constant 0 : i32
        %dma_start3A_917 = arith.constant 0 : i32
        %dma_start3A_918 = tpu.memref_slice %arg14[%and3A_864, %dma_start3A_916, %dma_start3A_917] : memref<16x1x64xf32, #tpu.memory_space<vmem>> -> memref<1x1x64xf32, #tpu.memory_space<vmem>>
        %dma_start3A_919 = arith.constant 0 : i32
        %dma_start3A_920 = arith.constant 0 : i32
        %dma_start3A_921 = tpu.memref_slice %arg5[%and3A_862, %dma_start3A_919, %dma_start3A_920] : memref<16384x1x64xf32, #tpu.memory_space<hbm>> -> memref<1x1x64xf32, #tpu.memory_space<hbm>>
        %dma_start3A_922 = arith.constant 0 : i32
        %dma_start3A_923 = arith.constant 0 : i32
        %dma_start3A_924 = tpu.memref_slice %arg5[%and3A_862, %dma_start3A_922, %dma_start3A_923] : memref<16384x1x64xf32, #tpu.memory_space<hbm>> -> memref<1x1x64xf32, #tpu.memory_space<hbm>>
        %dma_start3A_925 = arith.constant 0 : i32
        %dma_start3A_926 = arith.constant 0 : i32
        %dma_start3A_927 = tpu.memref_slice %arg14[%and3A_864, %dma_start3A_925, %dma_start3A_926] : memref<16x1x64xf32, #tpu.memory_space<vmem>> -> memref<1x1x64xf32, #tpu.memory_space<vmem>>
        tpu.enqueue_dma source(%dma_start3A_927 : memref<1x1x64xf32, #tpu.memory_space<vmem>>) target(%dma_start3A_924 : memref<1x1x64xf32, #tpu.memory_space<hbm>>) target_semaphore(%arg18 : memref<!tpu.dma_semaphore, #tpu.memory_space<semaphore_mem>>)
        %add3A_928 = arith.constant 1 : i32
        %add3A_929 = arith.addi %while3A_856, %add3A_928 : i32
        scf.yield %add3A_929 : i32
      }
      %while3A_693 = arith.constant 1 : i32
      %while3A_694 = scf.for %while3A_855 = %while3A_690 to %while3A_686 step %while3A_693 iter_args(%while3A_856 = %while3A_692) -> (i32)  : i32 {
        %mul3A_857 = arith.muli %while3A_855, %while3A_682 : i32
        %add3A_858 = arith.addi %while3A_683, %mul3A_857 : i32
        %broadcast_in_dim3A = vector.broadcast %add3A_858 : i32 to vector<16xi32>
        %gather3A = tpu.vector_load_idx %arg9[%broadcast_in_dim3A] : memref<16400xi32, #tpu.memory_space<vmem>>[vector<16xi32>], vector<16xi32>,
        %shift_right_arithmetic3A_859 = arith.constant 14 : i32
        %shift_right_arithmetic3A_860 = vector.broadcast %shift_right_arithmetic3A_859 : i32 to vector<16xi32>
        %shift_right_arithmetic3A_861 = arith.shrsi %gather3A, %shift_right_arithmetic3A_860 : vector<16xi32>
        %slice3A = vector.extract_strided_slice %gather3A {offsets = [0], sizes = [1], strides = [1]} : vector<16xi32> to vector<1xi32>
        %squeeze3A = vector.extract %slice3A[0] : i32 from vector<1xi32>
        %and3A = arith.constant 16383 : i32
        %and3A_862 = arith.andi %squeeze3A, %and3A : i32
        %and3A_863 = arith.constant 15 : i32
        %and3A_864 = arith.andi %while3A_856, %and3A_863 : i32
        %dma_wait3A_865 = arith.constant 0 : i32
        %dma_wait3A_866 = arith.constant 0 : i32
        %dma_wait3A_867 = arith.constant 0 : i32
        %dma_wait3A_868 = tpu.memref_slice %arg14[%dma_wait3A_865, %dma_wait3A_866, %dma_wait3A_867] : memref<16x1x64xf32, #tpu.memory_space<vmem>> -> memref<1x1x64xf32, #tpu.memory_space<vmem>>
        %dma_wait3A_869 = arith.constant 0 : i32
        %dma_wait3A_870 = arith.constant 0 : i32
        %dma_wait3A_871 = arith.constant 0 : i32
        %dma_wait3A_872 = tpu.memref_slice %arg5[%dma_wait3A_869, %dma_wait3A_870, %dma_wait3A_871] : memref<16384x1x64xf32, #tpu.memory_space<hbm>> -> memref<1x1x64xf32, #tpu.memory_space<hbm>>
        %dma_wait3A_873 = arith.constant 0 : i32
        %dma_wait3A_874 = arith.constant 0 : i32
        %dma_wait3A_875 = arith.constant 0 : i32
        %dma_wait3A_876 = tpu.memref_slice %arg14[%dma_wait3A_873, %dma_wait3A_874, %dma_wait3A_875] : memref<16x1x64xf32, #tpu.memory_space<vmem>> -> memref<1x1x64xf32, #tpu.memory_space<vmem>>
        %dma_wait3A_877 = arith.constant 0 : i32
        %dma_wait3A_878 = arith.constant 0 : i32
        %dma_wait3A_879 = arith.constant 0 : i32
        %dma_wait3A_880 = tpu.memref_slice %arg5[%dma_wait3A_877, %dma_wait3A_878, %dma_wait3A_879] : memref<16384x1x64xf32, #tpu.memory_space<hbm>> -> memref<1x1x64xf32, #tpu.memory_space<hbm>>
        tpu.wait_dma2 semaphore(%arg18 : memref<!tpu.dma_semaphore, #tpu.memory_space<semaphore_mem>>) src(%dma_wait3A_880 : memref<1x1x64xf32, #tpu.memory_space<hbm>>) dst(%dma_wait3A_876 : memref<1x1x64xf32, #tpu.memory_space<vmem>>)
        %add3A_881 = arith.constant 0 : i32
        %add3A_882 = vector.broadcast %add3A_881 : i32 to vector<16xi32>
        %add3A_883 = arith.addi %iota3A, %add3A_882 : vector<16xi32>
        %gather3A_884 = tpu.vector_load_idx %arg10[%add3A_883, %shift_right_arithmetic3A_861] : memref<64x256xf32, #tpu.memory_space<vmem>>[vector<16xi32>, vector<16xi32>], vector<16xf32>,
        %swap3A = arith.constant 0 : i32
        %swap3A_885 = arith.index_cast %and3A_864 : i32 to index
        %swap3A_886 = arith.index_cast %swap3A : i32 to index
        %swap3A_887 = arith.constant 0 : index
        %swap3A_888 = tpu.vector_load %arg14[%swap3A_885, %swap3A_886, %swap3A_887] {strides = array<i32>} : memref<16x1x64xf32, #tpu.memory_space<vmem>>, vector<16xf32>,
        tpu.vector_store %arg14[%swap3A_885, %swap3A_886, %swap3A_887], %gather3A_884 {strides = array<i32>} : memref<16x1x64xf32, #tpu.memory_space<vmem>>, vector<16xf32>,
        %add3A_889 = arith.constant 16 : i32
        %add3A_890 = vector.broadcast %add3A_889 : i32 to vector<16xi32>
        %add3A_891 = arith.addi %iota3A, %add3A_890 : vector<16xi32>
        %gather3A_892 = tpu.vector_load_idx %arg10[%add3A_891, %shift_right_arithmetic3A_861] : memref<64x256xf32, #tpu.memory_space<vmem>>[vector<16xi32>, vector<16xi32>], vector<16xf32>,
        %swap3A_893 = arith.constant 0 : i32
        %swap3A_894 = arith.index_cast %and3A_864 : i32 to index
        %swap3A_895 = arith.index_cast %swap3A_893 : i32 to index
        %swap3A_896 = arith.constant 16 : index
        %swap3A_897 = tpu.vector_load %arg14[%swap3A_894, %swap3A_895, %swap3A_896] {strides = array<i32>} : memref<16x1x64xf32, #tpu.memory_space<vmem>>, vector<16xf32>,
        tpu.vector_store %arg14[%swap3A_894, %swap3A_895, %swap3A_896], %gather3A_892 {strides = array<i32>} : memref<16x1x64xf32, #tpu.memory_space<vmem>>, vector<16xf32>,
        %add3A_898 = arith.constant 32 : i32
        %add3A_899 = vector.broadcast %add3A_898 : i32 to vector<16xi32>
        %add3A_900 = arith.addi %iota3A, %add3A_899 : vector<16xi32>
        %gather3A_901 = tpu.vector_load_idx %arg10[%add3A_900, %shift_right_arithmetic3A_861] : memref<64x256xf32, #tpu.memory_space<vmem>>[vector<16xi32>, vector<16xi32>], vector<16xf32>,
        %swap3A_902 = arith.constant 0 : i32
        %swap3A_903 = arith.index_cast %and3A_864 : i32 to index
        %swap3A_904 = arith.index_cast %swap3A_902 : i32 to index
        %swap3A_905 = arith.constant 32 : index
        %swap3A_906 = tpu.vector_load %arg14[%swap3A_903, %swap3A_904, %swap3A_905] {strides = array<i32>} : memref<16x1x64xf32, #tpu.memory_space<vmem>>, vector<16xf32>,
        tpu.vector_store %arg14[%swap3A_903, %swap3A_904, %swap3A_905], %gather3A_901 {strides = array<i32>} : memref<16x1x64xf32, #tpu.memory_space<vmem>>, vector<16xf32>,
        %add3A_907 = arith.constant 48 : i32
        %add3A_908 = vector.broadcast %add3A_907 : i32 to vector<16xi32>
        %add3A_909 = arith.addi %iota3A, %add3A_908 : vector<16xi32>
        %gather3A_910 = tpu.vector_load_idx %arg10[%add3A_909, %shift_right_arithmetic3A_861] : memref<64x256xf32, #tpu.memory_space<vmem>>[vector<16xi32>, vector<16xi32>], vector<16xf32>,
        %swap3A_911 = arith.constant 0 : i32
        %swap3A_912 = arith.index_cast %and3A_864 : i32 to index
        %swap3A_913 = arith.index_cast %swap3A_911 : i32 to index
        %swap3A_914 = arith.constant 48 : index
        %swap3A_915 = tpu.vector_load %arg14[%swap3A_912, %swap3A_913, %swap3A_914] {strides = array<i32>} : memref<16x1x64xf32, #tpu.memory_space<vmem>>, vector<16xf32>,
        tpu.vector_store %arg14[%swap3A_912, %swap3A_913, %swap3A_914], %gather3A_910 {strides = array<i32>} : memref<16x1x64xf32, #tpu.memory_space<vmem>>, vector<16xf32>,
        %dma_start3A_916 = arith.constant 0 : i32
        %dma_start3A_917 = arith.constant 0 : i32
        %dma_start3A_918 = tpu.memref_slice %arg14[%and3A_864, %dma_start3A_916, %dma_start3A_917] : memref<16x1x64xf32, #tpu.memory_space<vmem>> -> memref<1x1x64xf32, #tpu.memory_space<vmem>>
        %dma_start3A_919 = arith.constant 0 : i32
        %dma_start3A_920 = arith.constant 0 : i32
        %dma_start3A_921 = tpu.memref_slice %arg5[%and3A_862, %dma_start3A_919, %dma_start3A_920] : memref<16384x1x64xf32, #tpu.memory_space<hbm>> -> memref<1x1x64xf32, #tpu.memory_space<hbm>>
        %dma_start3A_922 = arith.constant 0 : i32
        %dma_start3A_923 = arith.constant 0 : i32
        %dma_start3A_924 = tpu.memref_slice %arg5[%and3A_862, %dma_start3A_922, %dma_start3A_923] : memref<16384x1x64xf32, #tpu.memory_space<hbm>> -> memref<1x1x64xf32, #tpu.memory_space<hbm>>
        %dma_start3A_925 = arith.constant 0 : i32
        %dma_start3A_926 = arith.constant 0 : i32
        %dma_start3A_927 = tpu.memref_slice %arg14[%and3A_864, %dma_start3A_925, %dma_start3A_926] : memref<16x1x64xf32, #tpu.memory_space<vmem>> -> memref<1x1x64xf32, #tpu.memory_space<vmem>>
        tpu.enqueue_dma source(%dma_start3A_927 : memref<1x1x64xf32, #tpu.memory_space<vmem>>) target(%dma_start3A_924 : memref<1x1x64xf32, #tpu.memory_space<hbm>>) target_semaphore(%arg18 : memref<!tpu.dma_semaphore, #tpu.memory_space<semaphore_mem>>)
        %add3A_928 = arith.constant 1 : i32
        %add3A_929 = arith.addi %while3A_856, %add3A_928 : i32
        scf.yield %add3A_929 : i32
      }
      %add3A_695 = arith.constant 3 : i32
      %add3A_696 = arith.addi %add3A_639, %add3A_695 : i32
      %mul3A_697 = arith.constant 32 : i32
      %mul3A_698 = arith.muli %add3A_696, %mul3A_697 : i32
      %add3A_699 = arith.addi %add3A, %mul3A_698 : i32
      %lt3A_700 = arith.cmpi slt, %add3A_696, %select_n3A : i32
      %jit3A_701 = arith.constant 0 : i32
      %select_n3A_702 = arith.select %lt3A_700, %add3A_699, %jit3A_701 : i32
      %mul3A_703 = arith.constant 256 : i32
      %mul3A_704 = arith.muli %select_n3A_702, %mul3A_703 : i32
      %dma_start3A_705 = arith.constant 0 : i32
      %dma_start3A_706 = tpu.memref_slice %arg3[%dma_start3A_705, %mul3A_704] : memref<64x1000000xf32, #tpu.memory_space<hbm>> -> memref<64x256xf32, #tpu.memory_space<hbm>>
      %dma_start3A_707 = arith.constant 0 : i32
      %dma_start3A_708 = tpu.memref_slice %arg3[%dma_start3A_707, %mul3A_704] : memref<64x1000000xf32, #tpu.memory_space<hbm>> -> memref<64x256xf32, #tpu.memory_space<hbm>>
      tpu.enqueue_dma source(%dma_start3A_708 : memref<64x256xf32, #tpu.memory_space<hbm>>) target(%arg10 : memref<64x256xf32, #tpu.memory_space<vmem>>) target_semaphore(%arg15 : memref<!tpu.dma_semaphore, #tpu.memory_space<semaphore_mem>>)
      %mul3A_709 = arith.constant 3 : i32
      %mul3A_710 = arith.muli %mul3A_709, %add3A_635 : i32
      %add3A_711 = arith.constant 1 : i32
      %add3A_712 = arith.addi %mul3A_710, %add3A_711 : i32
      %dma_wait3A_713 = arith.constant 0 : i32
      %dma_wait3A_714 = arith.constant 0 : i32
      %dma_wait3A_715 = tpu.memref_slice %arg3[%dma_wait3A_713, %dma_wait3A_714] : memref<64x1000000xf32, #tpu.memory_space<hbm>> -> memref<64x256xf32, #tpu.memory_space<hbm>>
      %dma_wait3A_716 = arith.constant 0 : i32
      %dma_wait3A_717 = arith.constant 0 : i32
      %dma_wait3A_718 = tpu.memref_slice %arg3[%dma_wait3A_716, %dma_wait3A_717] : memref<64x1000000xf32, #tpu.memory_space<hbm>> -> memref<64x256xf32, #tpu.memory_space<hbm>>
      tpu.wait_dma2 semaphore(%arg16 : memref<!tpu.dma_semaphore, #tpu.memory_space<semaphore_mem>>) src(%dma_wait3A_718 : memref<64x256xf32, #tpu.memory_space<hbm>>) dst(%arg11 : memref<64x256xf32, #tpu.memory_space<vmem>>)
      %lt3A_719 = arith.cmpi slt, %add3A_712, %select_n3A : i32
      %mul3A_720 = arith.constant 32 : i32
      %mul3A_721 = arith.muli %add3A_712, %mul3A_720 : i32
      %add3A_722 = arith.addi %add3A, %mul3A_721 : i32
      %jit3A_723 = arith.constant -1 : i32
      %select_n3A_724 = arith.select %lt3A_719, %add3A_722, %jit3A_723 : i32
      %sub3A_725 = arith.constant 0 : i32
      %sub3A_726 = arith.subi %shift_right_arithmetic3A_308, %sub3A_725 : i32
      %sub3A_727 = arith.constant 1 : i32
      %sub3A_728 = arith.constant 1 : i32
      %sub3A_729 = arith.subi %sub3A_727, %sub3A_728 : i32
      %add3A_730 = arith.addi %sub3A_726, %sub3A_729 : i32
      %div3A_731 = arith.constant 1 : i32
      %div3A_732 = arith.divsi %add3A_730, %div3A_731 : i32
      %while3A_733 = arith.constant 1 : i32
      %while3A_734 = arith.constant 0 : i32
      %while3A_735 = arith.constant 0 : i32
      %while3A_736 = arith.constant 0 : i32
      %while3A_737 = arith.subi %div3A_732, %while3A_735 : i32
      %while3A_738 = arith.addi %while3A_735, %while3A_737 : i32
      %while3A_739 = arith.constant 1 : i32
      %while3A_740 = arith.divsi %while3A_737, %while3A_739 : i32
      %while3A_741 = arith.muli %while3A_740, %while3A_739 : i32
      %while3A_742 = arith.addi %while3A_735, %while3A_741 : i32
      %while3A_743 = arith.constant 1 : i32
      %while3A_744 = scf.for %while3A_855 = %while3A_735 to %while3A_742 step %while3A_743 iter_args(%while3A_856 = %while3A_736) -> (i32)  : i32 {
        %mul3A_857 = arith.muli %while3A_855, %while3A_733 : i32
        %add3A_858 = arith.addi %while3A_734, %mul3A_857 : i32
        %mul3A_859 = arith.constant 16 : i32
        %mul3A_860 = arith.muli %add3A_858, %mul3A_859 : i32
        %get3A = arith.index_cast %mul3A_860 : i32 to index
        %get3A_861 = tpu.vector_load %arg7[%get3A] {strides = array<i32>} : memref<16400xi32, #tpu.memory_space<vmem>>, vector<16xi32>,
        %mul3A_862 = arith.constant 16 : i32
        %mul3A_863 = arith.muli %add3A_858, %mul3A_862 : i32
        %get3A_864 = arith.index_cast %mul3A_863 : i32 to index
        %get3A_865 = tpu.vector_load %arg8[%get3A_864] {strides = array<i32>} : memref<16400xi32, #tpu.memory_space<vmem>>, vector<16xi32>,
        %shift_right_arithmetic3A_866 = arith.constant 8 : i32
        %shift_right_arithmetic3A_867 = vector.broadcast %shift_right_arithmetic3A_866 : i32 to vector<16xi32>
        %shift_right_arithmetic3A_868 = arith.shrsi %get3A_861, %shift_right_arithmetic3A_867 : vector<16xi32>
        %eq3A = vector.broadcast %select_n3A_724 : i32 to vector<16xi32>
        %eq3A_869 = arith.cmpi eq, %shift_right_arithmetic3A_868, %eq3A : vector<16xi32>
        %mul3A_870 = arith.constant 16 : i32
        %mul3A_871 = arith.muli %add3A_858, %mul3A_870 : i32
        %add3A_872 = vector.broadcast %mul3A_871 : i32 to vector<16xi32>
        %add3A_873 = arith.addi %iota3A, %add3A_872 : vector<16xi32>
        %lt3A_874 = vector.broadcast %scan3A_304 : i32 to vector<16xi32>
        %lt3A_875 = arith.cmpi slt, %add3A_873, %lt3A_874 : vector<16xi32>
        %and3A = arith.andi %eq3A_869, %lt3A_875 : vector<16xi1>
        %and3A_876 = arith.constant 255 : i32
        %and3A_877 = vector.broadcast %and3A_876 : i32 to vector<16xi32>
        %and3A_878 = arith.andi %get3A_861, %and3A_877 : vector<16xi32>
        %shift_left3A = arith.constant 14 : i32
        %shift_left3A_879 = vector.broadcast %shift_left3A : i32 to vector<16xi32>
        %shift_left3A_880 = arith.shli %and3A_878, %shift_left3A_879 : vector<16xi32>
        %or3A = arith.ori %shift_left3A_880, %get3A_865 : vector<16xi32>
        %jit3A_881 = arith.constant 1 : i32
        %jit3A_882 = arith.constant 0 : i32
        %broadcast_in_dim3A = vector.broadcast %jit3A_881 : i32 to vector<16xi32>
        %broadcast_in_dim3A_883 = vector.broadcast %jit3A_882 : i32 to vector<16xi32>
        %select_n3A_884 = arith.select %and3A, %broadcast_in_dim3A, %broadcast_in_dim3A_883 : vector<16xi1>, vector<16xi32>
        %broadcast_in_dim3A_885 = arith.constant true
        %broadcast_in_dim3A_886 = vector.broadcast %broadcast_in_dim3A_885 : i1 to vector<16xi1>
        %masked_cumsum3A = tpu.scan <sum>, %select_n3A_884 masked %broadcast_in_dim3A_886 : vector<16xi32>, vector<16xi1> -> vector<16xi32>
        %add3A_887 = vector.broadcast %while3A_856 : i32 to vector<16xi32>
        %add3A_888 = arith.addi %add3A_887, %masked_cumsum3A : vector<16xi32>
        %sub3A_889 = arith.constant 1 : i32
        %sub3A_890 = vector.broadcast %sub3A_889 : i32 to vector<16xi32>
        %sub3A_891 = arith.subi %add3A_888, %sub3A_890 : vector<16xi32>
        %jit3A_892 = arith.constant 0 : i32
        %broadcast_in_dim3A_893 = vector.broadcast %jit3A_892 : i32 to vector<16xi32>
        %select_n3A_894 = arith.select %and3A, %sub3A_891, %broadcast_in_dim3A_893 : vector<16xi1>, vector<16xi32>
        tpu.vector_store_idx %arg9[%select_n3A_894], %or3A masked %and3A : memref<16400xi32, #tpu.memory_space<vmem>>[vector<16xi32>], vector<16xi32>, vector<16xi1>
        %all_reduce_population_count3A = tpu.all_reduce %and3A {dim = 0 : i64, kind = #tpu.reduction_kind<sum>} : vector<16xi1> -> vector<16xi32>
        %slice3A = vector.extract_strided_slice %all_reduce_population_count3A {offsets = [0], sizes = [1], strides = [1]} : vector<16xi32> to vector<1xi32>
        %squeeze3A = vector.extract %slice3A[0] : i32 from vector<1xi32>
        %add3A_895 = arith.addi %while3A_856, %squeeze3A : i32
        scf.yield %add3A_895 : i32
      }
      %while3A_745 = arith.constant 1 : i32
      %while3A_746 = scf.for %while3A_855 = %while3A_742 to %while3A_738 step %while3A_745 iter_args(%while3A_856 = %while3A_744) -> (i32)  : i32 {
        %mul3A_857 = arith.muli %while3A_855, %while3A_733 : i32
        %add3A_858 = arith.addi %while3A_734, %mul3A_857 : i32
        %mul3A_859 = arith.constant 16 : i32
        %mul3A_860 = arith.muli %add3A_858, %mul3A_859 : i32
        %get3A = arith.index_cast %mul3A_860 : i32 to index
        %get3A_861 = tpu.vector_load %arg7[%get3A] {strides = array<i32>} : memref<16400xi32, #tpu.memory_space<vmem>>, vector<16xi32>,
        %mul3A_862 = arith.constant 16 : i32
        %mul3A_863 = arith.muli %add3A_858, %mul3A_862 : i32
        %get3A_864 = arith.index_cast %mul3A_863 : i32 to index
        %get3A_865 = tpu.vector_load %arg8[%get3A_864] {strides = array<i32>} : memref<16400xi32, #tpu.memory_space<vmem>>, vector<16xi32>,
        %shift_right_arithmetic3A_866 = arith.constant 8 : i32
        %shift_right_arithmetic3A_867 = vector.broadcast %shift_right_arithmetic3A_866 : i32 to vector<16xi32>
        %shift_right_arithmetic3A_868 = arith.shrsi %get3A_861, %shift_right_arithmetic3A_867 : vector<16xi32>
        %eq3A = vector.broadcast %select_n3A_724 : i32 to vector<16xi32>
        %eq3A_869 = arith.cmpi eq, %shift_right_arithmetic3A_868, %eq3A : vector<16xi32>
        %mul3A_870 = arith.constant 16 : i32
        %mul3A_871 = arith.muli %add3A_858, %mul3A_870 : i32
        %add3A_872 = vector.broadcast %mul3A_871 : i32 to vector<16xi32>
        %add3A_873 = arith.addi %iota3A, %add3A_872 : vector<16xi32>
        %lt3A_874 = vector.broadcast %scan3A_304 : i32 to vector<16xi32>
        %lt3A_875 = arith.cmpi slt, %add3A_873, %lt3A_874 : vector<16xi32>
        %and3A = arith.andi %eq3A_869, %lt3A_875 : vector<16xi1>
        %and3A_876 = arith.constant 255 : i32
        %and3A_877 = vector.broadcast %and3A_876 : i32 to vector<16xi32>
        %and3A_878 = arith.andi %get3A_861, %and3A_877 : vector<16xi32>
        %shift_left3A = arith.constant 14 : i32
        %shift_left3A_879 = vector.broadcast %shift_left3A : i32 to vector<16xi32>
        %shift_left3A_880 = arith.shli %and3A_878, %shift_left3A_879 : vector<16xi32>
        %or3A = arith.ori %shift_left3A_880, %get3A_865 : vector<16xi32>
        %jit3A_881 = arith.constant 1 : i32
        %jit3A_882 = arith.constant 0 : i32
        %broadcast_in_dim3A = vector.broadcast %jit3A_881 : i32 to vector<16xi32>
        %broadcast_in_dim3A_883 = vector.broadcast %jit3A_882 : i32 to vector<16xi32>
        %select_n3A_884 = arith.select %and3A, %broadcast_in_dim3A, %broadcast_in_dim3A_883 : vector<16xi1>, vector<16xi32>
        %broadcast_in_dim3A_885 = arith.constant true
        %broadcast_in_dim3A_886 = vector.broadcast %broadcast_in_dim3A_885 : i1 to vector<16xi1>
        %masked_cumsum3A = tpu.scan <sum>, %select_n3A_884 masked %broadcast_in_dim3A_886 : vector<16xi32>, vector<16xi1> -> vector<16xi32>
        %add3A_887 = vector.broadcast %while3A_856 : i32 to vector<16xi32>
        %add3A_888 = arith.addi %add3A_887, %masked_cumsum3A : vector<16xi32>
        %sub3A_889 = arith.constant 1 : i32
        %sub3A_890 = vector.broadcast %sub3A_889 : i32 to vector<16xi32>
        %sub3A_891 = arith.subi %add3A_888, %sub3A_890 : vector<16xi32>
        %jit3A_892 = arith.constant 0 : i32
        %broadcast_in_dim3A_893 = vector.broadcast %jit3A_892 : i32 to vector<16xi32>
        %select_n3A_894 = arith.select %and3A, %sub3A_891, %broadcast_in_dim3A_893 : vector<16xi1>, vector<16xi32>
        tpu.vector_store_idx %arg9[%select_n3A_894], %or3A masked %and3A : memref<16400xi32, #tpu.memory_space<vmem>>[vector<16xi32>], vector<16xi32>, vector<16xi1>
        %all_reduce_population_count3A = tpu.all_reduce %and3A {dim = 0 : i64, kind = #tpu.reduction_kind<sum>} : vector<16xi1> -> vector<16xi32>
        %slice3A = vector.extract_strided_slice %all_reduce_population_count3A {offsets = [0], sizes = [1], strides = [1]} : vector<16xi32> to vector<1xi32>
        %squeeze3A = vector.extract %slice3A[0] : i32 from vector<1xi32>
        %add3A_895 = arith.addi %while3A_856, %squeeze3A : i32
        scf.yield %add3A_895 : i32
      }
      %sub3A_747 = arith.constant 0 : i32
      %sub3A_748 = arith.subi %while3A_746, %sub3A_747 : i32
      %sub3A_749 = arith.constant 1 : i32
      %sub3A_750 = arith.constant 1 : i32
      %sub3A_751 = arith.subi %sub3A_749, %sub3A_750 : i32
      %add3A_752 = arith.addi %sub3A_748, %sub3A_751 : i32
      %div3A_753 = arith.constant 1 : i32
      %div3A_754 = arith.divsi %add3A_752, %div3A_753 : i32
      %while3A_755 = arith.constant 1 : i32
      %while3A_756 = arith.constant 0 : i32
      %while3A_757 = arith.constant 0 : i32
      %while3A_758 = arith.subi %div3A_754, %while3A_757 : i32
      %while3A_759 = arith.addi %while3A_757, %while3A_758 : i32
      %while3A_760 = arith.constant 1 : i32
      %while3A_761 = arith.divsi %while3A_758, %while3A_760 : i32
      %while3A_762 = arith.muli %while3A_761, %while3A_760 : i32
      %while3A_763 = arith.addi %while3A_757, %while3A_762 : i32
      %while3A_764 = arith.constant 1 : i32
      %while3A_765 = scf.for %while3A_855 = %while3A_757 to %while3A_763 step %while3A_764 iter_args(%while3A_856 = %while3A_694) -> (i32)  : i32 {
        %mul3A_857 = arith.muli %while3A_855, %while3A_755 : i32
        %add3A_858 = arith.addi %while3A_756, %mul3A_857 : i32
        %broadcast_in_dim3A = vector.broadcast %add3A_858 : i32 to vector<16xi32>
        %gather3A = tpu.vector_load_idx %arg9[%broadcast_in_dim3A] : memref<16400xi32, #tpu.memory_space<vmem>>[vector<16xi32>], vector<16xi32>,
        %shift_right_arithmetic3A_859 = arith.constant 14 : i32
        %shift_right_arithmetic3A_860 = vector.broadcast %shift_right_arithmetic3A_859 : i32 to vector<16xi32>
        %shift_right_arithmetic3A_861 = arith.shrsi %gather3A, %shift_right_arithmetic3A_860 : vector<16xi32>
        %slice3A = vector.extract_strided_slice %gather3A {offsets = [0], sizes = [1], strides = [1]} : vector<16xi32> to vector<1xi32>
        %squeeze3A = vector.extract %slice3A[0] : i32 from vector<1xi32>
        %and3A = arith.constant 16383 : i32
        %and3A_862 = arith.andi %squeeze3A, %and3A : i32
        %and3A_863 = arith.constant 15 : i32
        %and3A_864 = arith.andi %while3A_856, %and3A_863 : i32
        %dma_wait3A_865 = arith.constant 0 : i32
        %dma_wait3A_866 = arith.constant 0 : i32
        %dma_wait3A_867 = arith.constant 0 : i32
        %dma_wait3A_868 = tpu.memref_slice %arg14[%dma_wait3A_865, %dma_wait3A_866, %dma_wait3A_867] : memref<16x1x64xf32, #tpu.memory_space<vmem>> -> memref<1x1x64xf32, #tpu.memory_space<vmem>>
        %dma_wait3A_869 = arith.constant 0 : i32
        %dma_wait3A_870 = arith.constant 0 : i32
        %dma_wait3A_871 = arith.constant 0 : i32
        %dma_wait3A_872 = tpu.memref_slice %arg5[%dma_wait3A_869, %dma_wait3A_870, %dma_wait3A_871] : memref<16384x1x64xf32, #tpu.memory_space<hbm>> -> memref<1x1x64xf32, #tpu.memory_space<hbm>>
        %dma_wait3A_873 = arith.constant 0 : i32
        %dma_wait3A_874 = arith.constant 0 : i32
        %dma_wait3A_875 = arith.constant 0 : i32
        %dma_wait3A_876 = tpu.memref_slice %arg14[%dma_wait3A_873, %dma_wait3A_874, %dma_wait3A_875] : memref<16x1x64xf32, #tpu.memory_space<vmem>> -> memref<1x1x64xf32, #tpu.memory_space<vmem>>
        %dma_wait3A_877 = arith.constant 0 : i32
        %dma_wait3A_878 = arith.constant 0 : i32
        %dma_wait3A_879 = arith.constant 0 : i32
        %dma_wait3A_880 = tpu.memref_slice %arg5[%dma_wait3A_877, %dma_wait3A_878, %dma_wait3A_879] : memref<16384x1x64xf32, #tpu.memory_space<hbm>> -> memref<1x1x64xf32, #tpu.memory_space<hbm>>
        tpu.wait_dma2 semaphore(%arg18 : memref<!tpu.dma_semaphore, #tpu.memory_space<semaphore_mem>>) src(%dma_wait3A_880 : memref<1x1x64xf32, #tpu.memory_space<hbm>>) dst(%dma_wait3A_876 : memref<1x1x64xf32, #tpu.memory_space<vmem>>)
        %add3A_881 = arith.constant 0 : i32
        %add3A_882 = vector.broadcast %add3A_881 : i32 to vector<16xi32>
        %add3A_883 = arith.addi %iota3A, %add3A_882 : vector<16xi32>
        %gather3A_884 = tpu.vector_load_idx %arg11[%add3A_883, %shift_right_arithmetic3A_861] : memref<64x256xf32, #tpu.memory_space<vmem>>[vector<16xi32>, vector<16xi32>], vector<16xf32>,
        %swap3A = arith.constant 0 : i32
        %swap3A_885 = arith.index_cast %and3A_864 : i32 to index
        %swap3A_886 = arith.index_cast %swap3A : i32 to index
        %swap3A_887 = arith.constant 0 : index
        %swap3A_888 = tpu.vector_load %arg14[%swap3A_885, %swap3A_886, %swap3A_887] {strides = array<i32>} : memref<16x1x64xf32, #tpu.memory_space<vmem>>, vector<16xf32>,
        tpu.vector_store %arg14[%swap3A_885, %swap3A_886, %swap3A_887], %gather3A_884 {strides = array<i32>} : memref<16x1x64xf32, #tpu.memory_space<vmem>>, vector<16xf32>,
        %add3A_889 = arith.constant 16 : i32
        %add3A_890 = vector.broadcast %add3A_889 : i32 to vector<16xi32>
        %add3A_891 = arith.addi %iota3A, %add3A_890 : vector<16xi32>
        %gather3A_892 = tpu.vector_load_idx %arg11[%add3A_891, %shift_right_arithmetic3A_861] : memref<64x256xf32, #tpu.memory_space<vmem>>[vector<16xi32>, vector<16xi32>], vector<16xf32>,
        %swap3A_893 = arith.constant 0 : i32
        %swap3A_894 = arith.index_cast %and3A_864 : i32 to index
        %swap3A_895 = arith.index_cast %swap3A_893 : i32 to index
        %swap3A_896 = arith.constant 16 : index
        %swap3A_897 = tpu.vector_load %arg14[%swap3A_894, %swap3A_895, %swap3A_896] {strides = array<i32>} : memref<16x1x64xf32, #tpu.memory_space<vmem>>, vector<16xf32>,
        tpu.vector_store %arg14[%swap3A_894, %swap3A_895, %swap3A_896], %gather3A_892 {strides = array<i32>} : memref<16x1x64xf32, #tpu.memory_space<vmem>>, vector<16xf32>,
        %add3A_898 = arith.constant 32 : i32
        %add3A_899 = vector.broadcast %add3A_898 : i32 to vector<16xi32>
        %add3A_900 = arith.addi %iota3A, %add3A_899 : vector<16xi32>
        %gather3A_901 = tpu.vector_load_idx %arg11[%add3A_900, %shift_right_arithmetic3A_861] : memref<64x256xf32, #tpu.memory_space<vmem>>[vector<16xi32>, vector<16xi32>], vector<16xf32>,
        %swap3A_902 = arith.constant 0 : i32
        %swap3A_903 = arith.index_cast %and3A_864 : i32 to index
        %swap3A_904 = arith.index_cast %swap3A_902 : i32 to index
        %swap3A_905 = arith.constant 32 : index
        %swap3A_906 = tpu.vector_load %arg14[%swap3A_903, %swap3A_904, %swap3A_905] {strides = array<i32>} : memref<16x1x64xf32, #tpu.memory_space<vmem>>, vector<16xf32>,
        tpu.vector_store %arg14[%swap3A_903, %swap3A_904, %swap3A_905], %gather3A_901 {strides = array<i32>} : memref<16x1x64xf32, #tpu.memory_space<vmem>>, vector<16xf32>,
        %add3A_907 = arith.constant 48 : i32
        %add3A_908 = vector.broadcast %add3A_907 : i32 to vector<16xi32>
        %add3A_909 = arith.addi %iota3A, %add3A_908 : vector<16xi32>
        %gather3A_910 = tpu.vector_load_idx %arg11[%add3A_909, %shift_right_arithmetic3A_861] : memref<64x256xf32, #tpu.memory_space<vmem>>[vector<16xi32>, vector<16xi32>], vector<16xf32>,
        %swap3A_911 = arith.constant 0 : i32
        %swap3A_912 = arith.index_cast %and3A_864 : i32 to index
        %swap3A_913 = arith.index_cast %swap3A_911 : i32 to index
        %swap3A_914 = arith.constant 48 : index
        %swap3A_915 = tpu.vector_load %arg14[%swap3A_912, %swap3A_913, %swap3A_914] {strides = array<i32>} : memref<16x1x64xf32, #tpu.memory_space<vmem>>, vector<16xf32>,
        tpu.vector_store %arg14[%swap3A_912, %swap3A_913, %swap3A_914], %gather3A_910 {strides = array<i32>} : memref<16x1x64xf32, #tpu.memory_space<vmem>>, vector<16xf32>,
        %dma_start3A_916 = arith.constant 0 : i32
        %dma_start3A_917 = arith.constant 0 : i32
        %dma_start3A_918 = tpu.memref_slice %arg14[%and3A_864, %dma_start3A_916, %dma_start3A_917] : memref<16x1x64xf32, #tpu.memory_space<vmem>> -> memref<1x1x64xf32, #tpu.memory_space<vmem>>
        %dma_start3A_919 = arith.constant 0 : i32
        %dma_start3A_920 = arith.constant 0 : i32
        %dma_start3A_921 = tpu.memref_slice %arg5[%and3A_862, %dma_start3A_919, %dma_start3A_920] : memref<16384x1x64xf32, #tpu.memory_space<hbm>> -> memref<1x1x64xf32, #tpu.memory_space<hbm>>
        %dma_start3A_922 = arith.constant 0 : i32
        %dma_start3A_923 = arith.constant 0 : i32
        %dma_start3A_924 = tpu.memref_slice %arg5[%and3A_862, %dma_start3A_922, %dma_start3A_923] : memref<16384x1x64xf32, #tpu.memory_space<hbm>> -> memref<1x1x64xf32, #tpu.memory_space<hbm>>
        %dma_start3A_925 = arith.constant 0 : i32
        %dma_start3A_926 = arith.constant 0 : i32
        %dma_start3A_927 = tpu.memref_slice %arg14[%and3A_864, %dma_start3A_925, %dma_start3A_926] : memref<16x1x64xf32, #tpu.memory_space<vmem>> -> memref<1x1x64xf32, #tpu.memory_space<vmem>>
        tpu.enqueue_dma source(%dma_start3A_927 : memref<1x1x64xf32, #tpu.memory_space<vmem>>) target(%dma_start3A_924 : memref<1x1x64xf32, #tpu.memory_space<hbm>>) target_semaphore(%arg18 : memref<!tpu.dma_semaphore, #tpu.memory_space<semaphore_mem>>)
        %add3A_928 = arith.constant 1 : i32
        %add3A_929 = arith.addi %while3A_856, %add3A_928 : i32
        scf.yield %add3A_929 : i32
      }
      %while3A_766 = arith.constant 1 : i32
      %while3A_767 = scf.for %while3A_855 = %while3A_763 to %while3A_759 step %while3A_766 iter_args(%while3A_856 = %while3A_765) -> (i32)  : i32 {
        %mul3A_857 = arith.muli %while3A_855, %while3A_755 : i32
        %add3A_858 = arith.addi %while3A_756, %mul3A_857 : i32
        %broadcast_in_dim3A = vector.broadcast %add3A_858 : i32 to vector<16xi32>
        %gather3A = tpu.vector_load_idx %arg9[%broadcast_in_dim3A] : memref<16400xi32, #tpu.memory_space<vmem>>[vector<16xi32>], vector<16xi32>,
        %shift_right_arithmetic3A_859 = arith.constant 14 : i32
        %shift_right_arithmetic3A_860 = vector.broadcast %shift_right_arithmetic3A_859 : i32 to vector<16xi32>
        %shift_right_arithmetic3A_861 = arith.shrsi %gather3A, %shift_right_arithmetic3A_860 : vector<16xi32>
        %slice3A = vector.extract_strided_slice %gather3A {offsets = [0], sizes = [1], strides = [1]} : vector<16xi32> to vector<1xi32>
        %squeeze3A = vector.extract %slice3A[0] : i32 from vector<1xi32>
        %and3A = arith.constant 16383 : i32
        %and3A_862 = arith.andi %squeeze3A, %and3A : i32
        %and3A_863 = arith.constant 15 : i32
        %and3A_864 = arith.andi %while3A_856, %and3A_863 : i32
        %dma_wait3A_865 = arith.constant 0 : i32
        %dma_wait3A_866 = arith.constant 0 : i32
        %dma_wait3A_867 = arith.constant 0 : i32
        %dma_wait3A_868 = tpu.memref_slice %arg14[%dma_wait3A_865, %dma_wait3A_866, %dma_wait3A_867] : memref<16x1x64xf32, #tpu.memory_space<vmem>> -> memref<1x1x64xf32, #tpu.memory_space<vmem>>
        %dma_wait3A_869 = arith.constant 0 : i32
        %dma_wait3A_870 = arith.constant 0 : i32
        %dma_wait3A_871 = arith.constant 0 : i32
        %dma_wait3A_872 = tpu.memref_slice %arg5[%dma_wait3A_869, %dma_wait3A_870, %dma_wait3A_871] : memref<16384x1x64xf32, #tpu.memory_space<hbm>> -> memref<1x1x64xf32, #tpu.memory_space<hbm>>
        %dma_wait3A_873 = arith.constant 0 : i32
        %dma_wait3A_874 = arith.constant 0 : i32
        %dma_wait3A_875 = arith.constant 0 : i32
        %dma_wait3A_876 = tpu.memref_slice %arg14[%dma_wait3A_873, %dma_wait3A_874, %dma_wait3A_875] : memref<16x1x64xf32, #tpu.memory_space<vmem>> -> memref<1x1x64xf32, #tpu.memory_space<vmem>>
        %dma_wait3A_877 = arith.constant 0 : i32
        %dma_wait3A_878 = arith.constant 0 : i32
        %dma_wait3A_879 = arith.constant 0 : i32
        %dma_wait3A_880 = tpu.memref_slice %arg5[%dma_wait3A_877, %dma_wait3A_878, %dma_wait3A_879] : memref<16384x1x64xf32, #tpu.memory_space<hbm>> -> memref<1x1x64xf32, #tpu.memory_space<hbm>>
        tpu.wait_dma2 semaphore(%arg18 : memref<!tpu.dma_semaphore, #tpu.memory_space<semaphore_mem>>) src(%dma_wait3A_880 : memref<1x1x64xf32, #tpu.memory_space<hbm>>) dst(%dma_wait3A_876 : memref<1x1x64xf32, #tpu.memory_space<vmem>>)
        %add3A_881 = arith.constant 0 : i32
        %add3A_882 = vector.broadcast %add3A_881 : i32 to vector<16xi32>
        %add3A_883 = arith.addi %iota3A, %add3A_882 : vector<16xi32>
        %gather3A_884 = tpu.vector_load_idx %arg11[%add3A_883, %shift_right_arithmetic3A_861] : memref<64x256xf32, #tpu.memory_space<vmem>>[vector<16xi32>, vector<16xi32>], vector<16xf32>,
        %swap3A = arith.constant 0 : i32
        %swap3A_885 = arith.index_cast %and3A_864 : i32 to index
        %swap3A_886 = arith.index_cast %swap3A : i32 to index
        %swap3A_887 = arith.constant 0 : index
        %swap3A_888 = tpu.vector_load %arg14[%swap3A_885, %swap3A_886, %swap3A_887] {strides = array<i32>} : memref<16x1x64xf32, #tpu.memory_space<vmem>>, vector<16xf32>,
        tpu.vector_store %arg14[%swap3A_885, %swap3A_886, %swap3A_887], %gather3A_884 {strides = array<i32>} : memref<16x1x64xf32, #tpu.memory_space<vmem>>, vector<16xf32>,
        %add3A_889 = arith.constant 16 : i32
        %add3A_890 = vector.broadcast %add3A_889 : i32 to vector<16xi32>
        %add3A_891 = arith.addi %iota3A, %add3A_890 : vector<16xi32>
        %gather3A_892 = tpu.vector_load_idx %arg11[%add3A_891, %shift_right_arithmetic3A_861] : memref<64x256xf32, #tpu.memory_space<vmem>>[vector<16xi32>, vector<16xi32>], vector<16xf32>,
        %swap3A_893 = arith.constant 0 : i32
        %swap3A_894 = arith.index_cast %and3A_864 : i32 to index
        %swap3A_895 = arith.index_cast %swap3A_893 : i32 to index
        %swap3A_896 = arith.constant 16 : index
        %swap3A_897 = tpu.vector_load %arg14[%swap3A_894, %swap3A_895, %swap3A_896] {strides = array<i32>} : memref<16x1x64xf32, #tpu.memory_space<vmem>>, vector<16xf32>,
        tpu.vector_store %arg14[%swap3A_894, %swap3A_895, %swap3A_896], %gather3A_892 {strides = array<i32>} : memref<16x1x64xf32, #tpu.memory_space<vmem>>, vector<16xf32>,
        %add3A_898 = arith.constant 32 : i32
        %add3A_899 = vector.broadcast %add3A_898 : i32 to vector<16xi32>
        %add3A_900 = arith.addi %iota3A, %add3A_899 : vector<16xi32>
        %gather3A_901 = tpu.vector_load_idx %arg11[%add3A_900, %shift_right_arithmetic3A_861] : memref<64x256xf32, #tpu.memory_space<vmem>>[vector<16xi32>, vector<16xi32>], vector<16xf32>,
        %swap3A_902 = arith.constant 0 : i32
        %swap3A_903 = arith.index_cast %and3A_864 : i32 to index
        %swap3A_904 = arith.index_cast %swap3A_902 : i32 to index
        %swap3A_905 = arith.constant 32 : index
        %swap3A_906 = tpu.vector_load %arg14[%swap3A_903, %swap3A_904, %swap3A_905] {strides = array<i32>} : memref<16x1x64xf32, #tpu.memory_space<vmem>>, vector<16xf32>,
        tpu.vector_store %arg14[%swap3A_903, %swap3A_904, %swap3A_905], %gather3A_901 {strides = array<i32>} : memref<16x1x64xf32, #tpu.memory_space<vmem>>, vector<16xf32>,
        %add3A_907 = arith.constant 48 : i32
        %add3A_908 = vector.broadcast %add3A_907 : i32 to vector<16xi32>
        %add3A_909 = arith.addi %iota3A, %add3A_908 : vector<16xi32>
        %gather3A_910 = tpu.vector_load_idx %arg11[%add3A_909, %shift_right_arithmetic3A_861] : memref<64x256xf32, #tpu.memory_space<vmem>>[vector<16xi32>, vector<16xi32>], vector<16xf32>,
        %swap3A_911 = arith.constant 0 : i32
        %swap3A_912 = arith.index_cast %and3A_864 : i32 to index
        %swap3A_913 = arith.index_cast %swap3A_911 : i32 to index
        %swap3A_914 = arith.constant 48 : index
        %swap3A_915 = tpu.vector_load %arg14[%swap3A_912, %swap3A_913, %swap3A_914] {strides = array<i32>} : memref<16x1x64xf32, #tpu.memory_space<vmem>>, vector<16xf32>,
        tpu.vector_store %arg14[%swap3A_912, %swap3A_913, %swap3A_914], %gather3A_910 {strides = array<i32>} : memref<16x1x64xf32, #tpu.memory_space<vmem>>, vector<16xf32>,
        %dma_start3A_916 = arith.constant 0 : i32
        %dma_start3A_917 = arith.constant 0 : i32
        %dma_start3A_918 = tpu.memref_slice %arg14[%and3A_864, %dma_start3A_916, %dma_start3A_917] : memref<16x1x64xf32, #tpu.memory_space<vmem>> -> memref<1x1x64xf32, #tpu.memory_space<vmem>>
        %dma_start3A_919 = arith.constant 0 : i32
        %dma_start3A_920 = arith.constant 0 : i32
        %dma_start3A_921 = tpu.memref_slice %arg5[%and3A_862, %dma_start3A_919, %dma_start3A_920] : memref<16384x1x64xf32, #tpu.memory_space<hbm>> -> memref<1x1x64xf32, #tpu.memory_space<hbm>>
        %dma_start3A_922 = arith.constant 0 : i32
        %dma_start3A_923 = arith.constant 0 : i32
        %dma_start3A_924 = tpu.memref_slice %arg5[%and3A_862, %dma_start3A_922, %dma_start3A_923] : memref<16384x1x64xf32, #tpu.memory_space<hbm>> -> memref<1x1x64xf32, #tpu.memory_space<hbm>>
        %dma_start3A_925 = arith.constant 0 : i32
        %dma_start3A_926 = arith.constant 0 : i32
        %dma_start3A_927 = tpu.memref_slice %arg14[%and3A_864, %dma_start3A_925, %dma_start3A_926] : memref<16x1x64xf32, #tpu.memory_space<vmem>> -> memref<1x1x64xf32, #tpu.memory_space<vmem>>
        tpu.enqueue_dma source(%dma_start3A_927 : memref<1x1x64xf32, #tpu.memory_space<vmem>>) target(%dma_start3A_924 : memref<1x1x64xf32, #tpu.memory_space<hbm>>) target_semaphore(%arg18 : memref<!tpu.dma_semaphore, #tpu.memory_space<semaphore_mem>>)
        %add3A_928 = arith.constant 1 : i32
        %add3A_929 = arith.addi %while3A_856, %add3A_928 : i32
        scf.yield %add3A_929 : i32
      }
      %add3A_768 = arith.constant 3 : i32
      %add3A_769 = arith.addi %add3A_712, %add3A_768 : i32
      %mul3A_770 = arith.constant 32 : i32
      %mul3A_771 = arith.muli %add3A_769, %mul3A_770 : i32
      %add3A_772 = arith.addi %add3A, %mul3A_771 : i32
      %lt3A_773 = arith.cmpi slt, %add3A_769, %select_n3A : i32
      %jit3A_774 = arith.constant 0 : i32
      %select_n3A_775 = arith.select %lt3A_773, %add3A_772, %jit3A_774 : i32
      %mul3A_776 = arith.constant 256 : i32
      %mul3A_777 = arith.muli %select_n3A_775, %mul3A_776 : i32
      %dma_start3A_778 = arith.constant 0 : i32
      %dma_start3A_779 = tpu.memref_slice %arg3[%dma_start3A_778, %mul3A_777] : memref<64x1000000xf32, #tpu.memory_space<hbm>> -> memref<64x256xf32, #tpu.memory_space<hbm>>
      %dma_start3A_780 = arith.constant 0 : i32
      %dma_start3A_781 = tpu.memref_slice %arg3[%dma_start3A_780, %mul3A_777] : memref<64x1000000xf32, #tpu.memory_space<hbm>> -> memref<64x256xf32, #tpu.memory_space<hbm>>
      tpu.enqueue_dma source(%dma_start3A_781 : memref<64x256xf32, #tpu.memory_space<hbm>>) target(%arg11 : memref<64x256xf32, #tpu.memory_space<vmem>>) target_semaphore(%arg16 : memref<!tpu.dma_semaphore, #tpu.memory_space<semaphore_mem>>)
      %mul3A_782 = arith.constant 3 : i32
      %mul3A_783 = arith.muli %mul3A_782, %add3A_635 : i32
      %add3A_784 = arith.constant 2 : i32
      %add3A_785 = arith.addi %mul3A_783, %add3A_784 : i32
      %dma_wait3A_786 = arith.constant 0 : i32
      %dma_wait3A_787 = arith.constant 0 : i32
      %dma_wait3A_788 = tpu.memref_slice %arg3[%dma_wait3A_786, %dma_wait3A_787] : memref<64x1000000xf32, #tpu.memory_space<hbm>> -> memref<64x256xf32, #tpu.memory_space<hbm>>
      %dma_wait3A_789 = arith.constant 0 : i32
      %dma_wait3A_790 = arith.constant 0 : i32
      %dma_wait3A_791 = tpu.memref_slice %arg3[%dma_wait3A_789, %dma_wait3A_790] : memref<64x1000000xf32, #tpu.memory_space<hbm>> -> memref<64x256xf32, #tpu.memory_space<hbm>>
      tpu.wait_dma2 semaphore(%arg17 : memref<!tpu.dma_semaphore, #tpu.memory_space<semaphore_mem>>) src(%dma_wait3A_791 : memref<64x256xf32, #tpu.memory_space<hbm>>) dst(%arg12 : memref<64x256xf32, #tpu.memory_space<vmem>>)
      %lt3A_792 = arith.cmpi slt, %add3A_785, %select_n3A : i32
      %mul3A_793 = arith.constant 32 : i32
      %mul3A_794 = arith.muli %add3A_785, %mul3A_793 : i32
      %add3A_795 = arith.addi %add3A, %mul3A_794 : i32
      %jit3A_796 = arith.constant -1 : i32
      %select_n3A_797 = arith.select %lt3A_792, %add3A_795, %jit3A_796 : i32
      %sub3A_798 = arith.constant 0 : i32
      %sub3A_799 = arith.subi %shift_right_arithmetic3A_308, %sub3A_798 : i32
      %sub3A_800 = arith.constant 1 : i32
      %sub3A_801 = arith.constant 1 : i32
      %sub3A_802 = arith.subi %sub3A_800, %sub3A_801 : i32
      %add3A_803 = arith.addi %sub3A_799, %sub3A_802 : i32
      %div3A_804 = arith.constant 1 : i32
      %div3A_805 = arith.divsi %add3A_803, %div3A_804 : i32
      %while3A_806 = arith.constant 1 : i32
      %while3A_807 = arith.constant 0 : i32
      %while3A_808 = arith.constant 0 : i32
      %while3A_809 = arith.constant 0 : i32
      %while3A_810 = arith.subi %div3A_805, %while3A_808 : i32
      %while3A_811 = arith.addi %while3A_808, %while3A_810 : i32
      %while3A_812 = arith.constant 1 : i32
      %while3A_813 = arith.divsi %while3A_810, %while3A_812 : i32
      %while3A_814 = arith.muli %while3A_813, %while3A_812 : i32
      %while3A_815 = arith.addi %while3A_808, %while3A_814 : i32
      %while3A_816 = arith.constant 1 : i32
      %while3A_817 = scf.for %while3A_855 = %while3A_808 to %while3A_815 step %while3A_816 iter_args(%while3A_856 = %while3A_809) -> (i32)  : i32 {
        %mul3A_857 = arith.muli %while3A_855, %while3A_806 : i32
        %add3A_858 = arith.addi %while3A_807, %mul3A_857 : i32
        %mul3A_859 = arith.constant 16 : i32
        %mul3A_860 = arith.muli %add3A_858, %mul3A_859 : i32
        %get3A = arith.index_cast %mul3A_860 : i32 to index
        %get3A_861 = tpu.vector_load %arg7[%get3A] {strides = array<i32>} : memref<16400xi32, #tpu.memory_space<vmem>>, vector<16xi32>,
        %mul3A_862 = arith.constant 16 : i32
        %mul3A_863 = arith.muli %add3A_858, %mul3A_862 : i32
        %get3A_864 = arith.index_cast %mul3A_863 : i32 to index
        %get3A_865 = tpu.vector_load %arg8[%get3A_864] {strides = array<i32>} : memref<16400xi32, #tpu.memory_space<vmem>>, vector<16xi32>,
        %shift_right_arithmetic3A_866 = arith.constant 8 : i32
        %shift_right_arithmetic3A_867 = vector.broadcast %shift_right_arithmetic3A_866 : i32 to vector<16xi32>
        %shift_right_arithmetic3A_868 = arith.shrsi %get3A_861, %shift_right_arithmetic3A_867 : vector<16xi32>
        %eq3A = vector.broadcast %select_n3A_797 : i32 to vector<16xi32>
        %eq3A_869 = arith.cmpi eq, %shift_right_arithmetic3A_868, %eq3A : vector<16xi32>
        %mul3A_870 = arith.constant 16 : i32
        %mul3A_871 = arith.muli %add3A_858, %mul3A_870 : i32
        %add3A_872 = vector.broadcast %mul3A_871 : i32 to vector<16xi32>
        %add3A_873 = arith.addi %iota3A, %add3A_872 : vector<16xi32>
        %lt3A_874 = vector.broadcast %scan3A_304 : i32 to vector<16xi32>
        %lt3A_875 = arith.cmpi slt, %add3A_873, %lt3A_874 : vector<16xi32>
        %and3A = arith.andi %eq3A_869, %lt3A_875 : vector<16xi1>
        %and3A_876 = arith.constant 255 : i32
        %and3A_877 = vector.broadcast %and3A_876 : i32 to vector<16xi32>
        %and3A_878 = arith.andi %get3A_861, %and3A_877 : vector<16xi32>
        %shift_left3A = arith.constant 14 : i32
        %shift_left3A_879 = vector.broadcast %shift_left3A : i32 to vector<16xi32>
        %shift_left3A_880 = arith.shli %and3A_878, %shift_left3A_879 : vector<16xi32>
        %or3A = arith.ori %shift_left3A_880, %get3A_865 : vector<16xi32>
        %jit3A_881 = arith.constant 1 : i32
        %jit3A_882 = arith.constant 0 : i32
        %broadcast_in_dim3A = vector.broadcast %jit3A_881 : i32 to vector<16xi32>
        %broadcast_in_dim3A_883 = vector.broadcast %jit3A_882 : i32 to vector<16xi32>
        %select_n3A_884 = arith.select %and3A, %broadcast_in_dim3A, %broadcast_in_dim3A_883 : vector<16xi1>, vector<16xi32>
        %broadcast_in_dim3A_885 = arith.constant true
        %broadcast_in_dim3A_886 = vector.broadcast %broadcast_in_dim3A_885 : i1 to vector<16xi1>
        %masked_cumsum3A = tpu.scan <sum>, %select_n3A_884 masked %broadcast_in_dim3A_886 : vector<16xi32>, vector<16xi1> -> vector<16xi32>
        %add3A_887 = vector.broadcast %while3A_856 : i32 to vector<16xi32>
        %add3A_888 = arith.addi %add3A_887, %masked_cumsum3A : vector<16xi32>
        %sub3A_889 = arith.constant 1 : i32
        %sub3A_890 = vector.broadcast %sub3A_889 : i32 to vector<16xi32>
        %sub3A_891 = arith.subi %add3A_888, %sub3A_890 : vector<16xi32>
        %jit3A_892 = arith.constant 0 : i32
        %broadcast_in_dim3A_893 = vector.broadcast %jit3A_892 : i32 to vector<16xi32>
        %select_n3A_894 = arith.select %and3A, %sub3A_891, %broadcast_in_dim3A_893 : vector<16xi1>, vector<16xi32>
        tpu.vector_store_idx %arg9[%select_n3A_894], %or3A masked %and3A : memref<16400xi32, #tpu.memory_space<vmem>>[vector<16xi32>], vector<16xi32>, vector<16xi1>
        %all_reduce_population_count3A = tpu.all_reduce %and3A {dim = 0 : i64, kind = #tpu.reduction_kind<sum>} : vector<16xi1> -> vector<16xi32>
        %slice3A = vector.extract_strided_slice %all_reduce_population_count3A {offsets = [0], sizes = [1], strides = [1]} : vector<16xi32> to vector<1xi32>
        %squeeze3A = vector.extract %slice3A[0] : i32 from vector<1xi32>
        %add3A_895 = arith.addi %while3A_856, %squeeze3A : i32
        scf.yield %add3A_895 : i32
      }
      %while3A_818 = arith.constant 1 : i32
      %while3A_819 = scf.for %while3A_855 = %while3A_815 to %while3A_811 step %while3A_818 iter_args(%while3A_856 = %while3A_817) -> (i32)  : i32 {
        %mul3A_857 = arith.muli %while3A_855, %while3A_806 : i32
        %add3A_858 = arith.addi %while3A_807, %mul3A_857 : i32
        %mul3A_859 = arith.constant 16 : i32
        %mul3A_860 = arith.muli %add3A_858, %mul3A_859 : i32
        %get3A = arith.index_cast %mul3A_860 : i32 to index
        %get3A_861 = tpu.vector_load %arg7[%get3A] {strides = array<i32>} : memref<16400xi32, #tpu.memory_space<vmem>>, vector<16xi32>,
        %mul3A_862 = arith.constant 16 : i32
        %mul3A_863 = arith.muli %add3A_858, %mul3A_862 : i32
        %get3A_864 = arith.index_cast %mul3A_863 : i32 to index
        %get3A_865 = tpu.vector_load %arg8[%get3A_864] {strides = array<i32>} : memref<16400xi32, #tpu.memory_space<vmem>>, vector<16xi32>,
        %shift_right_arithmetic3A_866 = arith.constant 8 : i32
        %shift_right_arithmetic3A_867 = vector.broadcast %shift_right_arithmetic3A_866 : i32 to vector<16xi32>
        %shift_right_arithmetic3A_868 = arith.shrsi %get3A_861, %shift_right_arithmetic3A_867 : vector<16xi32>
        %eq3A = vector.broadcast %select_n3A_797 : i32 to vector<16xi32>
        %eq3A_869 = arith.cmpi eq, %shift_right_arithmetic3A_868, %eq3A : vector<16xi32>
        %mul3A_870 = arith.constant 16 : i32
        %mul3A_871 = arith.muli %add3A_858, %mul3A_870 : i32
        %add3A_872 = vector.broadcast %mul3A_871 : i32 to vector<16xi32>
        %add3A_873 = arith.addi %iota3A, %add3A_872 : vector<16xi32>
        %lt3A_874 = vector.broadcast %scan3A_304 : i32 to vector<16xi32>
        %lt3A_875 = arith.cmpi slt, %add3A_873, %lt3A_874 : vector<16xi32>
        %and3A = arith.andi %eq3A_869, %lt3A_875 : vector<16xi1>
        %and3A_876 = arith.constant 255 : i32
        %and3A_877 = vector.broadcast %and3A_876 : i32 to vector<16xi32>
        %and3A_878 = arith.andi %get3A_861, %and3A_877 : vector<16xi32>
        %shift_left3A = arith.constant 14 : i32
        %shift_left3A_879 = vector.broadcast %shift_left3A : i32 to vector<16xi32>
        %shift_left3A_880 = arith.shli %and3A_878, %shift_left3A_879 : vector<16xi32>
        %or3A = arith.ori %shift_left3A_880, %get3A_865 : vector<16xi32>
        %jit3A_881 = arith.constant 1 : i32
        %jit3A_882 = arith.constant 0 : i32
        %broadcast_in_dim3A = vector.broadcast %jit3A_881 : i32 to vector<16xi32>
        %broadcast_in_dim3A_883 = vector.broadcast %jit3A_882 : i32 to vector<16xi32>
        %select_n3A_884 = arith.select %and3A, %broadcast_in_dim3A, %broadcast_in_dim3A_883 : vector<16xi1>, vector<16xi32>
        %broadcast_in_dim3A_885 = arith.constant true
        %broadcast_in_dim3A_886 = vector.broadcast %broadcast_in_dim3A_885 : i1 to vector<16xi1>
        %masked_cumsum3A = tpu.scan <sum>, %select_n3A_884 masked %broadcast_in_dim3A_886 : vector<16xi32>, vector<16xi1> -> vector<16xi32>
        %add3A_887 = vector.broadcast %while3A_856 : i32 to vector<16xi32>
        %add3A_888 = arith.addi %add3A_887, %masked_cumsum3A : vector<16xi32>
        %sub3A_889 = arith.constant 1 : i32
        %sub3A_890 = vector.broadcast %sub3A_889 : i32 to vector<16xi32>
        %sub3A_891 = arith.subi %add3A_888, %sub3A_890 : vector<16xi32>
        %jit3A_892 = arith.constant 0 : i32
        %broadcast_in_dim3A_893 = vector.broadcast %jit3A_892 : i32 to vector<16xi32>
        %select_n3A_894 = arith.select %and3A, %sub3A_891, %broadcast_in_dim3A_893 : vector<16xi1>, vector<16xi32>
        tpu.vector_store_idx %arg9[%select_n3A_894], %or3A masked %and3A : memref<16400xi32, #tpu.memory_space<vmem>>[vector<16xi32>], vector<16xi32>, vector<16xi1>
        %all_reduce_population_count3A = tpu.all_reduce %and3A {dim = 0 : i64, kind = #tpu.reduction_kind<sum>} : vector<16xi1> -> vector<16xi32>
        %slice3A = vector.extract_strided_slice %all_reduce_population_count3A {offsets = [0], sizes = [1], strides = [1]} : vector<16xi32> to vector<1xi32>
        %squeeze3A = vector.extract %slice3A[0] : i32 from vector<1xi32>
        %add3A_895 = arith.addi %while3A_856, %squeeze3A : i32
        scf.yield %add3A_895 : i32
      }
      %sub3A_820 = arith.constant 0 : i32
      %sub3A_821 = arith.subi %while3A_819, %sub3A_820 : i32
      %sub3A_822 = arith.constant 1 : i32
      %sub3A_823 = arith.constant 1 : i32
      %sub3A_824 = arith.subi %sub3A_822, %sub3A_823 : i32
      %add3A_825 = arith.addi %sub3A_821, %sub3A_824 : i32
      %div3A_826 = arith.constant 1 : i32
      %div3A_827 = arith.divsi %add3A_825, %div3A_826 : i32
      %while3A_828 = arith.constant 1 : i32
      %while3A_829 = arith.constant 0 : i32
      %while3A_830 = arith.constant 0 : i32
      %while3A_831 = arith.subi %div3A_827, %while3A_830 : i32
      %while3A_832 = arith.addi %while3A_830, %while3A_831 : i32
      %while3A_833 = arith.constant 1 : i32
      %while3A_834 = arith.divsi %while3A_831, %while3A_833 : i32
      %while3A_835 = arith.muli %while3A_834, %while3A_833 : i32
      %while3A_836 = arith.addi %while3A_830, %while3A_835 : i32
      %while3A_837 = arith.constant 1 : i32
      %while3A_838 = scf.for %while3A_855 = %while3A_830 to %while3A_836 step %while3A_837 iter_args(%while3A_856 = %while3A_767) -> (i32)  : i32 {
        %mul3A_857 = arith.muli %while3A_855, %while3A_828 : i32
        %add3A_858 = arith.addi %while3A_829, %mul3A_857 : i32
        %broadcast_in_dim3A = vector.broadcast %add3A_858 : i32 to vector<16xi32>
        %gather3A = tpu.vector_load_idx %arg9[%broadcast_in_dim3A] : memref<16400xi32, #tpu.memory_space<vmem>>[vector<16xi32>], vector<16xi32>,
        %shift_right_arithmetic3A_859 = arith.constant 14 : i32
        %shift_right_arithmetic3A_860 = vector.broadcast %shift_right_arithmetic3A_859 : i32 to vector<16xi32>
        %shift_right_arithmetic3A_861 = arith.shrsi %gather3A, %shift_right_arithmetic3A_860 : vector<16xi32>
        %slice3A = vector.extract_strided_slice %gather3A {offsets = [0], sizes = [1], strides = [1]} : vector<16xi32> to vector<1xi32>
        %squeeze3A = vector.extract %slice3A[0] : i32 from vector<1xi32>
        %and3A = arith.constant 16383 : i32
        %and3A_862 = arith.andi %squeeze3A, %and3A : i32
        %and3A_863 = arith.constant 15 : i32
        %and3A_864 = arith.andi %while3A_856, %and3A_863 : i32
        %dma_wait3A_865 = arith.constant 0 : i32
        %dma_wait3A_866 = arith.constant 0 : i32
        %dma_wait3A_867 = arith.constant 0 : i32
        %dma_wait3A_868 = tpu.memref_slice %arg14[%dma_wait3A_865, %dma_wait3A_866, %dma_wait3A_867] : memref<16x1x64xf32, #tpu.memory_space<vmem>> -> memref<1x1x64xf32, #tpu.memory_space<vmem>>
        %dma_wait3A_869 = arith.constant 0 : i32
        %dma_wait3A_870 = arith.constant 0 : i32
        %dma_wait3A_871 = arith.constant 0 : i32
        %dma_wait3A_872 = tpu.memref_slice %arg5[%dma_wait3A_869, %dma_wait3A_870, %dma_wait3A_871] : memref<16384x1x64xf32, #tpu.memory_space<hbm>> -> memref<1x1x64xf32, #tpu.memory_space<hbm>>
        %dma_wait3A_873 = arith.constant 0 : i32
        %dma_wait3A_874 = arith.constant 0 : i32
        %dma_wait3A_875 = arith.constant 0 : i32
        %dma_wait3A_876 = tpu.memref_slice %arg14[%dma_wait3A_873, %dma_wait3A_874, %dma_wait3A_875] : memref<16x1x64xf32, #tpu.memory_space<vmem>> -> memref<1x1x64xf32, #tpu.memory_space<vmem>>
        %dma_wait3A_877 = arith.constant 0 : i32
        %dma_wait3A_878 = arith.constant 0 : i32
        %dma_wait3A_879 = arith.constant 0 : i32
        %dma_wait3A_880 = tpu.memref_slice %arg5[%dma_wait3A_877, %dma_wait3A_878, %dma_wait3A_879] : memref<16384x1x64xf32, #tpu.memory_space<hbm>> -> memref<1x1x64xf32, #tpu.memory_space<hbm>>
        tpu.wait_dma2 semaphore(%arg18 : memref<!tpu.dma_semaphore, #tpu.memory_space<semaphore_mem>>) src(%dma_wait3A_880 : memref<1x1x64xf32, #tpu.memory_space<hbm>>) dst(%dma_wait3A_876 : memref<1x1x64xf32, #tpu.memory_space<vmem>>)
        %add3A_881 = arith.constant 0 : i32
        %add3A_882 = vector.broadcast %add3A_881 : i32 to vector<16xi32>
        %add3A_883 = arith.addi %iota3A, %add3A_882 : vector<16xi32>
        %gather3A_884 = tpu.vector_load_idx %arg12[%add3A_883, %shift_right_arithmetic3A_861] : memref<64x256xf32, #tpu.memory_space<vmem>>[vector<16xi32>, vector<16xi32>], vector<16xf32>,
        %swap3A = arith.constant 0 : i32
        %swap3A_885 = arith.index_cast %and3A_864 : i32 to index
        %swap3A_886 = arith.index_cast %swap3A : i32 to index
        %swap3A_887 = arith.constant 0 : index
        %swap3A_888 = tpu.vector_load %arg14[%swap3A_885, %swap3A_886, %swap3A_887] {strides = array<i32>} : memref<16x1x64xf32, #tpu.memory_space<vmem>>, vector<16xf32>,
        tpu.vector_store %arg14[%swap3A_885, %swap3A_886, %swap3A_887], %gather3A_884 {strides = array<i32>} : memref<16x1x64xf32, #tpu.memory_space<vmem>>, vector<16xf32>,
        %add3A_889 = arith.constant 16 : i32
        %add3A_890 = vector.broadcast %add3A_889 : i32 to vector<16xi32>
        %add3A_891 = arith.addi %iota3A, %add3A_890 : vector<16xi32>
        %gather3A_892 = tpu.vector_load_idx %arg12[%add3A_891, %shift_right_arithmetic3A_861] : memref<64x256xf32, #tpu.memory_space<vmem>>[vector<16xi32>, vector<16xi32>], vector<16xf32>,
        %swap3A_893 = arith.constant 0 : i32
        %swap3A_894 = arith.index_cast %and3A_864 : i32 to index
        %swap3A_895 = arith.index_cast %swap3A_893 : i32 to index
        %swap3A_896 = arith.constant 16 : index
        %swap3A_897 = tpu.vector_load %arg14[%swap3A_894, %swap3A_895, %swap3A_896] {strides = array<i32>} : memref<16x1x64xf32, #tpu.memory_space<vmem>>, vector<16xf32>,
        tpu.vector_store %arg14[%swap3A_894, %swap3A_895, %swap3A_896], %gather3A_892 {strides = array<i32>} : memref<16x1x64xf32, #tpu.memory_space<vmem>>, vector<16xf32>,
        %add3A_898 = arith.constant 32 : i32
        %add3A_899 = vector.broadcast %add3A_898 : i32 to vector<16xi32>
        %add3A_900 = arith.addi %iota3A, %add3A_899 : vector<16xi32>
        %gather3A_901 = tpu.vector_load_idx %arg12[%add3A_900, %shift_right_arithmetic3A_861] : memref<64x256xf32, #tpu.memory_space<vmem>>[vector<16xi32>, vector<16xi32>], vector<16xf32>,
        %swap3A_902 = arith.constant 0 : i32
        %swap3A_903 = arith.index_cast %and3A_864 : i32 to index
        %swap3A_904 = arith.index_cast %swap3A_902 : i32 to index
        %swap3A_905 = arith.constant 32 : index
        %swap3A_906 = tpu.vector_load %arg14[%swap3A_903, %swap3A_904, %swap3A_905] {strides = array<i32>} : memref<16x1x64xf32, #tpu.memory_space<vmem>>, vector<16xf32>,
        tpu.vector_store %arg14[%swap3A_903, %swap3A_904, %swap3A_905], %gather3A_901 {strides = array<i32>} : memref<16x1x64xf32, #tpu.memory_space<vmem>>, vector<16xf32>,
        %add3A_907 = arith.constant 48 : i32
        %add3A_908 = vector.broadcast %add3A_907 : i32 to vector<16xi32>
        %add3A_909 = arith.addi %iota3A, %add3A_908 : vector<16xi32>
        %gather3A_910 = tpu.vector_load_idx %arg12[%add3A_909, %shift_right_arithmetic3A_861] : memref<64x256xf32, #tpu.memory_space<vmem>>[vector<16xi32>, vector<16xi32>], vector<16xf32>,
        %swap3A_911 = arith.constant 0 : i32
        %swap3A_912 = arith.index_cast %and3A_864 : i32 to index
        %swap3A_913 = arith.index_cast %swap3A_911 : i32 to index
        %swap3A_914 = arith.constant 48 : index
        %swap3A_915 = tpu.vector_load %arg14[%swap3A_912, %swap3A_913, %swap3A_914] {strides = array<i32>} : memref<16x1x64xf32, #tpu.memory_space<vmem>>, vector<16xf32>,
        tpu.vector_store %arg14[%swap3A_912, %swap3A_913, %swap3A_914], %gather3A_910 {strides = array<i32>} : memref<16x1x64xf32, #tpu.memory_space<vmem>>, vector<16xf32>,
        %dma_start3A_916 = arith.constant 0 : i32
        %dma_start3A_917 = arith.constant 0 : i32
        %dma_start3A_918 = tpu.memref_slice %arg14[%and3A_864, %dma_start3A_916, %dma_start3A_917] : memref<16x1x64xf32, #tpu.memory_space<vmem>> -> memref<1x1x64xf32, #tpu.memory_space<vmem>>
        %dma_start3A_919 = arith.constant 0 : i32
        %dma_start3A_920 = arith.constant 0 : i32
        %dma_start3A_921 = tpu.memref_slice %arg5[%and3A_862, %dma_start3A_919, %dma_start3A_920] : memref<16384x1x64xf32, #tpu.memory_space<hbm>> -> memref<1x1x64xf32, #tpu.memory_space<hbm>>
        %dma_start3A_922 = arith.constant 0 : i32
        %dma_start3A_923 = arith.constant 0 : i32
        %dma_start3A_924 = tpu.memref_slice %arg5[%and3A_862, %dma_start3A_922, %dma_start3A_923] : memref<16384x1x64xf32, #tpu.memory_space<hbm>> -> memref<1x1x64xf32, #tpu.memory_space<hbm>>
        %dma_start3A_925 = arith.constant 0 : i32
        %dma_start3A_926 = arith.constant 0 : i32
        %dma_start3A_927 = tpu.memref_slice %arg14[%and3A_864, %dma_start3A_925, %dma_start3A_926] : memref<16x1x64xf32, #tpu.memory_space<vmem>> -> memref<1x1x64xf32, #tpu.memory_space<vmem>>
        tpu.enqueue_dma source(%dma_start3A_927 : memref<1x1x64xf32, #tpu.memory_space<vmem>>) target(%dma_start3A_924 : memref<1x1x64xf32, #tpu.memory_space<hbm>>) target_semaphore(%arg18 : memref<!tpu.dma_semaphore, #tpu.memory_space<semaphore_mem>>)
        %add3A_928 = arith.constant 1 : i32
        %add3A_929 = arith.addi %while3A_856, %add3A_928 : i32
        scf.yield %add3A_929 : i32
      }
      %while3A_839 = arith.constant 1 : i32
      %while3A_840 = scf.for %while3A_855 = %while3A_836 to %while3A_832 step %while3A_839 iter_args(%while3A_856 = %while3A_838) -> (i32)  : i32 {
        %mul3A_857 = arith.muli %while3A_855, %while3A_828 : i32
        %add3A_858 = arith.addi %while3A_829, %mul3A_857 : i32
        %broadcast_in_dim3A = vector.broadcast %add3A_858 : i32 to vector<16xi32>
        %gather3A = tpu.vector_load_idx %arg9[%broadcast_in_dim3A] : memref<16400xi32, #tpu.memory_space<vmem>>[vector<16xi32>], vector<16xi32>,
        %shift_right_arithmetic3A_859 = arith.constant 14 : i32
        %shift_right_arithmetic3A_860 = vector.broadcast %shift_right_arithmetic3A_859 : i32 to vector<16xi32>
        %shift_right_arithmetic3A_861 = arith.shrsi %gather3A, %shift_right_arithmetic3A_860 : vector<16xi32>
        %slice3A = vector.extract_strided_slice %gather3A {offsets = [0], sizes = [1], strides = [1]} : vector<16xi32> to vector<1xi32>
        %squeeze3A = vector.extract %slice3A[0] : i32 from vector<1xi32>
        %and3A = arith.constant 16383 : i32
        %and3A_862 = arith.andi %squeeze3A, %and3A : i32
        %and3A_863 = arith.constant 15 : i32
        %and3A_864 = arith.andi %while3A_856, %and3A_863 : i32
        %dma_wait3A_865 = arith.constant 0 : i32
        %dma_wait3A_866 = arith.constant 0 : i32
        %dma_wait3A_867 = arith.constant 0 : i32
        %dma_wait3A_868 = tpu.memref_slice %arg14[%dma_wait3A_865, %dma_wait3A_866, %dma_wait3A_867] : memref<16x1x64xf32, #tpu.memory_space<vmem>> -> memref<1x1x64xf32, #tpu.memory_space<vmem>>
        %dma_wait3A_869 = arith.constant 0 : i32
        %dma_wait3A_870 = arith.constant 0 : i32
        %dma_wait3A_871 = arith.constant 0 : i32
        %dma_wait3A_872 = tpu.memref_slice %arg5[%dma_wait3A_869, %dma_wait3A_870, %dma_wait3A_871] : memref<16384x1x64xf32, #tpu.memory_space<hbm>> -> memref<1x1x64xf32, #tpu.memory_space<hbm>>
        %dma_wait3A_873 = arith.constant 0 : i32
        %dma_wait3A_874 = arith.constant 0 : i32
        %dma_wait3A_875 = arith.constant 0 : i32
        %dma_wait3A_876 = tpu.memref_slice %arg14[%dma_wait3A_873, %dma_wait3A_874, %dma_wait3A_875] : memref<16x1x64xf32, #tpu.memory_space<vmem>> -> memref<1x1x64xf32, #tpu.memory_space<vmem>>
        %dma_wait3A_877 = arith.constant 0 : i32
        %dma_wait3A_878 = arith.constant 0 : i32
        %dma_wait3A_879 = arith.constant 0 : i32
        %dma_wait3A_880 = tpu.memref_slice %arg5[%dma_wait3A_877, %dma_wait3A_878, %dma_wait3A_879] : memref<16384x1x64xf32, #tpu.memory_space<hbm>> -> memref<1x1x64xf32, #tpu.memory_space<hbm>>
        tpu.wait_dma2 semaphore(%arg18 : memref<!tpu.dma_semaphore, #tpu.memory_space<semaphore_mem>>) src(%dma_wait3A_880 : memref<1x1x64xf32, #tpu.memory_space<hbm>>) dst(%dma_wait3A_876 : memref<1x1x64xf32, #tpu.memory_space<vmem>>)
        %add3A_881 = arith.constant 0 : i32
        %add3A_882 = vector.broadcast %add3A_881 : i32 to vector<16xi32>
        %add3A_883 = arith.addi %iota3A, %add3A_882 : vector<16xi32>
        %gather3A_884 = tpu.vector_load_idx %arg12[%add3A_883, %shift_right_arithmetic3A_861] : memref<64x256xf32, #tpu.memory_space<vmem>>[vector<16xi32>, vector<16xi32>], vector<16xf32>,
        %swap3A = arith.constant 0 : i32
        %swap3A_885 = arith.index_cast %and3A_864 : i32 to index
        %swap3A_886 = arith.index_cast %swap3A : i32 to index
        %swap3A_887 = arith.constant 0 : index
        %swap3A_888 = tpu.vector_load %arg14[%swap3A_885, %swap3A_886, %swap3A_887] {strides = array<i32>} : memref<16x1x64xf32, #tpu.memory_space<vmem>>, vector<16xf32>,
        tpu.vector_store %arg14[%swap3A_885, %swap3A_886, %swap3A_887], %gather3A_884 {strides = array<i32>} : memref<16x1x64xf32, #tpu.memory_space<vmem>>, vector<16xf32>,
        %add3A_889 = arith.constant 16 : i32
        %add3A_890 = vector.broadcast %add3A_889 : i32 to vector<16xi32>
        %add3A_891 = arith.addi %iota3A, %add3A_890 : vector<16xi32>
        %gather3A_892 = tpu.vector_load_idx %arg12[%add3A_891, %shift_right_arithmetic3A_861] : memref<64x256xf32, #tpu.memory_space<vmem>>[vector<16xi32>, vector<16xi32>], vector<16xf32>,
        %swap3A_893 = arith.constant 0 : i32
        %swap3A_894 = arith.index_cast %and3A_864 : i32 to index
        %swap3A_895 = arith.index_cast %swap3A_893 : i32 to index
        %swap3A_896 = arith.constant 16 : index
        %swap3A_897 = tpu.vector_load %arg14[%swap3A_894, %swap3A_895, %swap3A_896] {strides = array<i32>} : memref<16x1x64xf32, #tpu.memory_space<vmem>>, vector<16xf32>,
        tpu.vector_store %arg14[%swap3A_894, %swap3A_895, %swap3A_896], %gather3A_892 {strides = array<i32>} : memref<16x1x64xf32, #tpu.memory_space<vmem>>, vector<16xf32>,
        %add3A_898 = arith.constant 32 : i32
        %add3A_899 = vector.broadcast %add3A_898 : i32 to vector<16xi32>
        %add3A_900 = arith.addi %iota3A, %add3A_899 : vector<16xi32>
        %gather3A_901 = tpu.vector_load_idx %arg12[%add3A_900, %shift_right_arithmetic3A_861] : memref<64x256xf32, #tpu.memory_space<vmem>>[vector<16xi32>, vector<16xi32>], vector<16xf32>,
        %swap3A_902 = arith.constant 0 : i32
        %swap3A_903 = arith.index_cast %and3A_864 : i32 to index
        %swap3A_904 = arith.index_cast %swap3A_902 : i32 to index
        %swap3A_905 = arith.constant 32 : index
        %swap3A_906 = tpu.vector_load %arg14[%swap3A_903, %swap3A_904, %swap3A_905] {strides = array<i32>} : memref<16x1x64xf32, #tpu.memory_space<vmem>>, vector<16xf32>,
        tpu.vector_store %arg14[%swap3A_903, %swap3A_904, %swap3A_905], %gather3A_901 {strides = array<i32>} : memref<16x1x64xf32, #tpu.memory_space<vmem>>, vector<16xf32>,
        %add3A_907 = arith.constant 48 : i32
        %add3A_908 = vector.broadcast %add3A_907 : i32 to vector<16xi32>
        %add3A_909 = arith.addi %iota3A, %add3A_908 : vector<16xi32>
        %gather3A_910 = tpu.vector_load_idx %arg12[%add3A_909, %shift_right_arithmetic3A_861] : memref<64x256xf32, #tpu.memory_space<vmem>>[vector<16xi32>, vector<16xi32>], vector<16xf32>,
        %swap3A_911 = arith.constant 0 : i32
        %swap3A_912 = arith.index_cast %and3A_864 : i32 to index
        %swap3A_913 = arith.index_cast %swap3A_911 : i32 to index
        %swap3A_914 = arith.constant 48 : index
        %swap3A_915 = tpu.vector_load %arg14[%swap3A_912, %swap3A_913, %swap3A_914] {strides = array<i32>} : memref<16x1x64xf32, #tpu.memory_space<vmem>>, vector<16xf32>,
        tpu.vector_store %arg14[%swap3A_912, %swap3A_913, %swap3A_914], %gather3A_910 {strides = array<i32>} : memref<16x1x64xf32, #tpu.memory_space<vmem>>, vector<16xf32>,
        %dma_start3A_916 = arith.constant 0 : i32
        %dma_start3A_917 = arith.constant 0 : i32
        %dma_start3A_918 = tpu.memref_slice %arg14[%and3A_864, %dma_start3A_916, %dma_start3A_917] : memref<16x1x64xf32, #tpu.memory_space<vmem>> -> memref<1x1x64xf32, #tpu.memory_space<vmem>>
        %dma_start3A_919 = arith.constant 0 : i32
        %dma_start3A_920 = arith.constant 0 : i32
        %dma_start3A_921 = tpu.memref_slice %arg5[%and3A_862, %dma_start3A_919, %dma_start3A_920] : memref<16384x1x64xf32, #tpu.memory_space<hbm>> -> memref<1x1x64xf32, #tpu.memory_space<hbm>>
        %dma_start3A_922 = arith.constant 0 : i32
        %dma_start3A_923 = arith.constant 0 : i32
        %dma_start3A_924 = tpu.memref_slice %arg5[%and3A_862, %dma_start3A_922, %dma_start3A_923] : memref<16384x1x64xf32, #tpu.memory_space<hbm>> -> memref<1x1x64xf32, #tpu.memory_space<hbm>>
        %dma_start3A_925 = arith.constant 0 : i32
        %dma_start3A_926 = arith.constant 0 : i32
        %dma_start3A_927 = tpu.memref_slice %arg14[%and3A_864, %dma_start3A_925, %dma_start3A_926] : memref<16x1x64xf32, #tpu.memory_space<vmem>> -> memref<1x1x64xf32, #tpu.memory_space<vmem>>
        tpu.enqueue_dma source(%dma_start3A_927 : memref<1x1x64xf32, #tpu.memory_space<vmem>>) target(%dma_start3A_924 : memref<1x1x64xf32, #tpu.memory_space<hbm>>) target_semaphore(%arg18 : memref<!tpu.dma_semaphore, #tpu.memory_space<semaphore_mem>>)
        %add3A_928 = arith.constant 1 : i32
        %add3A_929 = arith.addi %while3A_856, %add3A_928 : i32
        scf.yield %add3A_929 : i32
      }
      %add3A_841 = arith.constant 3 : i32
      %add3A_842 = arith.addi %add3A_785, %add3A_841 : i32
      %mul3A_843 = arith.constant 32 : i32
      %mul3A_844 = arith.muli %add3A_842, %mul3A_843 : i32
      %add3A_845 = arith.addi %add3A, %mul3A_844 : i32
      %lt3A_846 = arith.cmpi slt, %add3A_842, %select_n3A : i32
      %jit3A_847 = arith.constant 0 : i32
      %select_n3A_848 = arith.select %lt3A_846, %add3A_845, %jit3A_847 : i32
      %mul3A_849 = arith.constant 256 : i32
      %mul3A_850 = arith.muli %select_n3A_848, %mul3A_849 : i32
      %dma_start3A_851 = arith.constant 0 : i32
      %dma_start3A_852 = tpu.memref_slice %arg3[%dma_start3A_851, %mul3A_850] : memref<64x1000000xf32, #tpu.memory_space<hbm>> -> memref<64x256xf32, #tpu.memory_space<hbm>>
      %dma_start3A_853 = arith.constant 0 : i32
      %dma_start3A_854 = tpu.memref_slice %arg3[%dma_start3A_853, %mul3A_850] : memref<64x1000000xf32, #tpu.memory_space<hbm>> -> memref<64x256xf32, #tpu.memory_space<hbm>>
      tpu.enqueue_dma source(%dma_start3A_854 : memref<64x256xf32, #tpu.memory_space<hbm>>) target(%arg12 : memref<64x256xf32, #tpu.memory_space<vmem>>) target_semaphore(%arg17 : memref<!tpu.dma_semaphore, #tpu.memory_space<semaphore_mem>>)
      scf.yield %while3A_840 : i32
    }
    %scan3A_315 = arith.constant 41 : i32
    %dma_wait3A = arith.constant 0 : i32
    %dma_wait3A_316 = arith.constant 0 : i32
    %dma_wait3A_317 = tpu.memref_slice %arg3[%dma_wait3A, %dma_wait3A_316] : memref<64x1000000xf32, #tpu.memory_space<hbm>> -> memref<64x256xf32, #tpu.memory_space<hbm>>
    %dma_wait3A_318 = arith.constant 0 : i32
    %dma_wait3A_319 = arith.constant 0 : i32
    %dma_wait3A_320 = tpu.memref_slice %arg3[%dma_wait3A_318, %dma_wait3A_319] : memref<64x1000000xf32, #tpu.memory_space<hbm>> -> memref<64x256xf32, #tpu.memory_space<hbm>>
    tpu.wait_dma2 semaphore(%arg15 : memref<!tpu.dma_semaphore, #tpu.memory_space<semaphore_mem>>) src(%dma_wait3A_320 : memref<64x256xf32, #tpu.memory_space<hbm>>) dst(%arg10 : memref<64x256xf32, #tpu.memory_space<vmem>>)
    %dma_wait3A_321 = arith.constant 0 : i32
    %dma_wait3A_322 = arith.constant 0 : i32
    %dma_wait3A_323 = tpu.memref_slice %arg3[%dma_wait3A_321, %dma_wait3A_322] : memref<64x1000000xf32, #tpu.memory_space<hbm>> -> memref<64x256xf32, #tpu.memory_space<hbm>>
    %dma_wait3A_324 = arith.constant 0 : i32
    %dma_wait3A_325 = arith.constant 0 : i32
    %dma_wait3A_326 = tpu.memref_slice %arg3[%dma_wait3A_324, %dma_wait3A_325] : memref<64x1000000xf32, #tpu.memory_space<hbm>> -> memref<64x256xf32, #tpu.memory_space<hbm>>
    tpu.wait_dma2 semaphore(%arg16 : memref<!tpu.dma_semaphore, #tpu.memory_space<semaphore_mem>>) src(%dma_wait3A_326 : memref<64x256xf32, #tpu.memory_space<hbm>>) dst(%arg11 : memref<64x256xf32, #tpu.memory_space<vmem>>)
    %dma_wait3A_327 = arith.constant 0 : i32
    %dma_wait3A_328 = arith.constant 0 : i32
    %dma_wait3A_329 = tpu.memref_slice %arg3[%dma_wait3A_327, %dma_wait3A_328] : memref<64x1000000xf32, #tpu.memory_space<hbm>> -> memref<64x256xf32, #tpu.memory_space<hbm>>
    %dma_wait3A_330 = arith.constant 0 : i32
    %dma_wait3A_331 = arith.constant 0 : i32
    %dma_wait3A_332 = tpu.memref_slice %arg3[%dma_wait3A_330, %dma_wait3A_331] : memref<64x1000000xf32, #tpu.memory_space<hbm>> -> memref<64x256xf32, #tpu.memory_space<hbm>>
    tpu.wait_dma2 semaphore(%arg17 : memref<!tpu.dma_semaphore, #tpu.memory_space<semaphore_mem>>) src(%dma_wait3A_332 : memref<64x256xf32, #tpu.memory_space<hbm>>) dst(%arg12 : memref<64x256xf32, #tpu.memory_space<vmem>>)
    %sub3A = arith.constant 0 : i32
    %sub3A_333 = arith.subi %shift_right_arithmetic3A_308, %sub3A : i32
    %sub3A_334 = arith.constant 1 : i32
    %sub3A_335 = arith.constant 1 : i32
    %sub3A_336 = arith.subi %sub3A_334, %sub3A_335 : i32
    %add3A_337 = arith.addi %sub3A_333, %sub3A_336 : i32
    %div3A = arith.constant 1 : i32
    %div3A_338 = arith.divsi %add3A_337, %div3A : i32
    %while3A = arith.constant 1 : i32
    %while3A_339 = arith.constant 0 : i32
    %while3A_340 = arith.constant 3906 : i32
    %while3A_341 = arith.constant 0 : i32
    %while3A_342 = arith.constant 0 : i32
    %while3A_343 = arith.subi %div3A_338, %while3A_341 : i32
    %while3A_344 = arith.addi %while3A_341, %while3A_343 : i32
    %while3A_345 = arith.constant 1 : i32
    %while3A_346 = arith.divsi %while3A_343, %while3A_345 : i32
    %while3A_347 = arith.muli %while3A_346, %while3A_345 : i32
    %while3A_348 = arith.addi %while3A_341, %while3A_347 : i32
    %while3A_349 = arith.constant 1 : i32
    %while3A_350 = scf.for %while3A_630 = %while3A_341 to %while3A_348 step %while3A_349 iter_args(%while3A_631 = %while3A_342) -> (i32)  : i32 {
      %mul3A_632 = arith.muli %while3A_630, %while3A : i32
      %add3A_633 = arith.addi %while3A_339, %mul3A_632 : i32
      %mul3A_634 = arith.constant 16 : i32
      %mul3A_635 = arith.muli %add3A_633, %mul3A_634 : i32
      %get3A = arith.index_cast %mul3A_635 : i32 to index
      %get3A_636 = tpu.vector_load %arg7[%get3A] {strides = array<i32>} : memref<16400xi32, #tpu.memory_space<vmem>>, vector<16xi32>,
      %mul3A_637 = arith.constant 16 : i32
      %mul3A_638 = arith.muli %add3A_633, %mul3A_637 : i32
      %get3A_639 = arith.index_cast %mul3A_638 : i32 to index
      %get3A_640 = tpu.vector_load %arg8[%get3A_639] {strides = array<i32>} : memref<16400xi32, #tpu.memory_space<vmem>>, vector<16xi32>,
      %shift_right_arithmetic3A_641 = arith.constant 8 : i32
      %shift_right_arithmetic3A_642 = vector.broadcast %shift_right_arithmetic3A_641 : i32 to vector<16xi32>
      %shift_right_arithmetic3A_643 = arith.shrsi %get3A_636, %shift_right_arithmetic3A_642 : vector<16xi32>
      %eq3A = vector.broadcast %while3A_340 : i32 to vector<16xi32>
      %eq3A_644 = arith.cmpi eq, %shift_right_arithmetic3A_643, %eq3A : vector<16xi32>
      %mul3A_645 = arith.constant 16 : i32
      %mul3A_646 = arith.muli %add3A_633, %mul3A_645 : i32
      %add3A_647 = vector.broadcast %mul3A_646 : i32 to vector<16xi32>
      %add3A_648 = arith.addi %iota3A, %add3A_647 : vector<16xi32>
      %lt3A_649 = vector.broadcast %scan3A_304 : i32 to vector<16xi32>
      %lt3A_650 = arith.cmpi slt, %add3A_648, %lt3A_649 : vector<16xi32>
      %and3A = arith.andi %eq3A_644, %lt3A_650 : vector<16xi1>
      %and3A_651 = arith.constant 255 : i32
      %and3A_652 = vector.broadcast %and3A_651 : i32 to vector<16xi32>
      %and3A_653 = arith.andi %get3A_636, %and3A_652 : vector<16xi32>
      %shift_left3A = arith.constant 14 : i32
      %shift_left3A_654 = vector.broadcast %shift_left3A : i32 to vector<16xi32>
      %shift_left3A_655 = arith.shli %and3A_653, %shift_left3A_654 : vector<16xi32>
      %or3A = arith.ori %shift_left3A_655, %get3A_640 : vector<16xi32>
      %jit3A_656 = arith.constant 1 : i32
      %jit3A_657 = arith.constant 0 : i32
      %broadcast_in_dim3A = vector.broadcast %jit3A_656 : i32 to vector<16xi32>
      %broadcast_in_dim3A_658 = vector.broadcast %jit3A_657 : i32 to vector<16xi32>
      %select_n3A_659 = arith.select %and3A, %broadcast_in_dim3A, %broadcast_in_dim3A_658 : vector<16xi1>, vector<16xi32>
      %broadcast_in_dim3A_660 = arith.constant true
      %broadcast_in_dim3A_661 = vector.broadcast %broadcast_in_dim3A_660 : i1 to vector<16xi1>
      %masked_cumsum3A = tpu.scan <sum>, %select_n3A_659 masked %broadcast_in_dim3A_661 : vector<16xi32>, vector<16xi1> -> vector<16xi32>
      %add3A_662 = vector.broadcast %while3A_631 : i32 to vector<16xi32>
      %add3A_663 = arith.addi %add3A_662, %masked_cumsum3A : vector<16xi32>
      %sub3A_664 = arith.constant 1 : i32
      %sub3A_665 = vector.broadcast %sub3A_664 : i32 to vector<16xi32>
      %sub3A_666 = arith.subi %add3A_663, %sub3A_665 : vector<16xi32>
      %jit3A_667 = arith.constant 0 : i32
      %broadcast_in_dim3A_668 = vector.broadcast %jit3A_667 : i32 to vector<16xi32>
      %select_n3A_669 = arith.select %and3A, %sub3A_666, %broadcast_in_dim3A_668 : vector<16xi1>, vector<16xi32>
      tpu.vector_store_idx %arg9[%select_n3A_669], %or3A masked %and3A : memref<16400xi32, #tpu.memory_space<vmem>>[vector<16xi32>], vector<16xi32>, vector<16xi1>
      %all_reduce_population_count3A = tpu.all_reduce %and3A {dim = 0 : i64, kind = #tpu.reduction_kind<sum>} : vector<16xi1> -> vector<16xi32>
      %slice3A = vector.extract_strided_slice %all_reduce_population_count3A {offsets = [0], sizes = [1], strides = [1]} : vector<16xi32> to vector<1xi32>
      %squeeze3A = vector.extract %slice3A[0] : i32 from vector<1xi32>
      %add3A_670 = arith.addi %while3A_631, %squeeze3A : i32
      scf.yield %add3A_670 : i32
    }
    %while3A_351 = arith.constant 1 : i32
    %while3A_352 = scf.for %while3A_630 = %while3A_348 to %while3A_344 step %while3A_351 iter_args(%while3A_631 = %while3A_350) -> (i32)  : i32 {
      %mul3A_632 = arith.muli %while3A_630, %while3A : i32
      %add3A_633 = arith.addi %while3A_339, %mul3A_632 : i32
      %mul3A_634 = arith.constant 16 : i32
      %mul3A_635 = arith.muli %add3A_633, %mul3A_634 : i32
      %get3A = arith.index_cast %mul3A_635 : i32 to index
      %get3A_636 = tpu.vector_load %arg7[%get3A] {strides = array<i32>} : memref<16400xi32, #tpu.memory_space<vmem>>, vector<16xi32>,
      %mul3A_637 = arith.constant 16 : i32
      %mul3A_638 = arith.muli %add3A_633, %mul3A_637 : i32
      %get3A_639 = arith.index_cast %mul3A_638 : i32 to index
      %get3A_640 = tpu.vector_load %arg8[%get3A_639] {strides = array<i32>} : memref<16400xi32, #tpu.memory_space<vmem>>, vector<16xi32>,
      %shift_right_arithmetic3A_641 = arith.constant 8 : i32
      %shift_right_arithmetic3A_642 = vector.broadcast %shift_right_arithmetic3A_641 : i32 to vector<16xi32>
      %shift_right_arithmetic3A_643 = arith.shrsi %get3A_636, %shift_right_arithmetic3A_642 : vector<16xi32>
      %eq3A = vector.broadcast %while3A_340 : i32 to vector<16xi32>
      %eq3A_644 = arith.cmpi eq, %shift_right_arithmetic3A_643, %eq3A : vector<16xi32>
      %mul3A_645 = arith.constant 16 : i32
      %mul3A_646 = arith.muli %add3A_633, %mul3A_645 : i32
      %add3A_647 = vector.broadcast %mul3A_646 : i32 to vector<16xi32>
      %add3A_648 = arith.addi %iota3A, %add3A_647 : vector<16xi32>
      %lt3A_649 = vector.broadcast %scan3A_304 : i32 to vector<16xi32>
      %lt3A_650 = arith.cmpi slt, %add3A_648, %lt3A_649 : vector<16xi32>
      %and3A = arith.andi %eq3A_644, %lt3A_650 : vector<16xi1>
      %and3A_651 = arith.constant 255 : i32
      %and3A_652 = vector.broadcast %and3A_651 : i32 to vector<16xi32>
      %and3A_653 = arith.andi %get3A_636, %and3A_652 : vector<16xi32>
      %shift_left3A = arith.constant 14 : i32
      %shift_left3A_654 = vector.broadcast %shift_left3A : i32 to vector<16xi32>
      %shift_left3A_655 = arith.shli %and3A_653, %shift_left3A_654 : vector<16xi32>
      %or3A = arith.ori %shift_left3A_655, %get3A_640 : vector<16xi32>
      %jit3A_656 = arith.constant 1 : i32
      %jit3A_657 = arith.constant 0 : i32
      %broadcast_in_dim3A = vector.broadcast %jit3A_656 : i32 to vector<16xi32>
      %broadcast_in_dim3A_658 = vector.broadcast %jit3A_657 : i32 to vector<16xi32>
      %select_n3A_659 = arith.select %and3A, %broadcast_in_dim3A, %broadcast_in_dim3A_658 : vector<16xi1>, vector<16xi32>
      %broadcast_in_dim3A_660 = arith.constant true
      %broadcast_in_dim3A_661 = vector.broadcast %broadcast_in_dim3A_660 : i1 to vector<16xi1>
      %masked_cumsum3A = tpu.scan <sum>, %select_n3A_659 masked %broadcast_in_dim3A_661 : vector<16xi32>, vector<16xi1> -> vector<16xi32>
      %add3A_662 = vector.broadcast %while3A_631 : i32 to vector<16xi32>
      %add3A_663 = arith.addi %add3A_662, %masked_cumsum3A : vector<16xi32>
      %sub3A_664 = arith.constant 1 : i32
      %sub3A_665 = vector.broadcast %sub3A_664 : i32 to vector<16xi32>
      %sub3A_666 = arith.subi %add3A_663, %sub3A_665 : vector<16xi32>
      %jit3A_667 = arith.constant 0 : i32
      %broadcast_in_dim3A_668 = vector.broadcast %jit3A_667 : i32 to vector<16xi32>
      %select_n3A_669 = arith.select %and3A, %sub3A_666, %broadcast_in_dim3A_668 : vector<16xi1>, vector<16xi32>
      tpu.vector_store_idx %arg9[%select_n3A_669], %or3A masked %and3A : memref<16400xi32, #tpu.memory_space<vmem>>[vector<16xi32>], vector<16xi32>, vector<16xi1>
      %all_reduce_population_count3A = tpu.all_reduce %and3A {dim = 0 : i64, kind = #tpu.reduction_kind<sum>} : vector<16xi1> -> vector<16xi32>
      %slice3A = vector.extract_strided_slice %all_reduce_population_count3A {offsets = [0], sizes = [1], strides = [1]} : vector<16xi32> to vector<1xi32>
      %squeeze3A = vector.extract %slice3A[0] : i32 from vector<1xi32>
      %add3A_670 = arith.addi %while3A_631, %squeeze3A : i32
      scf.yield %add3A_670 : i32
    }
    %sub3A_353 = arith.constant 0 : i32
    %sub3A_354 = arith.subi %while3A_352, %sub3A_353 : i32
    %sub3A_355 = arith.constant 1 : i32
    %sub3A_356 = arith.constant 1 : i32
    %sub3A_357 = arith.subi %sub3A_355, %sub3A_356 : i32
    %add3A_358 = arith.addi %sub3A_354, %sub3A_357 : i32
    %div3A_359 = arith.constant 1 : i32
    %div3A_360 = arith.divsi %add3A_358, %div3A_359 : i32
    %while3A_361 = arith.constant 1 : i32
    %while3A_362 = arith.constant 0 : i32
    %while3A_363 = arith.constant 0 : i32
    %while3A_364 = arith.subi %div3A_360, %while3A_363 : i32
    %while3A_365 = arith.addi %while3A_363, %while3A_364 : i32
    %while3A_366 = arith.constant 1 : i32
    %while3A_367 = arith.divsi %while3A_364, %while3A_366 : i32
    %while3A_368 = arith.muli %while3A_367, %while3A_366 : i32
    %while3A_369 = arith.addi %while3A_363, %while3A_368 : i32
    %while3A_370 = arith.constant 1 : i32
    %while3A_371 = scf.for %while3A_630 = %while3A_363 to %while3A_369 step %while3A_370 iter_args(%while3A_631 = %scan3A_314) -> (i32)  : i32 {
      %mul3A_632 = arith.muli %while3A_630, %while3A_361 : i32
      %add3A_633 = arith.addi %while3A_362, %mul3A_632 : i32
      %broadcast_in_dim3A = vector.broadcast %add3A_633 : i32 to vector<16xi32>
      %gather3A = tpu.vector_load_idx %arg9[%broadcast_in_dim3A] : memref<16400xi32, #tpu.memory_space<vmem>>[vector<16xi32>], vector<16xi32>,
      %shift_right_arithmetic3A_634 = arith.constant 14 : i32
      %shift_right_arithmetic3A_635 = vector.broadcast %shift_right_arithmetic3A_634 : i32 to vector<16xi32>
      %shift_right_arithmetic3A_636 = arith.shrsi %gather3A, %shift_right_arithmetic3A_635 : vector<16xi32>
      %slice3A = vector.extract_strided_slice %gather3A {offsets = [0], sizes = [1], strides = [1]} : vector<16xi32> to vector<1xi32>
      %squeeze3A = vector.extract %slice3A[0] : i32 from vector<1xi32>
      %and3A = arith.constant 16383 : i32
      %and3A_637 = arith.andi %squeeze3A, %and3A : i32
      %and3A_638 = arith.constant 15 : i32
      %and3A_639 = arith.andi %while3A_631, %and3A_638 : i32
      %dma_wait3A_640 = arith.constant 0 : i32
      %dma_wait3A_641 = arith.constant 0 : i32
      %dma_wait3A_642 = arith.constant 0 : i32
      %dma_wait3A_643 = tpu.memref_slice %arg14[%dma_wait3A_640, %dma_wait3A_641, %dma_wait3A_642] : memref<16x1x64xf32, #tpu.memory_space<vmem>> -> memref<1x1x64xf32, #tpu.memory_space<vmem>>
      %dma_wait3A_644 = arith.constant 0 : i32
      %dma_wait3A_645 = arith.constant 0 : i32
      %dma_wait3A_646 = arith.constant 0 : i32
      %dma_wait3A_647 = tpu.memref_slice %arg5[%dma_wait3A_644, %dma_wait3A_645, %dma_wait3A_646] : memref<16384x1x64xf32, #tpu.memory_space<hbm>> -> memref<1x1x64xf32, #tpu.memory_space<hbm>>
      %dma_wait3A_648 = arith.constant 0 : i32
      %dma_wait3A_649 = arith.constant 0 : i32
      %dma_wait3A_650 = arith.constant 0 : i32
      %dma_wait3A_651 = tpu.memref_slice %arg14[%dma_wait3A_648, %dma_wait3A_649, %dma_wait3A_650] : memref<16x1x64xf32, #tpu.memory_space<vmem>> -> memref<1x1x64xf32, #tpu.memory_space<vmem>>
      %dma_wait3A_652 = arith.constant 0 : i32
      %dma_wait3A_653 = arith.constant 0 : i32
      %dma_wait3A_654 = arith.constant 0 : i32
      %dma_wait3A_655 = tpu.memref_slice %arg5[%dma_wait3A_652, %dma_wait3A_653, %dma_wait3A_654] : memref<16384x1x64xf32, #tpu.memory_space<hbm>> -> memref<1x1x64xf32, #tpu.memory_space<hbm>>
      tpu.wait_dma2 semaphore(%arg18 : memref<!tpu.dma_semaphore, #tpu.memory_space<semaphore_mem>>) src(%dma_wait3A_655 : memref<1x1x64xf32, #tpu.memory_space<hbm>>) dst(%dma_wait3A_651 : memref<1x1x64xf32, #tpu.memory_space<vmem>>)
      %add3A_656 = arith.constant 0 : i32
      %add3A_657 = vector.broadcast %add3A_656 : i32 to vector<16xi32>
      %add3A_658 = arith.addi %iota3A, %add3A_657 : vector<16xi32>
      %gather3A_659 = tpu.vector_load_idx %arg13[%add3A_658, %shift_right_arithmetic3A_636] : memref<64x64xf32, #tpu.memory_space<vmem>>[vector<16xi32>, vector<16xi32>], vector<16xf32>,
      %swap3A = arith.constant 0 : i32
      %swap3A_660 = arith.index_cast %and3A_639 : i32 to index
      %swap3A_661 = arith.index_cast %swap3A : i32 to index
      %swap3A_662 = arith.constant 0 : index
      %swap3A_663 = tpu.vector_load %arg14[%swap3A_660, %swap3A_661, %swap3A_662] {strides = array<i32>} : memref<16x1x64xf32, #tpu.memory_space<vmem>>, vector<16xf32>,
      tpu.vector_store %arg14[%swap3A_660, %swap3A_661, %swap3A_662], %gather3A_659 {strides = array<i32>} : memref<16x1x64xf32, #tpu.memory_space<vmem>>, vector<16xf32>,
      %add3A_664 = arith.constant 16 : i32
      %add3A_665 = vector.broadcast %add3A_664 : i32 to vector<16xi32>
      %add3A_666 = arith.addi %iota3A, %add3A_665 : vector<16xi32>
      %gather3A_667 = tpu.vector_load_idx %arg13[%add3A_666, %shift_right_arithmetic3A_636] : memref<64x64xf32, #tpu.memory_space<vmem>>[vector<16xi32>, vector<16xi32>], vector<16xf32>,
      %swap3A_668 = arith.constant 0 : i32
      %swap3A_669 = arith.index_cast %and3A_639 : i32 to index
      %swap3A_670 = arith.index_cast %swap3A_668 : i32 to index
      %swap3A_671 = arith.constant 16 : index
      %swap3A_672 = tpu.vector_load %arg14[%swap3A_669, %swap3A_670, %swap3A_671] {strides = array<i32>} : memref<16x1x64xf32, #tpu.memory_space<vmem>>, vector<16xf32>,
      tpu.vector_store %arg14[%swap3A_669, %swap3A_670, %swap3A_671], %gather3A_667 {strides = array<i32>} : memref<16x1x64xf32, #tpu.memory_space<vmem>>, vector<16xf32>,
      %add3A_673 = arith.constant 32 : i32
      %add3A_674 = vector.broadcast %add3A_673 : i32 to vector<16xi32>
      %add3A_675 = arith.addi %iota3A, %add3A_674 : vector<16xi32>
      %gather3A_676 = tpu.vector_load_idx %arg13[%add3A_675, %shift_right_arithmetic3A_636] : memref<64x64xf32, #tpu.memory_space<vmem>>[vector<16xi32>, vector<16xi32>], vector<16xf32>,
      %swap3A_677 = arith.constant 0 : i32
      %swap3A_678 = arith.index_cast %and3A_639 : i32 to index
      %swap3A_679 = arith.index_cast %swap3A_677 : i32 to index
      %swap3A_680 = arith.constant 32 : index
      %swap3A_681 = tpu.vector_load %arg14[%swap3A_678, %swap3A_679, %swap3A_680] {strides = array<i32>} : memref<16x1x64xf32, #tpu.memory_space<vmem>>, vector<16xf32>,
      tpu.vector_store %arg14[%swap3A_678, %swap3A_679, %swap3A_680], %gather3A_676 {strides = array<i32>} : memref<16x1x64xf32, #tpu.memory_space<vmem>>, vector<16xf32>,
      %add3A_682 = arith.constant 48 : i32
      %add3A_683 = vector.broadcast %add3A_682 : i32 to vector<16xi32>
      %add3A_684 = arith.addi %iota3A, %add3A_683 : vector<16xi32>
      %gather3A_685 = tpu.vector_load_idx %arg13[%add3A_684, %shift_right_arithmetic3A_636] : memref<64x64xf32, #tpu.memory_space<vmem>>[vector<16xi32>, vector<16xi32>], vector<16xf32>,
      %swap3A_686 = arith.constant 0 : i32
      %swap3A_687 = arith.index_cast %and3A_639 : i32 to index
      %swap3A_688 = arith.index_cast %swap3A_686 : i32 to index
      %swap3A_689 = arith.constant 48 : index
      %swap3A_690 = tpu.vector_load %arg14[%swap3A_687, %swap3A_688, %swap3A_689] {strides = array<i32>} : memref<16x1x64xf32, #tpu.memory_space<vmem>>, vector<16xf32>,
      tpu.vector_store %arg14[%swap3A_687, %swap3A_688, %swap3A_689], %gather3A_685 {strides = array<i32>} : memref<16x1x64xf32, #tpu.memory_space<vmem>>, vector<16xf32>,
      %dma_start3A_691 = arith.constant 0 : i32
      %dma_start3A_692 = arith.constant 0 : i32
      %dma_start3A_693 = tpu.memref_slice %arg14[%and3A_639, %dma_start3A_691, %dma_start3A_692] : memref<16x1x64xf32, #tpu.memory_space<vmem>> -> memref<1x1x64xf32, #tpu.memory_space<vmem>>
      %dma_start3A_694 = arith.constant 0 : i32
      %dma_start3A_695 = arith.constant 0 : i32
      %dma_start3A_696 = tpu.memref_slice %arg5[%and3A_637, %dma_start3A_694, %dma_start3A_695] : memref<16384x1x64xf32, #tpu.memory_space<hbm>> -> memref<1x1x64xf32, #tpu.memory_space<hbm>>
      %dma_start3A_697 = arith.constant 0 : i32
      %dma_start3A_698 = arith.constant 0 : i32
      %dma_start3A_699 = tpu.memref_slice %arg5[%and3A_637, %dma_start3A_697, %dma_start3A_698] : memref<16384x1x64xf32, #tpu.memory_space<hbm>> -> memref<1x1x64xf32, #tpu.memory_space<hbm>>
      %dma_start3A_700 = arith.constant 0 : i32
      %dma_start3A_701 = arith.constant 0 : i32
      %dma_start3A_702 = tpu.memref_slice %arg14[%and3A_639, %dma_start3A_700, %dma_start3A_701] : memref<16x1x64xf32, #tpu.memory_space<vmem>> -> memref<1x1x64xf32, #tpu.memory_space<vmem>>
      tpu.enqueue_dma source(%dma_start3A_702 : memref<1x1x64xf32, #tpu.memory_space<vmem>>) target(%dma_start3A_699 : memref<1x1x64xf32, #tpu.memory_space<hbm>>) target_semaphore(%arg18 : memref<!tpu.dma_semaphore, #tpu.memory_space<semaphore_mem>>)
      %add3A_703 = arith.constant 1 : i32
      %add3A_704 = arith.addi %while3A_631, %add3A_703 : i32
      scf.yield %add3A_704 : i32
    }
    %while3A_372 = arith.constant 1 : i32
    %while3A_373 = scf.for %while3A_630 = %while3A_369 to %while3A_365 step %while3A_372 iter_args(%while3A_631 = %while3A_371) -> (i32)  : i32 {
      %mul3A_632 = arith.muli %while3A_630, %while3A_361 : i32
      %add3A_633 = arith.addi %while3A_362, %mul3A_632 : i32
      %broadcast_in_dim3A = vector.broadcast %add3A_633 : i32 to vector<16xi32>
      %gather3A = tpu.vector_load_idx %arg9[%broadcast_in_dim3A] : memref<16400xi32, #tpu.memory_space<vmem>>[vector<16xi32>], vector<16xi32>,
      %shift_right_arithmetic3A_634 = arith.constant 14 : i32
      %shift_right_arithmetic3A_635 = vector.broadcast %shift_right_arithmetic3A_634 : i32 to vector<16xi32>
      %shift_right_arithmetic3A_636 = arith.shrsi %gather3A, %shift_right_arithmetic3A_635 : vector<16xi32>
      %slice3A = vector.extract_strided_slice %gather3A {offsets = [0], sizes = [1], strides = [1]} : vector<16xi32> to vector<1xi32>
      %squeeze3A = vector.extract %slice3A[0] : i32 from vector<1xi32>
      %and3A = arith.constant 16383 : i32
      %and3A_637 = arith.andi %squeeze3A, %and3A : i32
      %and3A_638 = arith.constant 15 : i32
      %and3A_639 = arith.andi %while3A_631, %and3A_638 : i32
      %dma_wait3A_640 = arith.constant 0 : i32
      %dma_wait3A_641 = arith.constant 0 : i32
      %dma_wait3A_642 = arith.constant 0 : i32
      %dma_wait3A_643 = tpu.memref_slice %arg14[%dma_wait3A_640, %dma_wait3A_641, %dma_wait3A_642] : memref<16x1x64xf32, #tpu.memory_space<vmem>> -> memref<1x1x64xf32, #tpu.memory_space<vmem>>
      %dma_wait3A_644 = arith.constant 0 : i32
      %dma_wait3A_645 = arith.constant 0 : i32
      %dma_wait3A_646 = arith.constant 0 : i32
      %dma_wait3A_647 = tpu.memref_slice %arg5[%dma_wait3A_644, %dma_wait3A_645, %dma_wait3A_646] : memref<16384x1x64xf32, #tpu.memory_space<hbm>> -> memref<1x1x64xf32, #tpu.memory_space<hbm>>
      %dma_wait3A_648 = arith.constant 0 : i32
      %dma_wait3A_649 = arith.constant 0 : i32
      %dma_wait3A_650 = arith.constant 0 : i32
      %dma_wait3A_651 = tpu.memref_slice %arg14[%dma_wait3A_648, %dma_wait3A_649, %dma_wait3A_650] : memref<16x1x64xf32, #tpu.memory_space<vmem>> -> memref<1x1x64xf32, #tpu.memory_space<vmem>>
      %dma_wait3A_652 = arith.constant 0 : i32
      %dma_wait3A_653 = arith.constant 0 : i32
      %dma_wait3A_654 = arith.constant 0 : i32
      %dma_wait3A_655 = tpu.memref_slice %arg5[%dma_wait3A_652, %dma_wait3A_653, %dma_wait3A_654] : memref<16384x1x64xf32, #tpu.memory_space<hbm>> -> memref<1x1x64xf32, #tpu.memory_space<hbm>>
      tpu.wait_dma2 semaphore(%arg18 : memref<!tpu.dma_semaphore, #tpu.memory_space<semaphore_mem>>) src(%dma_wait3A_655 : memref<1x1x64xf32, #tpu.memory_space<hbm>>) dst(%dma_wait3A_651 : memref<1x1x64xf32, #tpu.memory_space<vmem>>)
      %add3A_656 = arith.constant 0 : i32
      %add3A_657 = vector.broadcast %add3A_656 : i32 to vector<16xi32>
      %add3A_658 = arith.addi %iota3A, %add3A_657 : vector<16xi32>
      %gather3A_659 = tpu.vector_load_idx %arg13[%add3A_658, %shift_right_arithmetic3A_636] : memref<64x64xf32, #tpu.memory_space<vmem>>[vector<16xi32>, vector<16xi32>], vector<16xf32>,
      %swap3A = arith.constant 0 : i32
      %swap3A_660 = arith.index_cast %and3A_639 : i32 to index
      %swap3A_661 = arith.index_cast %swap3A : i32 to index
      %swap3A_662 = arith.constant 0 : index
      %swap3A_663 = tpu.vector_load %arg14[%swap3A_660, %swap3A_661, %swap3A_662] {strides = array<i32>} : memref<16x1x64xf32, #tpu.memory_space<vmem>>, vector<16xf32>,
      tpu.vector_store %arg14[%swap3A_660, %swap3A_661, %swap3A_662], %gather3A_659 {strides = array<i32>} : memref<16x1x64xf32, #tpu.memory_space<vmem>>, vector<16xf32>,
      %add3A_664 = arith.constant 16 : i32
      %add3A_665 = vector.broadcast %add3A_664 : i32 to vector<16xi32>
      %add3A_666 = arith.addi %iota3A, %add3A_665 : vector<16xi32>
      %gather3A_667 = tpu.vector_load_idx %arg13[%add3A_666, %shift_right_arithmetic3A_636] : memref<64x64xf32, #tpu.memory_space<vmem>>[vector<16xi32>, vector<16xi32>], vector<16xf32>,
      %swap3A_668 = arith.constant 0 : i32
      %swap3A_669 = arith.index_cast %and3A_639 : i32 to index
      %swap3A_670 = arith.index_cast %swap3A_668 : i32 to index
      %swap3A_671 = arith.constant 16 : index
      %swap3A_672 = tpu.vector_load %arg14[%swap3A_669, %swap3A_670, %swap3A_671] {strides = array<i32>} : memref<16x1x64xf32, #tpu.memory_space<vmem>>, vector<16xf32>,
      tpu.vector_store %arg14[%swap3A_669, %swap3A_670, %swap3A_671], %gather3A_667 {strides = array<i32>} : memref<16x1x64xf32, #tpu.memory_space<vmem>>, vector<16xf32>,
      %add3A_673 = arith.constant 32 : i32
      %add3A_674 = vector.broadcast %add3A_673 : i32 to vector<16xi32>
      %add3A_675 = arith.addi %iota3A, %add3A_674 : vector<16xi32>
      %gather3A_676 = tpu.vector_load_idx %arg13[%add3A_675, %shift_right_arithmetic3A_636] : memref<64x64xf32, #tpu.memory_space<vmem>>[vector<16xi32>, vector<16xi32>], vector<16xf32>,
      %swap3A_677 = arith.constant 0 : i32
      %swap3A_678 = arith.index_cast %and3A_639 : i32 to index
      %swap3A_679 = arith.index_cast %swap3A_677 : i32 to index
      %swap3A_680 = arith.constant 32 : index
      %swap3A_681 = tpu.vector_load %arg14[%swap3A_678, %swap3A_679, %swap3A_680] {strides = array<i32>} : memref<16x1x64xf32, #tpu.memory_space<vmem>>, vector<16xf32>,
      tpu.vector_store %arg14[%swap3A_678, %swap3A_679, %swap3A_680], %gather3A_676 {strides = array<i32>} : memref<16x1x64xf32, #tpu.memory_space<vmem>>, vector<16xf32>,
      %add3A_682 = arith.constant 48 : i32
      %add3A_683 = vector.broadcast %add3A_682 : i32 to vector<16xi32>
      %add3A_684 = arith.addi %iota3A, %add3A_683 : vector<16xi32>
      %gather3A_685 = tpu.vector_load_idx %arg13[%add3A_684, %shift_right_arithmetic3A_636] : memref<64x64xf32, #tpu.memory_space<vmem>>[vector<16xi32>, vector<16xi32>], vector<16xf32>,
      %swap3A_686 = arith.constant 0 : i32
      %swap3A_687 = arith.index_cast %and3A_639 : i32 to index
      %swap3A_688 = arith.index_cast %swap3A_686 : i32 to index
      %swap3A_689 = arith.constant 48 : index
      %swap3A_690 = tpu.vector_load %arg14[%swap3A_687, %swap3A_688, %swap3A_689] {strides = array<i32>} : memref<16x1x64xf32, #tpu.memory_space<vmem>>, vector<16xf32>,
      tpu.vector_store %arg14[%swap3A_687, %swap3A_688, %swap3A_689], %gather3A_685 {strides = array<i32>} : memref<16x1x64xf32, #tpu.memory_space<vmem>>, vector<16xf32>,
      %dma_start3A_691 = arith.constant 0 : i32
      %dma_start3A_692 = arith.constant 0 : i32
      %dma_start3A_693 = tpu.memref_slice %arg14[%and3A_639, %dma_start3A_691, %dma_start3A_692] : memref<16x1x64xf32, #tpu.memory_space<vmem>> -> memref<1x1x64xf32, #tpu.memory_space<vmem>>
      %dma_start3A_694 = arith.constant 0 : i32
      %dma_start3A_695 = arith.constant 0 : i32
      %dma_start3A_696 = tpu.memref_slice %arg5[%and3A_637, %dma_start3A_694, %dma_start3A_695] : memref<16384x1x64xf32, #tpu.memory_space<hbm>> -> memref<1x1x64xf32, #tpu.memory_space<hbm>>
      %dma_start3A_697 = arith.constant 0 : i32
      %dma_start3A_698 = arith.constant 0 : i32
      %dma_start3A_699 = tpu.memref_slice %arg5[%and3A_637, %dma_start3A_697, %dma_start3A_698] : memref<16384x1x64xf32, #tpu.memory_space<hbm>> -> memref<1x1x64xf32, #tpu.memory_space<hbm>>
      %dma_start3A_700 = arith.constant 0 : i32
      %dma_start3A_701 = arith.constant 0 : i32
      %dma_start3A_702 = tpu.memref_slice %arg14[%and3A_639, %dma_start3A_700, %dma_start3A_701] : memref<16x1x64xf32, #tpu.memory_space<vmem>> -> memref<1x1x64xf32, #tpu.memory_space<vmem>>
      tpu.enqueue_dma source(%dma_start3A_702 : memref<1x1x64xf32, #tpu.memory_space<vmem>>) target(%dma_start3A_699 : memref<1x1x64xf32, #tpu.memory_space<hbm>>) target_semaphore(%arg18 : memref<!tpu.dma_semaphore, #tpu.memory_space<semaphore_mem>>)
      %add3A_703 = arith.constant 1 : i32
      %add3A_704 = arith.addi %while3A_631, %add3A_703 : i32
      scf.yield %add3A_704 : i32
    }
    %dma_wait3A_374 = arith.constant 0 : i32
    %dma_wait3A_375 = arith.constant 0 : i32
    %dma_wait3A_376 = arith.constant 0 : i32
    %dma_wait3A_377 = tpu.memref_slice %arg14[%dma_wait3A_374, %dma_wait3A_375, %dma_wait3A_376] : memref<16x1x64xf32, #tpu.memory_space<vmem>> -> memref<1x1x64xf32, #tpu.memory_space<vmem>>
    %dma_wait3A_378 = arith.constant 0 : i32
    %dma_wait3A_379 = arith.constant 0 : i32
    %dma_wait3A_380 = arith.constant 0 : i32
    %dma_wait3A_381 = tpu.memref_slice %arg5[%dma_wait3A_378, %dma_wait3A_379, %dma_wait3A_380] : memref<16384x1x64xf32, #tpu.memory_space<hbm>> -> memref<1x1x64xf32, #tpu.memory_space<hbm>>
    %dma_wait3A_382 = arith.constant 0 : i32
    %dma_wait3A_383 = arith.constant 0 : i32
    %dma_wait3A_384 = arith.constant 0 : i32
    %dma_wait3A_385 = tpu.memref_slice %arg14[%dma_wait3A_382, %dma_wait3A_383, %dma_wait3A_384] : memref<16x1x64xf32, #tpu.memory_space<vmem>> -> memref<1x1x64xf32, #tpu.memory_space<vmem>>
    %dma_wait3A_386 = arith.constant 0 : i32
    %dma_wait3A_387 = arith.constant 0 : i32
    %dma_wait3A_388 = arith.constant 0 : i32
    %dma_wait3A_389 = tpu.memref_slice %arg5[%dma_wait3A_386, %dma_wait3A_387, %dma_wait3A_388] : memref<16384x1x64xf32, #tpu.memory_space<hbm>> -> memref<1x1x64xf32, #tpu.memory_space<hbm>>
    tpu.wait_dma2 semaphore(%arg18 : memref<!tpu.dma_semaphore, #tpu.memory_space<semaphore_mem>>) src(%dma_wait3A_389 : memref<1x1x64xf32, #tpu.memory_space<hbm>>) dst(%dma_wait3A_385 : memref<1x1x64xf32, #tpu.memory_space<vmem>>)
    %dma_wait3A_390 = arith.constant 0 : i32
    %dma_wait3A_391 = arith.constant 0 : i32
    %dma_wait3A_392 = arith.constant 0 : i32
    %dma_wait3A_393 = tpu.memref_slice %arg14[%dma_wait3A_390, %dma_wait3A_391, %dma_wait3A_392] : memref<16x1x64xf32, #tpu.memory_space<vmem>> -> memref<1x1x64xf32, #tpu.memory_space<vmem>>
    %dma_wait3A_394 = arith.constant 0 : i32
    %dma_wait3A_395 = arith.constant 0 : i32
    %dma_wait3A_396 = arith.constant 0 : i32
    %dma_wait3A_397 = tpu.memref_slice %arg5[%dma_wait3A_394, %dma_wait3A_395, %dma_wait3A_396] : memref<16384x1x64xf32, #tpu.memory_space<hbm>> -> memref<1x1x64xf32, #tpu.memory_space<hbm>>
    %dma_wait3A_398 = arith.constant 0 : i32
    %dma_wait3A_399 = arith.constant 0 : i32
    %dma_wait3A_400 = arith.constant 0 : i32
    %dma_wait3A_401 = tpu.memref_slice %arg14[%dma_wait3A_398, %dma_wait3A_399, %dma_wait3A_400] : memref<16x1x64xf32, #tpu.memory_space<vmem>> -> memref<1x1x64xf32, #tpu.memory_space<vmem>>
    %dma_wait3A_402 = arith.constant 0 : i32
    %dma_wait3A_403 = arith.constant 0 : i32
    %dma_wait3A_404 = arith.constant 0 : i32
    %dma_wait3A_405 = tpu.memref_slice %arg5[%dma_wait3A_402, %dma_wait3A_403, %dma_wait3A_404] : memref<16384x1x64xf32, #tpu.memory_space<hbm>> -> memref<1x1x64xf32, #tpu.memory_space<hbm>>
    tpu.wait_dma2 semaphore(%arg18 : memref<!tpu.dma_semaphore, #tpu.memory_space<semaphore_mem>>) src(%dma_wait3A_405 : memref<1x1x64xf32, #tpu.memory_space<hbm>>) dst(%dma_wait3A_401 : memref<1x1x64xf32, #tpu.memory_space<vmem>>)
    %dma_wait3A_406 = arith.constant 0 : i32
    %dma_wait3A_407 = arith.constant 0 : i32
    %dma_wait3A_408 = arith.constant 0 : i32
    %dma_wait3A_409 = tpu.memref_slice %arg14[%dma_wait3A_406, %dma_wait3A_407, %dma_wait3A_408] : memref<16x1x64xf32, #tpu.memory_space<vmem>> -> memref<1x1x64xf32, #tpu.memory_space<vmem>>
    %dma_wait3A_410 = arith.constant 0 : i32
    %dma_wait3A_411 = arith.constant 0 : i32
    %dma_wait3A_412 = arith.constant 0 : i32
    %dma_wait3A_413 = tpu.memref_slice %arg5[%dma_wait3A_410, %dma_wait3A_411, %dma_wait3A_412] : memref<16384x1x64xf32, #tpu.memory_space<hbm>> -> memref<1x1x64xf32, #tpu.memory_space<hbm>>
    %dma_wait3A_414 = arith.constant 0 : i32
    %dma_wait3A_415 = arith.constant 0 : i32
    %dma_wait3A_416 = arith.constant 0 : i32
    %dma_wait3A_417 = tpu.memref_slice %arg14[%dma_wait3A_414, %dma_wait3A_415, %dma_wait3A_416] : memref<16x1x64xf32, #tpu.memory_space<vmem>> -> memref<1x1x64xf32, #tpu.memory_space<vmem>>
    %dma_wait3A_418 = arith.constant 0 : i32
    %dma_wait3A_419 = arith.constant 0 : i32
    %dma_wait3A_420 = arith.constant 0 : i32
    %dma_wait3A_421 = tpu.memref_slice %arg5[%dma_wait3A_418, %dma_wait3A_419, %dma_wait3A_420] : memref<16384x1x64xf32, #tpu.memory_space<hbm>> -> memref<1x1x64xf32, #tpu.memory_space<hbm>>
    tpu.wait_dma2 semaphore(%arg18 : memref<!tpu.dma_semaphore, #tpu.memory_space<semaphore_mem>>) src(%dma_wait3A_421 : memref<1x1x64xf32, #tpu.memory_space<hbm>>) dst(%dma_wait3A_417 : memref<1x1x64xf32, #tpu.memory_space<vmem>>)
    %dma_wait3A_422 = arith.constant 0 : i32
    %dma_wait3A_423 = arith.constant 0 : i32
    %dma_wait3A_424 = arith.constant 0 : i32
    %dma_wait3A_425 = tpu.memref_slice %arg14[%dma_wait3A_422, %dma_wait3A_423, %dma_wait3A_424] : memref<16x1x64xf32, #tpu.memory_space<vmem>> -> memref<1x1x64xf32, #tpu.memory_space<vmem>>
    %dma_wait3A_426 = arith.constant 0 : i32
    %dma_wait3A_427 = arith.constant 0 : i32
    %dma_wait3A_428 = arith.constant 0 : i32
    %dma_wait3A_429 = tpu.memref_slice %arg5[%dma_wait3A_426, %dma_wait3A_427, %dma_wait3A_428] : memref<16384x1x64xf32, #tpu.memory_space<hbm>> -> memref<1x1x64xf32, #tpu.memory_space<hbm>>
    %dma_wait3A_430 = arith.constant 0 : i32
    %dma_wait3A_431 = arith.constant 0 : i32
    %dma_wait3A_432 = arith.constant 0 : i32
    %dma_wait3A_433 = tpu.memref_slice %arg14[%dma_wait3A_430, %dma_wait3A_431, %dma_wait3A_432] : memref<16x1x64xf32, #tpu.memory_space<vmem>> -> memref<1x1x64xf32, #tpu.memory_space<vmem>>
    %dma_wait3A_434 = arith.constant 0 : i32
    %dma_wait3A_435 = arith.constant 0 : i32
    %dma_wait3A_436 = arith.constant 0 : i32
    %dma_wait3A_437 = tpu.memref_slice %arg5[%dma_wait3A_434, %dma_wait3A_435, %dma_wait3A_436] : memref<16384x1x64xf32, #tpu.memory_space<hbm>> -> memref<1x1x64xf32, #tpu.memory_space<hbm>>
    tpu.wait_dma2 semaphore(%arg18 : memref<!tpu.dma_semaphore, #tpu.memory_space<semaphore_mem>>) src(%dma_wait3A_437 : memref<1x1x64xf32, #tpu.memory_space<hbm>>) dst(%dma_wait3A_433 : memref<1x1x64xf32, #tpu.memory_space<vmem>>)
    %dma_wait3A_438 = arith.constant 0 : i32
    %dma_wait3A_439 = arith.constant 0 : i32
    %dma_wait3A_440 = arith.constant 0 : i32
    %dma_wait3A_441 = tpu.memref_slice %arg14[%dma_wait3A_438, %dma_wait3A_439, %dma_wait3A_440] : memref<16x1x64xf32, #tpu.memory_space<vmem>> -> memref<1x1x64xf32, #tpu.memory_space<vmem>>
    %dma_wait3A_442 = arith.constant 0 : i32
    %dma_wait3A_443 = arith.constant 0 : i32
    %dma_wait3A_444 = arith.constant 0 : i32
    %dma_wait3A_445 = tpu.memref_slice %arg5[%dma_wait3A_442, %dma_wait3A_443, %dma_wait3A_444] : memref<16384x1x64xf32, #tpu.memory_space<hbm>> -> memref<1x1x64xf32, #tpu.memory_space<hbm>>
    %dma_wait3A_446 = arith.constant 0 : i32
    %dma_wait3A_447 = arith.constant 0 : i32
    %dma_wait3A_448 = arith.constant 0 : i32
    %dma_wait3A_449 = tpu.memref_slice %arg14[%dma_wait3A_446, %dma_wait3A_447, %dma_wait3A_448] : memref<16x1x64xf32, #tpu.memory_space<vmem>> -> memref<1x1x64xf32, #tpu.memory_space<vmem>>
    %dma_wait3A_450 = arith.constant 0 : i32
    %dma_wait3A_451 = arith.constant 0 : i32
    %dma_wait3A_452 = arith.constant 0 : i32
    %dma_wait3A_453 = tpu.memref_slice %arg5[%dma_wait3A_450, %dma_wait3A_451, %dma_wait3A_452] : memref<16384x1x64xf32, #tpu.memory_space<hbm>> -> memref<1x1x64xf32, #tpu.memory_space<hbm>>
    tpu.wait_dma2 semaphore(%arg18 : memref<!tpu.dma_semaphore, #tpu.memory_space<semaphore_mem>>) src(%dma_wait3A_453 : memref<1x1x64xf32, #tpu.memory_space<hbm>>) dst(%dma_wait3A_449 : memref<1x1x64xf32, #tpu.memory_space<vmem>>)
    %dma_wait3A_454 = arith.constant 0 : i32
    %dma_wait3A_455 = arith.constant 0 : i32
    %dma_wait3A_456 = arith.constant 0 : i32
    %dma_wait3A_457 = tpu.memref_slice %arg14[%dma_wait3A_454, %dma_wait3A_455, %dma_wait3A_456] : memref<16x1x64xf32, #tpu.memory_space<vmem>> -> memref<1x1x64xf32, #tpu.memory_space<vmem>>
    %dma_wait3A_458 = arith.constant 0 : i32
    %dma_wait3A_459 = arith.constant 0 : i32
    %dma_wait3A_460 = arith.constant 0 : i32
    %dma_wait3A_461 = tpu.memref_slice %arg5[%dma_wait3A_458, %dma_wait3A_459, %dma_wait3A_460] : memref<16384x1x64xf32, #tpu.memory_space<hbm>> -> memref<1x1x64xf32, #tpu.memory_space<hbm>>
    %dma_wait3A_462 = arith.constant 0 : i32
    %dma_wait3A_463 = arith.constant 0 : i32
    %dma_wait3A_464 = arith.constant 0 : i32
    %dma_wait3A_465 = tpu.memref_slice %arg14[%dma_wait3A_462, %dma_wait3A_463, %dma_wait3A_464] : memref<16x1x64xf32, #tpu.memory_space<vmem>> -> memref<1x1x64xf32, #tpu.memory_space<vmem>>
    %dma_wait3A_466 = arith.constant 0 : i32
    %dma_wait3A_467 = arith.constant 0 : i32
    %dma_wait3A_468 = arith.constant 0 : i32
    %dma_wait3A_469 = tpu.memref_slice %arg5[%dma_wait3A_466, %dma_wait3A_467, %dma_wait3A_468] : memref<16384x1x64xf32, #tpu.memory_space<hbm>> -> memref<1x1x64xf32, #tpu.memory_space<hbm>>
    tpu.wait_dma2 semaphore(%arg18 : memref<!tpu.dma_semaphore, #tpu.memory_space<semaphore_mem>>) src(%dma_wait3A_469 : memref<1x1x64xf32, #tpu.memory_space<hbm>>) dst(%dma_wait3A_465 : memref<1x1x64xf32, #tpu.memory_space<vmem>>)
    %dma_wait3A_470 = arith.constant 0 : i32
    %dma_wait3A_471 = arith.constant 0 : i32
    %dma_wait3A_472 = arith.constant 0 : i32
    %dma_wait3A_473 = tpu.memref_slice %arg14[%dma_wait3A_470, %dma_wait3A_471, %dma_wait3A_472] : memref<16x1x64xf32, #tpu.memory_space<vmem>> -> memref<1x1x64xf32, #tpu.memory_space<vmem>>
    %dma_wait3A_474 = arith.constant 0 : i32
    %dma_wait3A_475 = arith.constant 0 : i32
    %dma_wait3A_476 = arith.constant 0 : i32
    %dma_wait3A_477 = tpu.memref_slice %arg5[%dma_wait3A_474, %dma_wait3A_475, %dma_wait3A_476] : memref<16384x1x64xf32, #tpu.memory_space<hbm>> -> memref<1x1x64xf32, #tpu.memory_space<hbm>>
    %dma_wait3A_478 = arith.constant 0 : i32
    %dma_wait3A_479 = arith.constant 0 : i32
    %dma_wait3A_480 = arith.constant 0 : i32
    %dma_wait3A_481 = tpu.memref_slice %arg14[%dma_wait3A_478, %dma_wait3A_479, %dma_wait3A_480] : memref<16x1x64xf32, #tpu.memory_space<vmem>> -> memref<1x1x64xf32, #tpu.memory_space<vmem>>
    %dma_wait3A_482 = arith.constant 0 : i32
    %dma_wait3A_483 = arith.constant 0 : i32
    %dma_wait3A_484 = arith.constant 0 : i32
    %dma_wait3A_485 = tpu.memref_slice %arg5[%dma_wait3A_482, %dma_wait3A_483, %dma_wait3A_484] : memref<16384x1x64xf32, #tpu.memory_space<hbm>> -> memref<1x1x64xf32, #tpu.memory_space<hbm>>
    tpu.wait_dma2 semaphore(%arg18 : memref<!tpu.dma_semaphore, #tpu.memory_space<semaphore_mem>>) src(%dma_wait3A_485 : memref<1x1x64xf32, #tpu.memory_space<hbm>>) dst(%dma_wait3A_481 : memref<1x1x64xf32, #tpu.memory_space<vmem>>)
    %dma_wait3A_486 = arith.constant 0 : i32
    %dma_wait3A_487 = arith.constant 0 : i32
    %dma_wait3A_488 = arith.constant 0 : i32
    %dma_wait3A_489 = tpu.memref_slice %arg14[%dma_wait3A_486, %dma_wait3A_487, %dma_wait3A_488] : memref<16x1x64xf32, #tpu.memory_space<vmem>> -> memref<1x1x64xf32, #tpu.memory_space<vmem>>
    %dma_wait3A_490 = arith.constant 0 : i32
    %dma_wait3A_491 = arith.constant 0 : i32
    %dma_wait3A_492 = arith.constant 0 : i32
    %dma_wait3A_493 = tpu.memref_slice %arg5[%dma_wait3A_490, %dma_wait3A_491, %dma_wait3A_492] : memref<16384x1x64xf32, #tpu.memory_space<hbm>> -> memref<1x1x64xf32, #tpu.memory_space<hbm>>
    %dma_wait3A_494 = arith.constant 0 : i32
    %dma_wait3A_495 = arith.constant 0 : i32
    %dma_wait3A_496 = arith.constant 0 : i32
    %dma_wait3A_497 = tpu.memref_slice %arg14[%dma_wait3A_494, %dma_wait3A_495, %dma_wait3A_496] : memref<16x1x64xf32, #tpu.memory_space<vmem>> -> memref<1x1x64xf32, #tpu.memory_space<vmem>>
    %dma_wait3A_498 = arith.constant 0 : i32
    %dma_wait3A_499 = arith.constant 0 : i32
    %dma_wait3A_500 = arith.constant 0 : i32
    %dma_wait3A_501 = tpu.memref_slice %arg5[%dma_wait3A_498, %dma_wait3A_499, %dma_wait3A_500] : memref<16384x1x64xf32, #tpu.memory_space<hbm>> -> memref<1x1x64xf32, #tpu.memory_space<hbm>>
    tpu.wait_dma2 semaphore(%arg18 : memref<!tpu.dma_semaphore, #tpu.memory_space<semaphore_mem>>) src(%dma_wait3A_501 : memref<1x1x64xf32, #tpu.memory_space<hbm>>) dst(%dma_wait3A_497 : memref<1x1x64xf32, #tpu.memory_space<vmem>>)
    %dma_wait3A_502 = arith.constant 0 : i32
    %dma_wait3A_503 = arith.constant 0 : i32
    %dma_wait3A_504 = arith.constant 0 : i32
    %dma_wait3A_505 = tpu.memref_slice %arg14[%dma_wait3A_502, %dma_wait3A_503, %dma_wait3A_504] : memref<16x1x64xf32, #tpu.memory_space<vmem>> -> memref<1x1x64xf32, #tpu.memory_space<vmem>>
    %dma_wait3A_506 = arith.constant 0 : i32
    %dma_wait3A_507 = arith.constant 0 : i32
    %dma_wait3A_508 = arith.constant 0 : i32
    %dma_wait3A_509 = tpu.memref_slice %arg5[%dma_wait3A_506, %dma_wait3A_507, %dma_wait3A_508] : memref<16384x1x64xf32, #tpu.memory_space<hbm>> -> memref<1x1x64xf32, #tpu.memory_space<hbm>>
    %dma_wait3A_510 = arith.constant 0 : i32
    %dma_wait3A_511 = arith.constant 0 : i32
    %dma_wait3A_512 = arith.constant 0 : i32
    %dma_wait3A_513 = tpu.memref_slice %arg14[%dma_wait3A_510, %dma_wait3A_511, %dma_wait3A_512] : memref<16x1x64xf32, #tpu.memory_space<vmem>> -> memref<1x1x64xf32, #tpu.memory_space<vmem>>
    %dma_wait3A_514 = arith.constant 0 : i32
    %dma_wait3A_515 = arith.constant 0 : i32
    %dma_wait3A_516 = arith.constant 0 : i32
    %dma_wait3A_517 = tpu.memref_slice %arg5[%dma_wait3A_514, %dma_wait3A_515, %dma_wait3A_516] : memref<16384x1x64xf32, #tpu.memory_space<hbm>> -> memref<1x1x64xf32, #tpu.memory_space<hbm>>
    tpu.wait_dma2 semaphore(%arg18 : memref<!tpu.dma_semaphore, #tpu.memory_space<semaphore_mem>>) src(%dma_wait3A_517 : memref<1x1x64xf32, #tpu.memory_space<hbm>>) dst(%dma_wait3A_513 : memref<1x1x64xf32, #tpu.memory_space<vmem>>)
    %dma_wait3A_518 = arith.constant 0 : i32
    %dma_wait3A_519 = arith.constant 0 : i32
    %dma_wait3A_520 = arith.constant 0 : i32
    %dma_wait3A_521 = tpu.memref_slice %arg14[%dma_wait3A_518, %dma_wait3A_519, %dma_wait3A_520] : memref<16x1x64xf32, #tpu.memory_space<vmem>> -> memref<1x1x64xf32, #tpu.memory_space<vmem>>
    %dma_wait3A_522 = arith.constant 0 : i32
    %dma_wait3A_523 = arith.constant 0 : i32
    %dma_wait3A_524 = arith.constant 0 : i32
    %dma_wait3A_525 = tpu.memref_slice %arg5[%dma_wait3A_522, %dma_wait3A_523, %dma_wait3A_524] : memref<16384x1x64xf32, #tpu.memory_space<hbm>> -> memref<1x1x64xf32, #tpu.memory_space<hbm>>
    %dma_wait3A_526 = arith.constant 0 : i32
    %dma_wait3A_527 = arith.constant 0 : i32
    %dma_wait3A_528 = arith.constant 0 : i32
    %dma_wait3A_529 = tpu.memref_slice %arg14[%dma_wait3A_526, %dma_wait3A_527, %dma_wait3A_528] : memref<16x1x64xf32, #tpu.memory_space<vmem>> -> memref<1x1x64xf32, #tpu.memory_space<vmem>>
    %dma_wait3A_530 = arith.constant 0 : i32
    %dma_wait3A_531 = arith.constant 0 : i32
    %dma_wait3A_532 = arith.constant 0 : i32
    %dma_wait3A_533 = tpu.memref_slice %arg5[%dma_wait3A_530, %dma_wait3A_531, %dma_wait3A_532] : memref<16384x1x64xf32, #tpu.memory_space<hbm>> -> memref<1x1x64xf32, #tpu.memory_space<hbm>>
    tpu.wait_dma2 semaphore(%arg18 : memref<!tpu.dma_semaphore, #tpu.memory_space<semaphore_mem>>) src(%dma_wait3A_533 : memref<1x1x64xf32, #tpu.memory_space<hbm>>) dst(%dma_wait3A_529 : memref<1x1x64xf32, #tpu.memory_space<vmem>>)
    %dma_wait3A_534 = arith.constant 0 : i32
    %dma_wait3A_535 = arith.constant 0 : i32
    %dma_wait3A_536 = arith.constant 0 : i32
    %dma_wait3A_537 = tpu.memref_slice %arg14[%dma_wait3A_534, %dma_wait3A_535, %dma_wait3A_536] : memref<16x1x64xf32, #tpu.memory_space<vmem>> -> memref<1x1x64xf32, #tpu.memory_space<vmem>>
    %dma_wait3A_538 = arith.constant 0 : i32
    %dma_wait3A_539 = arith.constant 0 : i32
    %dma_wait3A_540 = arith.constant 0 : i32
    %dma_wait3A_541 = tpu.memref_slice %arg5[%dma_wait3A_538, %dma_wait3A_539, %dma_wait3A_540] : memref<16384x1x64xf32, #tpu.memory_space<hbm>> -> memref<1x1x64xf32, #tpu.memory_space<hbm>>
    %dma_wait3A_542 = arith.constant 0 : i32
    %dma_wait3A_543 = arith.constant 0 : i32
    %dma_wait3A_544 = arith.constant 0 : i32
    %dma_wait3A_545 = tpu.memref_slice %arg14[%dma_wait3A_542, %dma_wait3A_543, %dma_wait3A_544] : memref<16x1x64xf32, #tpu.memory_space<vmem>> -> memref<1x1x64xf32, #tpu.memory_space<vmem>>
    %dma_wait3A_546 = arith.constant 0 : i32
    %dma_wait3A_547 = arith.constant 0 : i32
    %dma_wait3A_548 = arith.constant 0 : i32
    %dma_wait3A_549 = tpu.memref_slice %arg5[%dma_wait3A_546, %dma_wait3A_547, %dma_wait3A_548] : memref<16384x1x64xf32, #tpu.memory_space<hbm>> -> memref<1x1x64xf32, #tpu.memory_space<hbm>>
    tpu.wait_dma2 semaphore(%arg18 : memref<!tpu.dma_semaphore, #tpu.memory_space<semaphore_mem>>) src(%dma_wait3A_549 : memref<1x1x64xf32, #tpu.memory_space<hbm>>) dst(%dma_wait3A_545 : memref<1x1x64xf32, #tpu.memory_space<vmem>>)
    %dma_wait3A_550 = arith.constant 0 : i32
    %dma_wait3A_551 = arith.constant 0 : i32
    %dma_wait3A_552 = arith.constant 0 : i32
    %dma_wait3A_553 = tpu.memref_slice %arg14[%dma_wait3A_550, %dma_wait3A_551, %dma_wait3A_552] : memref<16x1x64xf32, #tpu.memory_space<vmem>> -> memref<1x1x64xf32, #tpu.memory_space<vmem>>
    %dma_wait3A_554 = arith.constant 0 : i32
    %dma_wait3A_555 = arith.constant 0 : i32
    %dma_wait3A_556 = arith.constant 0 : i32
    %dma_wait3A_557 = tpu.memref_slice %arg5[%dma_wait3A_554, %dma_wait3A_555, %dma_wait3A_556] : memref<16384x1x64xf32, #tpu.memory_space<hbm>> -> memref<1x1x64xf32, #tpu.memory_space<hbm>>
    %dma_wait3A_558 = arith.constant 0 : i32
    %dma_wait3A_559 = arith.constant 0 : i32
    %dma_wait3A_560 = arith.constant 0 : i32
    %dma_wait3A_561 = tpu.memref_slice %arg14[%dma_wait3A_558, %dma_wait3A_559, %dma_wait3A_560] : memref<16x1x64xf32, #tpu.memory_space<vmem>> -> memref<1x1x64xf32, #tpu.memory_space<vmem>>
    %dma_wait3A_562 = arith.constant 0 : i32
    %dma_wait3A_563 = arith.constant 0 : i32
    %dma_wait3A_564 = arith.constant 0 : i32
    %dma_wait3A_565 = tpu.memref_slice %arg5[%dma_wait3A_562, %dma_wait3A_563, %dma_wait3A_564] : memref<16384x1x64xf32, #tpu.memory_space<hbm>> -> memref<1x1x64xf32, #tpu.memory_space<hbm>>
    tpu.wait_dma2 semaphore(%arg18 : memref<!tpu.dma_semaphore, #tpu.memory_space<semaphore_mem>>) src(%dma_wait3A_565 : memref<1x1x64xf32, #tpu.memory_space<hbm>>) dst(%dma_wait3A_561 : memref<1x1x64xf32, #tpu.memory_space<vmem>>)
    %dma_wait3A_566 = arith.constant 0 : i32
    %dma_wait3A_567 = arith.constant 0 : i32
    %dma_wait3A_568 = arith.constant 0 : i32
    %dma_wait3A_569 = tpu.memref_slice %arg14[%dma_wait3A_566, %dma_wait3A_567, %dma_wait3A_568] : memref<16x1x64xf32, #tpu.memory_space<vmem>> -> memref<1x1x64xf32, #tpu.memory_space<vmem>>
    %dma_wait3A_570 = arith.constant 0 : i32
    %dma_wait3A_571 = arith.constant 0 : i32
    %dma_wait3A_572 = arith.constant 0 : i32
    %dma_wait3A_573 = tpu.memref_slice %arg5[%dma_wait3A_570, %dma_wait3A_571, %dma_wait3A_572] : memref<16384x1x64xf32, #tpu.memory_space<hbm>> -> memref<1x1x64xf32, #tpu.memory_space<hbm>>
    %dma_wait3A_574 = arith.constant 0 : i32
    %dma_wait3A_575 = arith.constant 0 : i32
    %dma_wait3A_576 = arith.constant 0 : i32
    %dma_wait3A_577 = tpu.memref_slice %arg14[%dma_wait3A_574, %dma_wait3A_575, %dma_wait3A_576] : memref<16x1x64xf32, #tpu.memory_space<vmem>> -> memref<1x1x64xf32, #tpu.memory_space<vmem>>
    %dma_wait3A_578 = arith.constant 0 : i32
    %dma_wait3A_579 = arith.constant 0 : i32
    %dma_wait3A_580 = arith.constant 0 : i32
    %dma_wait3A_581 = tpu.memref_slice %arg5[%dma_wait3A_578, %dma_wait3A_579, %dma_wait3A_580] : memref<16384x1x64xf32, #tpu.memory_space<hbm>> -> memref<1x1x64xf32, #tpu.memory_space<hbm>>
    tpu.wait_dma2 semaphore(%arg18 : memref<!tpu.dma_semaphore, #tpu.memory_space<semaphore_mem>>) src(%dma_wait3A_581 : memref<1x1x64xf32, #tpu.memory_space<hbm>>) dst(%dma_wait3A_577 : memref<1x1x64xf32, #tpu.memory_space<vmem>>)
    %dma_wait3A_582 = arith.constant 0 : i32
    %dma_wait3A_583 = arith.constant 0 : i32
    %dma_wait3A_584 = arith.constant 0 : i32
    %dma_wait3A_585 = tpu.memref_slice %arg14[%dma_wait3A_582, %dma_wait3A_583, %dma_wait3A_584] : memref<16x1x64xf32, #tpu.memory_space<vmem>> -> memref<1x1x64xf32, #tpu.memory_space<vmem>>
    %dma_wait3A_586 = arith.constant 0 : i32
    %dma_wait3A_587 = arith.constant 0 : i32
    %dma_wait3A_588 = arith.constant 0 : i32
    %dma_wait3A_589 = tpu.memref_slice %arg5[%dma_wait3A_586, %dma_wait3A_587, %dma_wait3A_588] : memref<16384x1x64xf32, #tpu.memory_space<hbm>> -> memref<1x1x64xf32, #tpu.memory_space<hbm>>
    %dma_wait3A_590 = arith.constant 0 : i32
    %dma_wait3A_591 = arith.constant 0 : i32
    %dma_wait3A_592 = arith.constant 0 : i32
    %dma_wait3A_593 = tpu.memref_slice %arg14[%dma_wait3A_590, %dma_wait3A_591, %dma_wait3A_592] : memref<16x1x64xf32, #tpu.memory_space<vmem>> -> memref<1x1x64xf32, #tpu.memory_space<vmem>>
    %dma_wait3A_594 = arith.constant 0 : i32
    %dma_wait3A_595 = arith.constant 0 : i32
    %dma_wait3A_596 = arith.constant 0 : i32
    %dma_wait3A_597 = tpu.memref_slice %arg5[%dma_wait3A_594, %dma_wait3A_595, %dma_wait3A_596] : memref<16384x1x64xf32, #tpu.memory_space<hbm>> -> memref<1x1x64xf32, #tpu.memory_space<hbm>>
    tpu.wait_dma2 semaphore(%arg18 : memref<!tpu.dma_semaphore, #tpu.memory_space<semaphore_mem>>) src(%dma_wait3A_597 : memref<1x1x64xf32, #tpu.memory_space<hbm>>) dst(%dma_wait3A_593 : memref<1x1x64xf32, #tpu.memory_space<vmem>>)
    %dma_wait3A_598 = arith.constant 0 : i32
    %dma_wait3A_599 = arith.constant 0 : i32
    %dma_wait3A_600 = arith.constant 0 : i32
    %dma_wait3A_601 = tpu.memref_slice %arg14[%dma_wait3A_598, %dma_wait3A_599, %dma_wait3A_600] : memref<16x1x64xf32, #tpu.memory_space<vmem>> -> memref<1x1x64xf32, #tpu.memory_space<vmem>>
    %dma_wait3A_602 = arith.constant 0 : i32
    %dma_wait3A_603 = arith.constant 0 : i32
    %dma_wait3A_604 = arith.constant 0 : i32
    %dma_wait3A_605 = tpu.memref_slice %arg5[%dma_wait3A_602, %dma_wait3A_603, %dma_wait3A_604] : memref<16384x1x64xf32, #tpu.memory_space<hbm>> -> memref<1x1x64xf32, #tpu.memory_space<hbm>>
    %dma_wait3A_606 = arith.constant 0 : i32
    %dma_wait3A_607 = arith.constant 0 : i32
    %dma_wait3A_608 = arith.constant 0 : i32
    %dma_wait3A_609 = tpu.memref_slice %arg14[%dma_wait3A_606, %dma_wait3A_607, %dma_wait3A_608] : memref<16x1x64xf32, #tpu.memory_space<vmem>> -> memref<1x1x64xf32, #tpu.memory_space<vmem>>
    %dma_wait3A_610 = arith.constant 0 : i32
    %dma_wait3A_611 = arith.constant 0 : i32
    %dma_wait3A_612 = arith.constant 0 : i32
    %dma_wait3A_613 = tpu.memref_slice %arg5[%dma_wait3A_610, %dma_wait3A_611, %dma_wait3A_612] : memref<16384x1x64xf32, #tpu.memory_space<hbm>> -> memref<1x1x64xf32, #tpu.memory_space<hbm>>
    tpu.wait_dma2 semaphore(%arg18 : memref<!tpu.dma_semaphore, #tpu.memory_space<semaphore_mem>>) src(%dma_wait3A_613 : memref<1x1x64xf32, #tpu.memory_space<hbm>>) dst(%dma_wait3A_609 : memref<1x1x64xf32, #tpu.memory_space<vmem>>)
    %dma_wait3A_614 = arith.constant 0 : i32
    %dma_wait3A_615 = arith.constant 0 : i32
    %dma_wait3A_616 = arith.constant 0 : i32
    %dma_wait3A_617 = tpu.memref_slice %arg14[%dma_wait3A_614, %dma_wait3A_615, %dma_wait3A_616] : memref<16x1x64xf32, #tpu.memory_space<vmem>> -> memref<1x1x64xf32, #tpu.memory_space<vmem>>
    %dma_wait3A_618 = arith.constant 0 : i32
    %dma_wait3A_619 = arith.constant 0 : i32
    %dma_wait3A_620 = arith.constant 0 : i32
    %dma_wait3A_621 = tpu.memref_slice %arg5[%dma_wait3A_618, %dma_wait3A_619, %dma_wait3A_620] : memref<16384x1x64xf32, #tpu.memory_space<hbm>> -> memref<1x1x64xf32, #tpu.memory_space<hbm>>
    %dma_wait3A_622 = arith.constant 0 : i32
    %dma_wait3A_623 = arith.constant 0 : i32
    %dma_wait3A_624 = arith.constant 0 : i32
    %dma_wait3A_625 = tpu.memref_slice %arg14[%dma_wait3A_622, %dma_wait3A_623, %dma_wait3A_624] : memref<16x1x64xf32, #tpu.memory_space<vmem>> -> memref<1x1x64xf32, #tpu.memory_space<vmem>>
    %dma_wait3A_626 = arith.constant 0 : i32
    %dma_wait3A_627 = arith.constant 0 : i32
    %dma_wait3A_628 = arith.constant 0 : i32
    %dma_wait3A_629 = tpu.memref_slice %arg5[%dma_wait3A_626, %dma_wait3A_627, %dma_wait3A_628] : memref<16384x1x64xf32, #tpu.memory_space<hbm>> -> memref<1x1x64xf32, #tpu.memory_space<hbm>>
    tpu.wait_dma2 semaphore(%arg18 : memref<!tpu.dma_semaphore, #tpu.memory_space<semaphore_mem>>) src(%dma_wait3A_629 : memref<1x1x64xf32, #tpu.memory_space<hbm>>) dst(%dma_wait3A_625 : memref<1x1x64xf32, #tpu.memory_space<vmem>>)
    return
  }
}

</mosaic_0001>

<sc_bundles>
// kernel: kernel.3.cloned.1.call-start
scs
__scs_entry_jumppad:
0x0: {  	(pc) =	sbr.rel $0x88, $3  }
0x1: {  	(tag) =	ssettag $0x0;
	lr =	simm.s32 $0x1  }
0x2: {  	[smem:$0x3F9F] =	sst lr;
	_ =	strace $0xD0000000  }
0x3: {  	_ = 	snop  }
0x4: {  	_ = 	snop  }
0x5: {  	_ = 	snop  }
0x6: {  	_ = 	snop  }
0x7: {  	_ = 	snop  }
__scs_overlays_trampoline_lowered:
0x8: {  	[smem:$0x3FAE] =	sst s0  }
0x9: {  	[smem:$0x3FAF] =	sst s1  }
0xa: {  	[smem:$0x3FB0] =	sst s2  }
0xb: {  	[smem:$0x3FB1] =	sst s3  }
0xc: {  	[smem:$0x3FB2] =	sst s4  }
0xd: {  	[smem:$0x3FB3] =	sst s5  }
0xe: {  	[smem:$0x3FB4] =	sst s6  }
0xf: {  	[smem:$0x3FB5] =	sst s7  }
0x10: {  	[smem:$0x3FB6] =	sst s8  }
0x11: {  	[smem:$0x3FB7] =	sst s9;
	s0 =	simm.s32 @!p0 $0x0  }
0x12: {  	s1 =	sld [smem:$0x3F9D];
	s0 =	simm.s32 @p0 $0x1  }
0x13: {  	[smem:$0x3FB8] =	sst s0;
	s0 =	simm.s32 @!p1 $0x0  }
0x14: {  	s2 =	sld [smem:$0x3F9C];
	s0 =	simm.s32 @p1 $0x1  }
0x15: {  	[smem:$0x3FB9] =	sst s0;
	s0 =	simm.s32 @!p2 $0x0  }
0x16: {  	s3 =	sld [smem:$0x3FDB];
	s0 =	simm.s32 @p2 $0x1  }
0x17: {  	s4 =	simm.s32 $0x1BF5;
	[smem:$0x3FBB] =	sst s0  }
0x18: {  	s0 =	sld [smem:$0x3F9E];
	_ =	swait.ge [sflag:s4], $0x0  }
0x19: {  	s7 =	sld [smem:$0x3F9F]  }
0x1a: {  	s8 =	sadd.s32 $0xFFFFE003, lr  }
0x1b: {  	s9 =	sadd.s32 $0xFFFFFEF7, lr;
	s5 =	simm.s32 $0xFFFFFFFF;
	p2 =	slt.u32 s8, $0xFFFFF086  }
0x1c: {  	p1 =	slt.u32 s9, $0xF7A;
	s5 =	simm.s32 @!p2 $0x0  }
0x1d: {  	s5 =	simm.s32 @p1 $0x1;
	p0 =	seq.s32 s7, s2  }
0x1e: {  	s7 =	smul.u32 @!p0 $0xF7A, s2;
	p2 =	seq.s32 @!p0 s5, $0x0  }
0x1f: {  	s9 =	smul.u32 $0xF7A, s1;
	s8 =	simm.s32 @!p0 $0x1BF5;
	p2 =	por !p2, p0  }
0x20: {  	[sflag:s8] =	ssyncset.s32 @!p0 $0xFFFFF086;
	s6 =	sadd.s32 @!p0 s3, s7;
	s7 =	simm.s32 @!p0 $0x108  }
0x21: {  	s3 =	sadd.s32 s3, s9;
	s6 =	sadd.s32 @!p0 $0x88, s6;
	s7 =	simm.s32 @p2 $0x1082  }
0x22: {  	[simem:s7], [sflag:s8] =	dma.local @!p0 [hbm:s6], $0xF7A  }
0x23: {  	s9 =	sor.u32 $0xD0000000, s2;
	s6 =	simm.s32 $0x108;
	_ =	swait.ge @!p0 [sflag:s8], $0x0  }
0x24: {  	s3 =	sadd.s32 $0x88, s3;
	s6 =	simm.s32 @!p1 $0x1082;
	[sflag:s4] =	ssyncset.s32 $0xFFFFF086  }
0x25: {  	[simem:s6], [sflag:s4] =	dma.local [hbm:s3], $0xF7A  }
0x26: {  	[smem:$0x3F9F] =	sst s1;
	(tag) =	ssettag s2;
	_ =	strace s9  }
0x27: {  	s1 =	sld [smem:$0x3FAF]  }
0x28: {  	s2 =	sld [smem:$0x3FB0]  }
0x29: {  	s4 =	sld [smem:$0x3FB2]  }
0x2a: {  	p0 =	seq.s32 s5, $0x0;
	s5 =	sld [smem:$0x3FB3]  }
0x2b: {  	s6 =	sld [smem:$0x3FB4]  }
0x2c: {  	s7 =	sld [smem:$0x3FB5]  }
0x2d: {  	s3 =	simm.s32 $0x108;
	s8 =	sld [smem:$0x3FB6]  }
0x2e: {  	s3 =	simm.s32 @!p0 $0x1082;
	s9 =	sld [smem:$0x3FB7]  }
0x2f: {  	lr =	sadd.s32 s0, s3;
	s0 =	sld [smem:$0x3FAE]  }
0x30: {  	s3 =	sld [smem:$0x3FB1]  }
0x31: {  	[smem:$0x3FBA] =	sst s10  }
0x32: {  	s10 =	sld [smem:$0x3FB8];
	_ =	sdelay $0x3  }
0x33: {  	p0 =	seq.s32 s10, $0x1;
	s10 =	sld [smem:$0x3FBA];
	_ =	sdelay $0x3  }
0x34: {  	[smem:$0x3FBA] =	sst s10  }
0x35: {  	s10 =	sld [smem:$0x3FB9];
	_ =	sdelay $0x3  }
0x36: {  	p1 =	seq.s32 s10, $0x1;
	s10 =	sld [smem:$0x3FBA];
	_ =	sdelay $0x3  }
0x37: {  	[smem:$0x3FBA] =	sst s10  }
0x38: {  	s10 =	sld [smem:$0x3FBB]  }
0x39: {  	_ = 	snop;
	(pc) =	sbr.ind lr, $3  }
0x3a: {  	_ = 	snop  }
0x3b: {  	_ = 	snop  }
0x3c: {  	p2 =	seq.s32 s10, $0x1;
	s10 =	sld [smem:$0x3FBA]  }
0x3d: {  	_ =	shalt  }
0x3e: {  	_ =	shalt  }
0x3f: {  	_ =	shalt  }
0x40: {  	_ =	shalt  }
0x41: {  	_ =	shalt  }
0x42: {  	_ =	shalt  }
0x43: {  	_ =	shalt  }
0x44: {  	_ =	shalt  }
0x45: {  	_ =	shalt  }
0x46: {  	_ =	shalt  }
0x47: {  	_ =	shalt  }
0x48: {  	_ =	shalt  }
0x49: {  	_ =	shalt  }
0x4a: {  	_ =	shalt  }
0x4b: {  	_ =	shalt  }
0x4c: {  	_ =	shalt  }
0x4d: {  	_ =	shalt  }
0x4e: {  	_ =	shalt  }
0x4f: {  	_ =	shalt  }
0x50: {  	_ =	shalt  }
0x51: {  	_ =	shalt  }
0x52: {  	_ =	shalt  }
0x53: {  	_ =	shalt  }
0x54: {  	_ =	shalt  }
0x55: {  	_ =	shalt  }
0x56: {  	_ =	shalt  }
0x57: {  	_ =	shalt  }
0x58: {  	_ =	shalt  }
0x59: {  	_ =	shalt  }
0x5a: {  	_ =	shalt  }
0x5b: {  	_ =	shalt  }
0x5c: {  	_ =	shalt  }
0x5d: {  	_ =	shalt  }
0x5e: {  	_ =	shalt  }
0x5f: {  	_ =	shalt  }
0x60: {  	_ =	shalt  }
0x61: {  	_ =	shalt  }
0x62: {  	_ =	shalt  }
0x63: {  	_ =	shalt  }
0x64: {  	_ =	shalt  }
0x65: {  	_ =	shalt  }
0x66: {  	_ =	shalt  }
0x67: {  	_ =	shalt  }
0x68: {  	_ =	shalt  }
0x69: {  	_ =	shalt  }
0x6a: {  	_ =	shalt  }
0x6b: {  	_ =	shalt  }
0x6c: {  	_ =	shalt  }
0x6d: {  	_ =	shalt  }
0x6e: {  	_ =	shalt  }
0x6f: {  	_ =	shalt  }
0x70: {  	_ =	shalt  }
0x71: {  	_ =	shalt  }
0x72: {  	_ =	shalt  }
0x73: {  	_ =	shalt  }
0x74: {  	_ =	shalt  }
0x75: {  	_ =	shalt  }
0x76: {  	_ =	shalt  }
0x77: {  	_ =	shalt  }
0x78: {  	_ =	shalt  }
0x79: {  	_ =	shalt  }
0x7a: {  	_ =	shalt  }
0x7b: {  	_ =	shalt  }
0x7c: {  	_ =	shalt  }
0x7d: {  	_ =	shalt  }
0x7e: {  	_ =	shalt  }
0x7f: {  	_ =	shalt  }
0x80: {  	_ =	shalt  }
0x81: {  	_ =	shalt  }
0x82: {  	_ =	shalt  }
0x83: {  	_ =	shalt  }
0x84: {  	_ =	shalt  }
0x85: {  	_ =	shalt  }
0x86: {  	_ =	shalt  }
0x87: {  	_ =	shalt  }
.Lfunc_end0:
.L_simem_size_0:
called_computation_lowered:
.L_overlay_start_0:
0x88: {  	s2 =	sld [smem:$0x3FD9]  }
0x89: {  	s3 =	sld [smem:$0x3FFE];
	_ =	sdelay $0x1  }
0x8a: {  	s1 =	srdreg.scid  }
0x8b: {  	s0 =	sand.u32 $0x1, s1  }
0x8c: {  	s17 =	sshll.u32 s0, $0xA;
	s2 =	sadd.s32 s3, s2  }
0x8d: {  	s2 =	sadd.s32 s2, s17  }
0x8e: {  	[smem:$0x3FC6] =	sst s2  }
0x8f: {  	_ = 	snop  }
0x90: {  	s2 =	sld [smem:$0x3FC9]  }
0x91: {  	s18 =	sld [smem:$0x3FC8]  }
0x92: {  	s4 =	sld [smem:$0x3FD0];
	(tm) =	ssettm $0x1  }
0x93: {  	s5 =	sld [smem:$0x3FFB];
	_ =	sdelay $0x3  }
0x94: {  	_ =	strace s5  }
0x95: {  	s5 =	sld [smem:$0x3FFC];
	_ =	sdelay $0x3  }
0x96: {  	_ =	strace s5  }
0x97: {  	s5 =	sld [smem:$0x3FFD];
	_ =	sdelay $0x3  }
0x98: {  	_ =	strace s5  }
0x99: {  	_ =	strace $0x8FFFFFFF  }
0x9a: {  	s19 =	sld [smem:$0x3FDB];
	_ =	sdelay $0x1  }
0x9b: {  	s6 =	simm.s32 $_scs_section_size  }
0x9c: {  	s7 =	simm.s32 $_size__tile_overlayer_lowered;
	s8 =	simm.s32 $_tile_overlayer_lowered  }
0x9d: {  	s22 =	simm.s32 $0x1BFF;
	s21 =	sshll.u32 s8, $0x1;
	s5 =	sadd.s32 s6, s19  }
0x9e: {  	s9 =	simm.s32 $0x0;
	s20 =	sshll.u32 s7, $0x1;
	s7 =	sadd.s32 s21, s5  }
0x9f: {  	[timem:s9], [sflag:s22] =	dma.local [hbm:s7], s20  }
0xa0: {  	_ =	swait.ge [sflag:s22], s20  }
0xa1: {  	s6 =	ssub.s32 $0x0, s20;
	[sflag:s22] =	ssyncset.done $0x0  }
0xa2: {  	[sflag:s22] =	ssyncadd.s32 s6;
	_ =	sdelay $0x1  }
0xa3: {  	s23 =	simm.s32 $0x1B8B  }
0xa4: {  	_ =	swait.ge [sflag:s23], $0x1  }
0xa5: {  	[sflag:s23] =	ssyncset.done $0x0  }
0xa6: {  	s25 =	simm.s32 $0x1B8E;
	s24 =	sld [smem:$0x3FFE];
	[sflag:s23] =	ssyncadd.s32 $0xFFFFFFFF  }
0xa7: {  	s26 =	simm.s32 $execute0_lowered;
	[smem:$0x3FD2] =	sst s25  }
0xa8: {  	s7 =	sshll.u32 s26, $0x1;
	_ =	strace $0x80000046;
	[dreg:$0x1] =	wrdreg $0xFFFFFFFF  }
0xa9: {  	s28 =	simm.s32 $_size_execute0_lowered;
	s5 =	sadd.s32 s5, s7;
	[dreg:$0x0] =	wrdreg $0x0  }
0xaa: {  	s7 =	sshll.u32 s28, $0x1;
	[dreg:$0x2] =	wrdreg s5  }
0xab: {  	[dreg:$0x3] =	wrdreg s7  }
0xac: {  	[dreg:$0x4] =	wrdreg $0xC0  }
0xad: {  	_ =	task [dreg:s9], $0x5FFFF  }
0xae: {  	[dreg:$0x1] =	wrdreg $0xFFFFFFFF  }
0xaf: {  	[dreg:$0x0] =	wrdreg $0x60  }
0xb0: {  	[dreg:$0x2] =	wrdreg s2  }
0xb1: {  	[dreg:$0x3] =	wrdreg s18  }
0xb2: {  	[dreg:$0x4] =	wrdreg s4  }
0xb3: {  	[dreg:$0x5] =	wrdreg s24  }
0xb4: {  	[dreg:$0x6] =	wrdreg $0x9  }
0xb5: {  	_ =	task.clear_ibuf [dreg:s9], $0x7FFFF;
	_ =	strace $0x90000046  }
0xb6: {  	s29 =	simm.s32 $0x9;
	_ =	strace $0x80000048  }
0xb7: {  	_ =	swait.ge [sflag:s29], $0x1  }
0xb8: {  	[sflag:s29] =	ssyncadd.s32 $0xFFFFFFFF  }
0xb9: {  	_ =	strace $0x90000048  }
0xba: {  	_ =	sfence  }
0xbb: {  	s30 =	sld [smem:$0x0];
	_ =	sdelay $0x2  }
0xbc: {  	s31 =	sshll.u32 s1, $0xD;
	s1 =	sshrl.u32 s1, $0x2  }
0xbd: {  	s3 =	sand.u32 $0x4000, s31;
	s1 =	sadd.s32 s1, s30  }
0xbe: {  	s0 =	sor.u32 s3, s0;
	s1 =	sshll.u32 s1, $0x11  }
0xbf: {  	s0 =	sor.u32 s1, s0  }
0xc0: {  	s0 =	sadd.s32 $0x8F2B, s0  }
0xc1: {  	[sflag:s0] =	ssyncadd.remote.s32 $0x1  }
0xc2: {  	_ =	sfence.sel $0xFFFF  }
0xc3: {  	[dreg:$0x0] =	wrdreg $0xFFFFFFFF;
	(pc) =	sbr.abs _section_cstart, $3  }
0xc4: {  	[dreg:$0x1] =	wrdreg $0xFFFFFFFF  }
0xc5: {  	_ =	task.clear_ibuf [dreg:s9], $0x2FFFF;
	_ =	strace $0x9FFFFFFF  }
0xc6: {  	(tm) =	ssettm $0x7FFFFFFF  }
0xc7: {  	_ =	shalt  }
tec
execute0_lowered:
.L_overlay_start_1:
0x0: {  	(tag) =	ssettag $0x1  }
0x1: {  	v0 =	vimm.s32 $0xB80;
	vm14 =	vcmask $0x300  }
0x2: {  	vm13 =	vcmask $0x704;
	vm12 =	vcmask $0xB08;
	vm11 =	vcmask $0xF0C  }
0x3: {  	vm10 =	vcmask $0x1310;
	vm9 =	vcmask $0x1714;
	vm8 =	vcmask $0x1B18  }
0x4: {  	vm7 =	vcmask $0x1F1C;
	vm6 =	vcmask $0x2320;
	vm4 =	vcmask $0x2724  }
0x5: {  	vm5 =	vcmask $0x2B28;
	vm3 =	vcmask $0x2F2C;
	vm2 =	vcmask $0x3330  }
0x6: {  	vm1 =	vcmask $0x3734;
	vm0 =	vcmask $0x3B38;
	v4 =	vimm.s32 $0x1B80  }
0x7: {  	v5 =	vimm.s32 $0x2B80;
	v6 =	vimm.s32 $0x3B80;
	v0 =	vsel vm14, $0x0, v0  }
0x8: {  	v4 =	vsel vm14, $0x1000, v4;
	v5 =	vsel vm14, $0x2000, v5;
	v6 =	vsel vm14, $0x3000, v6  }
0x9: {  	v0 =	vsel vm13, $0x80, v0;
	v4 =	vsel vm13, $0x1080, v4;
	v5 =	vsel vm13, $0x2080, v5  }
0xa: {  	v6 =	vsel vm13, $0x3080, v6;
	v0 =	vsel vm12, $0x100, v0;
	v4 =	vsel vm12, $0x1100, v4  }
0xb: {  	v5 =	vsel vm12, $0x2100, v5;
	v6 =	vsel vm12, $0x3100, v6;
	v0 =	vsel vm11, $0x180, v0  }
0xc: {  	v4 =	vsel vm11, $0x1180, v4;
	v5 =	vsel vm11, $0x2180, v5;
	v6 =	vsel vm11, $0x3180, v6  }
0xd: {  	v0 =	vsel vm10, $0x200, v0;
	v4 =	vsel vm10, $0x1200, v4;
	v5 =	vsel vm10, $0x2200, v5  }
0xe: {  	v6 =	vsel vm10, $0x3200, v6;
	v0 =	vsel vm9, $0x280, v0;
	v4 =	vsel vm9, $0x1280, v4  }
0xf: {  	v5 =	vsel vm9, $0x2280, v5;
	v6 =	vsel vm9, $0x3280, v6;
	v0 =	vsel vm8, $0x300, v0  }
0x10: {  	s0 =	srdreg.scid;
	s3 =	rddreg [dreg:$0x1];
	v4 =	vsel vm8, $0x1300, v4;
	v5 =	vsel vm8, $0x2300, v5;
	v6 =	vsel vm8, $0x3300, v6  }
0x11: {  	s4 =	stileid.u32;
	s25 =	rddreg [dreg:$0x3];
	s9 =	simm.s32 $0x7B;
	v0 =	vsel vm7, $0x380, v0;
	v4 =	vsel vm7, $0x1380, v4;
	v5 =	vsel vm7, $0x2380, v5  }
0x12: {  	s6 =	simm.s32 $0x0;
	s14 =	simm.s32 $0x7A1400;
	s15 =	simm.s32 $0x800;
	v6 =	vsel vm7, $0x3380, v6;
	v0 =	vsel vm6, $0x800, v0;
	v4 =	vsel vm6, $0x1800, v4  }
0x13: {  	s16 =	simm.s32 $0x10180;
	s17 =	simm.s32 $0x14180;
	s18 =	simm.s32 $0x18180;
	v5 =	vsel vm6, $0x2800, v5;
	v6 =	vsel vm6, $0x3800, v6;
	v0 =	vsel vm4, $0x880, v0  }
0x14: {  	s20 =	simm.s32 $0x1C180;
	s0 =	sand.u32 $0x1, s0;
	s1 =	sshll.u32 s4, $0x1;
	v4 =	vsel vm4, $0x1880, v4;
	v5 =	vsel vm4, $0x2880, v5;
	v6 =	vsel vm4, $0x3880, v6  }
0x15: {  	s21 =	simm.s32 $0x4000;
	s22 =	simm.s32 $0x8080;
	s2 =	sor.u32 s0, s1;
	v0 =	vsel vm5, $0x900, v0;
	v4 =	vsel vm5, $0x1900, v4;
	v5 =	vsel vm5, $0x2900, v5  }
0x16: {  	s23 =	simm.s32 $0x1;
	s24 =	simm.s32 $0xC100;
	s28 =	simm.s32 $0x3;
	v6 =	vsel vm5, $0x3900, v6;
	v1 =	vsel vm3, $0x980, v0;
	v0 =	vmov s2  }
0x17: {  	[smem:$0x7FF] =	sst s6;
	s7 =	sadd.s32 $0x400, s25;
	p0 =	seq.s32 s4, $0x0;
	v4 =	vsel vm3, $0x1980, v4;
	v5 =	vsel vm3, $0x2980, v5;
	v6 =	vsel vm3, $0x3980, v6  }
0x18: {  	s25 =	simm.s32 $0x4;
	_ =	strace $0x80000047;
	s8 =	sshll.u32 s2, $0x8;
	v2 =	vsel vm2, $0xA00, v1;
	v1 =	vlaneseq.u32;
	v4 =	vsel vm2, $0x1A00, v4  }
.Ltmp0:
0x19: {  	s0 =	ssub.s32 $0x2, s0;
	s29 =	sadd.s32 s3, s8;
	v3 =	vsel vm1, $0xA80, v2;
	v2 =	vimm.s32 $0x0;
	v7 =	vsel vm1, $0x1A80, v4;
	(pc) =	sbr.rel .LBB2_1-.Ltmp0, $4  }
0x1a: {  	s26 =	sshrl.u32 s0, $0x1;
	s30 =	sadd.s32 $0x2000, s29;
	[dreg:$0x5] =	wrdreg s29;
	v4 =	vsel vm2, $0x2A00, v5;
	v5 =	vsel vm2, $0x3A00, v6;
	v3 =	vsel vm0, $0xB00, v3  }
0x1b: {  	s0 =	ssub.s32 s0, s26;
	s31 =	sadd.s32 $0x4000, s29;
	[dreg:$0x6] =	wrdreg s30;
	v6 =	vsel vm1, $0x2A80, v4;
	v8 =	vsel vm1, $0x3A80, v5;
	v4 =	vmul.u32 $0x80, v1  }
0x1c: {  	s4 =	simm.s32 $0x0;
	s0 =	smax.u32 s0, $0x1;
	[dreg:$0x7] =	wrdreg s31;
	v5 =	vsel vm0, $0x1B00, v7;
	v6 =	vsel vm0, $0x2B00, v6;
	v7 =	vsel vm0, $0x3B00, v8  }
0x1d: {  	s9 =	simm.s32 @!p0 $0x7A;
	s26 =	simm.s32 $0x2;
	[dreg:$0x8] =	wrdreg s0;
	v8 =	vor.u32 $0x800, v4;
	v9 =	vor.u32 $0x1000, v4;
	v10 =	vor.u32 $0x1800, v4  }
.LBB2_55:
0x1e: {  	_ = 	snop  }
.LBB2_62:
0x1f: {  	_ =	sdelay $0x2  }
0x20: {  	[hbm4b:s5+s6] =	stream.linear.scatter @p0 [tilespmem:s10], [sflag:$0x4], $0x80, $0x38;
	[tilespmem:$0x1E980] =	vst v63  }
0x21: {  	v11 =	vld.idx.msk [tilespmem:v11+s24+$0x0], $0xffff;
	_ =	sdelay $0x4  }
0x22: {  	v12 =	vshra.s32 v11, $0xE  }
0x23: {  	v13 =	vadd.s32 v4, v12  }
0x24: {  	(v2sf) =	vpush v11, $0x0  }
0x25: {  	_ =	swait.ge [sflag:s25], $0x80  }
0x26: {  	[sflag:s25] =	ssyncset.done $0x0  }
0x27: {  	[sflag:s25] =	ssyncadd.s32 $0xFFFFFF80  }
0x28: {  	v11 =	vld.idx.msk [tilespmem:v13+s20+$0x0], $0xffff  }
0x29: {  	v62 =	vadd.s32 v8, v12;
	_ =	sdelay $0x2  }
0x2a: {  	s0 =	sand.u32 $0x780, s0  }
0x2b: {  	[tilespmem:s0+$0x1E180] =	vst v11  }
0x2c: {  	v11 =	vld.idx.msk [tilespmem:v62+s20+$0x0], $0xffff  }
0x2d: {  	v63 =	vadd.s32 v9, v12;
	_ =	sdelay $0x3  }
0x2e: {  	[tilespmem:s0+$0x1E190] =	vst v11  }
0x2f: {  	v11 =	vld.idx.msk [tilespmem:v63+s20+$0x0], $0xffff  }
0x30: {  	v12 =	vadd.s32 v10, v12;
	_ =	sdelay $0x3  }
0x31: {  	[tilespmem:s0+$0x1E1A0] =	vst v11  }
0x32: {  	v11 =	vld.idx.msk [tilespmem:v12+s20+$0x0], $0xffff;
	_ =	sdelay $0x1  }
0x33: {  	s1 =	spop (v2sf)  }
0x34: {  	s1 =	sshll.u32 s1, $0x4  }
0x35: {  	s1 =	sand.u32 $0x3FFF0, s1  }
0x36: {  	s4 =	sadd.s32 $0x1E180, s0;
	s31 =	sadd.s32 s7, s1;
	[tilespmem:s0+$0x1E1B0] =	vst v11  }
0x37: {  	[hbm4b:s31+s6] =	stream.linear.scatter [tilespmem:s4], [sflag:$0x4], $0x80, $0x38;
	[tilespmem:$0x1E980] =	vst v63  }
0x38: {  	s4 =	rddreg [dreg:$0x9]  }
.LBB2_63:
0x39: {  	_ =	swait.ge [sflag:s25], $0x80  }
0x3a: {  	[sflag:s25] =	ssyncset.done $0x0  }
0x3b: {  	[sflag:s25] =	ssyncadd.s32 $0xFFFFFF80  }
0x3c: {  	_ =	swait.ge [sflag:s25], $0x80  }
0x3d: {  	[sflag:s25] =	ssyncset.done $0x0  }
0x3e: {  	[sflag:s25] =	ssyncadd.s32 $0xFFFFFF80  }
0x3f: {  	_ =	swait.ge [sflag:s25], $0x80  }
0x40: {  	[sflag:s25] =	ssyncset.done $0x0  }
0x41: {  	[sflag:s25] =	ssyncadd.s32 $0xFFFFFF80  }
0x42: {  	_ =	swait.ge [sflag:s25], $0x80  }
0x43: {  	[sflag:s25] =	ssyncset.done $0x0  }
0x44: {  	[sflag:s25] =	ssyncadd.s32 $0xFFFFFF80  }
0x45: {  	_ =	swait.ge [sflag:s25], $0x80  }
0x46: {  	[sflag:s25] =	ssyncset.done $0x0  }
0x47: {  	[sflag:s25] =	ssyncadd.s32 $0xFFFFFF80  }
0x48: {  	_ =	swait.ge [sflag:s25], $0x80  }
0x49: {  	[sflag:s25] =	ssyncset.done $0x0  }
0x4a: {  	[sflag:s25] =	ssyncadd.s32 $0xFFFFFF80  }
0x4b: {  	_ =	swait.ge [sflag:s25], $0x80  }
0x4c: {  	[sflag:s25] =	ssyncset.done $0x0  }
0x4d: {  	[sflag:s25] =	ssyncadd.s32 $0xFFFFFF80  }
0x4e: {  	_ =	swait.ge [sflag:s25], $0x80  }
0x4f: {  	[sflag:s25] =	ssyncset.done $0x0  }
0x50: {  	[sflag:s25] =	ssyncadd.s32 $0xFFFFFF80  }
0x51: {  	_ =	swait.ge [sflag:s25], $0x80  }
0x52: {  	[sflag:s25] =	ssyncset.done $0x0  }
0x53: {  	[sflag:s25] =	ssyncadd.s32 $0xFFFFFF80  }
0x54: {  	_ =	swait.ge [sflag:s25], $0x80  }
0x55: {  	[sflag:s25] =	ssyncset.done $0x0  }
0x56: {  	[sflag:s25] =	ssyncadd.s32 $0xFFFFFF80  }
0x57: {  	_ =	swait.ge [sflag:s25], $0x80  }
0x58: {  	[sflag:s25] =	ssyncset.done $0x0  }
0x59: {  	[sflag:s25] =	ssyncadd.s32 $0xFFFFFF80  }
0x5a: {  	_ =	swait.ge [sflag:s25], $0x80  }
0x5b: {  	[sflag:s25] =	ssyncset.done $0x0  }
0x5c: {  	[sflag:s25] =	ssyncadd.s32 $0xFFFFFF80  }
0x5d: {  	_ =	swait.ge [sflag:s25], $0x80  }
0x5e: {  	[sflag:s25] =	ssyncset.done $0x0  }
0x5f: {  	[sflag:s25] =	ssyncadd.s32 $0xFFFFFF80  }
0x60: {  	_ =	swait.ge [sflag:s25], $0x80  }
0x61: {  	[sflag:s25] =	ssyncset.done $0x0  }
0x62: {  	[sflag:s25] =	ssyncadd.s32 $0xFFFFFF80  }
0x63: {  	_ =	swait.ge [sflag:s25], $0x80  }
0x64: {  	[sflag:s25] =	ssyncset.done $0x0  }
0x65: {  	[sflag:s25] =	ssyncadd.s32 $0xFFFFFF80  }
0x66: {  	_ =	swait.ge [sflag:s25], $0x80  }
0x67: {  	s4 =	sadd.s32 $0x1, s4;
	s0 =	rddreg [dreg:$0x8]  }
0x68: {  	p0 =	sne.s32 s4, s0  }
.Ltmp1:
0x69: {  	_ = 	snop;
	(pc) =	sbr.rel @!p0 .LBB2_64-.Ltmp1, $3  }
0x6a: {  	_ =	sdelay $0x1  }
0x6b: {  	[sflag:s25] =	ssyncset.done $0x0  }
0x6c: {  	[sflag:s25] =	ssyncadd.s32 $0xFFFFFF80  }
.LBB2_1:
0x6d: {  	s0 =	rddreg [dreg:$0x5]  }
0x6e: {  	[tilespmem:s16], [sflag:$0x1] =	stream.strided.gather [hbm4b:s0+s15], $0x4000, s14, s15, $0x38;
	[tilespmem:$0x1E980] =	vst v63  }
0x6f: {  	s5 =	rddreg [dreg:$0x6]  }
0x70: {  	[tilespmem:s17], [sflag:$0x2] =	stream.strided.gather [hbm4b:s5+s15], $0x4000, s14, s15, $0x38;
	[tilespmem:$0x1E980] =	vst v63  }
0x71: {  	s10 =	rddreg [dreg:$0x7]  }
0x72: {  	[tilespmem:s18], [sflag:$0x3] =	stream.strided.gather [hbm4b:s10+s15], $0x4000, s14, s15, $0x38;
	[tilespmem:$0x1E980] =	vst v63  }
0x73: {  	s11 =	simm.s32 $0x1E180  }
0x74: {  	[tilespmem:s11], [sflag:$0x4] =	stream.linear.gather [hbm4b:s7+s6], $0x80, $0x38;
	[tilespmem:$0x1E980] =	vst v63  }
0x75: {  	s12 =	simm.s32 $0x1E200  }
0x76: {  	[tilespmem:s12], [sflag:$0x4] =	stream.linear.gather [hbm4b:s7+s6], $0x80, $0x38;
	[tilespmem:$0x1E980] =	vst v63  }
0x77: {  	s13 =	simm.s32 $0x1E280  }
0x78: {  	[tilespmem:s13], [sflag:$0x4] =	stream.linear.gather [hbm4b:s7+s6], $0x80, $0x38;
	[tilespmem:$0x1E980] =	vst v63  }
0x79: {  	s19 =	simm.s32 $0x1E300  }
0x7a: {  	[tilespmem:s19], [sflag:$0x4] =	stream.linear.gather [hbm4b:s7+s6], $0x80, $0x38;
	[tilespmem:$0x1E980] =	vst v63  }
0x7b: {  	s29 =	simm.s32 $0x1E380  }
0x7c: {  	[tilespmem:s29], [sflag:$0x4] =	stream.linear.gather [hbm4b:s7+s6], $0x80, $0x38;
	[tilespmem:$0x1E980] =	vst v63  }
0x7d: {  	s30 =	simm.s32 $0x1E400  }
0x7e: {  	[tilespmem:s30], [sflag:$0x4] =	stream.linear.gather [hbm4b:s7+s6], $0x80, $0x38;
	[tilespmem:$0x1E980] =	vst v63  }
0x7f: {  	s31 =	simm.s32 $0x1E480  }
0x80: {  	[tilespmem:s31], [sflag:$0x4] =	stream.linear.gather [hbm4b:s7+s6], $0x80, $0x38;
	[tilespmem:$0x1E980] =	vst v63  }
0x81: {  	s1 =	simm.s32 $0x1E500  }
0x82: {  	[tilespmem:s1], [sflag:$0x4] =	stream.linear.gather [hbm4b:s7+s6], $0x80, $0x38;
	[tilespmem:$0x1E980] =	vst v63  }
0x83: {  	[dreg:$0x9] =	wrdreg s4;
	s4 =	simm.s32 $0x1E580  }
0x84: {  	[tilespmem:s4], [sflag:$0x4] =	stream.linear.gather [hbm4b:s7+s6], $0x80, $0x38;
	[tilespmem:$0x1E980] =	vst v63  }
0x85: {  	s5 =	simm.s32 $0x1E600  }
0x86: {  	[tilespmem:s5], [sflag:$0x4] =	stream.linear.gather [hbm4b:s7+s6], $0x80, $0x38;
	[tilespmem:$0x1E980] =	vst v63  }
0x87: {  	s10 =	simm.s32 $0x1E680  }
0x88: {  	[tilespmem:s10], [sflag:$0x4] =	stream.linear.gather [hbm4b:s7+s6], $0x80, $0x38;
	[tilespmem:$0x1E980] =	vst v63  }
0x89: {  	s11 =	simm.s32 $0x1E700  }
0x8a: {  	[tilespmem:s11], [sflag:$0x4] =	stream.linear.gather [hbm4b:s7+s6], $0x80, $0x38;
	[tilespmem:$0x1E980] =	vst v63  }
0x8b: {  	s12 =	simm.s32 $0x1E780  }
0x8c: {  	[tilespmem:s12], [sflag:$0x4] =	stream.linear.gather [hbm4b:s7+s6], $0x80, $0x38;
	[tilespmem:$0x1E980] =	vst v63  }
0x8d: {  	s13 =	simm.s32 $0x1E800  }
0x8e: {  	[tilespmem:s13], [sflag:$0x4] =	stream.linear.gather [hbm4b:s7+s6], $0x80, $0x38;
	[tilespmem:$0x1E980] =	vst v63  }
0x8f: {  	s19 =	simm.s32 $0x1E880  }
0x90: {  	[tilespmem:s19], [sflag:$0x4] =	stream.linear.gather [hbm4b:s7+s6], $0x80, $0x38;
	[tilespmem:$0x1E980] =	vst v63  }
0x91: {  	s29 =	simm.s32 $0x1E900  }
0x92: {  	[tilespmem:s29], [sflag:$0x4] =	stream.linear.gather [hbm4b:s7+s6], $0x80, $0x38;
	[tilespmem:$0x1E980] =	vst v63  }
0x93: {  	s30 =	rddreg [dreg:$0x0];
	s1 =	simm.s32 $0x5  }
0x94: {  	[tilespmem:s6], [sflag:$0x5] =	stream.linear.gather [hbm4b:s30+s6], $0x4000, $0x38;
	[tilespmem:$0x1E980] =	vst v63  }
0x95: {  	_ =	swait.ge [sflag:s1], $0x4000  }
0x96: {  	[sflag:s1] =	ssyncset.done $0x0  }
0x97: {  	[sflag:s1] =	ssyncadd.s32 $0xFFFFC000  }
0x98: {  	s31 =	rddreg [dreg:$0x2]  }
0x99: {  	[tilespmem:s20], [sflag:$0x5] =	stream.linear.gather [hbm4b:s31+s6], $0x2000, $0x38;
	[tilespmem:$0x1E980] =	vst v63  }
0x9a: {  	_ =	swait.ge [sflag:s1], $0x2000  }
0x9b: {  	[sflag:s1] =	ssyncset.done $0x0  }
0x9c: {  	[sflag:s1] =	ssyncadd.s32 $0xFFFFE000  }
0x9d: {  	v11 =	vld [tilespmem:s6+$0x0];
	_ =	sdelay $0x4  }
0x9e: {  	v12 =	vshrl.u32 v11, $0x8  }
0x9f: {  	v12 =	vand.u32 $0x1F, v12  }
0xa0: {  	vm0 =	veq.s32 v12, v0  }
0xa1: {  	v12 =	vmpcnt.ones.xlane vm0  }
0xa2: {  	v13 =	vsel vm0, $0x1, v2  }
0xa3: {  	(xrf0) =	vadd.scan.msk.s32 $0xffff, v13;
	(v2sf) =	vpush v12, $0x0;
	_ =	sdelay $0x2  }
0xa4: {  	v62 =	vmov s6  }
0xa5: {  	v12 =	vadd.s32 $0xFFFFFFFF, v62  }
0xa6: {  	v12 =	vbroadcast v12, $0x0  }
0xa7: {  	v13, _, _ =	vpop (xrf0)  }
0xa8: {  	v12 =	vadd.s32 v13, v12  }
0xa9: {  	v12 =	vnsel vm0, $0x0, v12;
	_ =	sdelay $0x4  }
0xaa: {  	v63 =	vor.u32 s6, v1;
	[tilespmem:v12+s21+$0x0] =	vst.idx.msk vm0, v11  }
0xab: {  	s0 =	simm.s32 $0x10;
	s4 =	simm.s32 $0x20;
	[tilespmem:v12+s22+$0x0] =	vst.idx.msk vm0, v63  }
0xac: {  	s5 =	simm.s32 $0x10;
	s1 =	simm.s32 $0x0;
	v11 =	vld [tilespmem:s0+$0x0];
	s10 =	spop (v2sf)  }
.LBB2_2:
0xad: {  	p0 =	sne.s32 s4, $0x3FF0  }
0xae: {  	s1 =	sadd.s32 s1, s10;
	s10 =	smov.u32 s4;
	s4 =	sadd.s32 $0x10, s4  }
0xaf: {  	v12 =	vmov s1  }
0xb0: {  	v12 =	vadd.s32 $0xFFFFFFFF, v12  }
0xb1: {  	v13 =	vshrl.u32 v11, $0x8  }
0xb2: {  	v13 =	vand.u32 $0x1F, v13  }
0xb3: {  	vm0 =	veq.s32 v13, v0  }
0xb4: {  	v13 =	vsel vm0, $0x1, v2;
	v14 =	vmpcnt.ones.xlane vm0  }
0xb5: {  	(xrf0) =	vadd.scan.msk.s32 $0xffff, v13  }
0xb6: {  	(v2sf) =	vpush v14, $0x0;
	_ =	sdelay $0x3  }
0xb7: {  	v12 =	vbroadcast v12, $0x0  }
0xb8: {  	v13, _, _ =	vpop (xrf0)  }
0xb9: {  	v12 =	vadd.s32 v13, v12  }
0xba: {  	v12 =	vnsel vm0, $0x0, v12;
	_ =	sdelay $0x3  }
.Ltmp2:
0xbb: {  	(pc) =	sbr.rel @p0 .LBB2_2-.Ltmp2, $4  }
0xbc: {  	v13 =	vor.u32 s0, v1;
	s0 =	smov.u32 s10;
	[tilespmem:v12+s21+$0x0] =	vst.idx.msk vm0, v11  }
0xbd: {  	s5 =	sadd.s32 $0x10, s5;
	[tilespmem:v12+s22+$0x0] =	vst.idx.msk vm0, v13  }
0xbe: {  	v11 =	vld [tilespmem:s5+$0x0]  }
0xbf: {  	s10 =	spop (v2sf)  }
0xc0: {  	_ =	sdelay $0x2  }
0xc1: {  	v12 =	vshrl.u32 v11, $0x8  }
0xc2: {  	v12 =	vand.u32 $0x1F, v12  }
0xc3: {  	vm0 =	veq.s32 v12, v0  }
0xc4: {  	v12 =	vmpcnt.ones.xlane vm0;
	_ =	sdelay $0x1  }
0xc5: {  	(v2sf) =	vpush v12, $0x0;
	_ =	sdelay $0x3  }
0xc6: {  	v61 =	vsel vm0, $0x1, v2  }
0xc7: {  	(xrf0) =	vadd.scan.msk.s32 $0xffff, v61;
	_ =	sdelay $0x1  }
0xc8: {  	s1 =	sadd.s32 s1, s10  }
0xc9: {  	v62 =	vmov s1  }
0xca: {  	v12 =	vadd.s32 $0xFFFFFFFF, v62  }
0xcb: {  	v12 =	vbroadcast v12, $0x0  }
0xcc: {  	v13, _, _ =	vpop (xrf0)  }
0xcd: {  	v12 =	vadd.s32 v13, v12  }
0xce: {  	v12 =	vnsel vm0, $0x0, v12;
	_ =	sdelay $0x1  }
.Ltmp3:
0xcf: {  	s4 =	spop (v2sf);
	(pc) =	sbr.rel .LBB2_4-.Ltmp3, $4  }
0xd0: {  	s1 =	sadd.s32 s1, s4  }
0xd1: {  	s4 =	sadd.s32 $0xF, s1  }
0xd2: {  	v63 =	vor.u32 s0, v1;
	[tilespmem:v12+s21+$0x0] =	vst.idx.msk vm0, v11;
	s31 =	sshra.s32 s4, $0x4  }
0xd3: {  	s30 =	simm.s32 $0x0;
	s5 =	simm.s32 $0x0;
	[tilespmem:v12+s22+$0x0] =	vst.idx.msk vm0, v63;
	v11 =	vmov s1;
	p0 =	slt.s32 s31, $0x1  }
.LBB2_39:
0xd4: {  	_ = 	snop  }
.LBB2_48:
0xd5: {  	_ =	sdelay $0x2  }
0xd6: {  	[hbm4b:s13+s6] =	stream.linear.scatter @p1 [tilespmem:s10], [sflag:$0x4], $0x80, $0x38;
	[tilespmem:$0x1E980] =	vst v63  }
0xd7: {  	v12 =	vld.idx.msk [tilespmem:v12+s24+$0x0], $0xffff;
	_ =	sdelay $0x4  }
0xd8: {  	v13 =	vshra.s32 v12, $0xE  }
0xd9: {  	v14 =	vshll.u32 v13, $0x3  }
0xda: {  	v13 =	vand.u32 $0x7F, v13;
	v14 =	vand.u32 $0xFFFFFC00, v14  }
0xdb: {  	v13 =	vor.u32 v13, v14  }
0xdc: {  	v14 =	vadd.s32 v3, v13  }
0xdd: {  	(v2sf) =	vpush v12, $0x0  }
0xde: {  	_ =	swait.ge [sflag:s25], $0x80  }
0xdf: {  	[sflag:s25] =	ssyncset.done $0x0  }
0xe0: {  	[sflag:s25] =	ssyncadd.s32 $0xFFFFFF80  }
0xe1: {  	v61 =	vld.idx.msk [tilespmem:v14+s18+$0x0], $0xffff  }
0xe2: {  	v62 =	vadd.s32 v5, v13;
	_ =	sdelay $0x2  }
0xe3: {  	s1 =	sand.u32 $0x780, s1  }
0xe4: {  	[tilespmem:s1+$0x1E180] =	vst v61  }
0xe5: {  	v12 =	vld.idx.msk [tilespmem:v62+s18+$0x0], $0xffff  }
0xe6: {  	v63 =	vadd.s32 v6, v13;
	_ =	sdelay $0x3  }
0xe7: {  	[tilespmem:s1+$0x1E190] =	vst v12  }
0xe8: {  	v12 =	vld.idx.msk [tilespmem:v63+s18+$0x0], $0xffff  }
0xe9: {  	v13 =	vadd.s32 v7, v13;
	_ =	sdelay $0x3  }
0xea: {  	[tilespmem:s1+$0x1E1A0] =	vst v12  }
0xeb: {  	v12 =	vld.idx.msk [tilespmem:v13+s18+$0x0], $0xffff;
	_ =	sdelay $0x1  }
0xec: {  	s4 =	spop (v2sf)  }
0xed: {  	s4 =	sshll.u32 s4, $0x4  }
0xee: {  	s4 =	sand.u32 $0x3FFF0, s4  }
0xef: {  	s30 =	sadd.s32 s12, s30;
	s19 =	sadd.s32 $0x1E180, s1;
	s29 =	sadd.s32 s7, s4;
	[tilespmem:s1+$0x1E1B0] =	vst v12  }
0xf0: {  	[hbm4b:s29+s6] =	stream.linear.scatter [tilespmem:s19], [sflag:$0x4], $0x80, $0x38;
	[tilespmem:$0x1E980] =	vst v63  }
.LBB2_49:
0xf1: {  	s0 =	sadd.s32 $0x5, s0  }
0xf2: {  	s1 =	sshll.u32 s0, $0xD  }
0xf3: {  	s5 =	sadd.s32 $0x1, s5;
	p1 =	slt.u32 s0, s9;
	s1 =	sor.u32 s8, s1  }
0xf4: {  	s1 =	simm.s32 @!p1 $0x0;
	p1 =	sne.s32 s5, $0x29  }
.Ltmp4:
0xf5: {  	_ = 	snop;
	(pc) =	sbr.rel @!p1 .LBB2_50-.Ltmp4, $3  }
0xf6: {  	_ =	sdelay $0x1  }
0xf7: {  	s29 =	sadd.s32 s3, s1  }
0xf8: {  	[tilespmem:s18], [sflag:$0x3] =	stream.strided.gather [hbm4b:s29+s15], $0x4000, s14, s15, $0x38;
	[tilespmem:$0x1E980] =	vst v63  }
.LBB2_4:
.Ltmp5:
0xf9: {  	(pc) =	sbr.rel @p0 .LBB2_19-.Ltmp5, $4  }
0xfa: {  	_ = 	snop  }
0xfb: {  	_ =	swait.ge [sflag:s23], $0x4000;
	s0 =	smul.u32 $0x60, s5  }
0xfc: {  	[sflag:s23] =	ssyncset.done $0x0  }
0xfd: {  	[sflag:s23] =	ssyncadd.s32 $0xFFFFC000;
	s1 =	sor.u32 s2, s0  }
0xfe: {  	p2 =	seq.s32 s31, $0x1  }
.Ltmp6:
0xff: {  	_ = 	snop;
	(pc) =	sbr.rel @p2 .LBB2_6-.Ltmp6, $3  }
0x100: {  	_ =	sdelay $0x1  }
0x101: {  	s11 =	simm.s32 $0x4000;
	s4 =	simm.s32 $0x8080  }
0x102: {  	v12 =	vmov s1;
	s0 =	simm.s32 $0x0;
	s10 =	sadd.s32 $0xFFFFFFFF, s31;
	p1 =	por $0x0, $0x0;
	v13 =	vld [tilespmem:s11+$0x0]  }
0x103: {  	_ =	sdelay $0x3  }
0x104: {  	v14 =	vor.u32 s0, v1;
	v15 =	vshra.s32 v13, $0x8  }
0x105: {  	vm1 =	vlt.s32 v14, v11;
	vm0 =	veq.s32 v15, v12  }
0x106: {  	vm0 =	vmand vm1, vm0  }
0x107: {  	v14 =	vmpcnt.ones.xlane vm0;
	_ =	sdelay $0x1  }
0x108: {  	(v2sf) =	vpush v14, $0x0;
	v14 =	vsel vm0, $0x1, v2  }
0x109: {  	(xrf0) =	vadd.scan.msk.s32 $0xffff, v14;
	_ =	sdelay $0x2  }
0x10a: {  	v14 =	vmov s0  }
0x10b: {  	v14 =	vadd.s32 $0xFFFFFFFF, v14  }
0x10c: {  	v14 =	vbroadcast v14, $0x0  }
0x10d: {  	v15, _, _ =	vpop (xrf0)  }
0x10e: {  	v16 =	vld [tilespmem:s4+$0x0];
	v14 =	vadd.s32 v15, v14  }
0x10f: {  	v14 =	vnsel vm0, $0x0, v14;
	_ =	sdelay $0x1  }
0x110: {  	v13 =	vshll.u32 v13, $0xE  }
0x111: {  	p2 =	seq.s32 s10, $0x1;
	v13 =	vand.u32 $0x3FC000, v13  }
.Ltmp7:
0x112: {  	v13 =	vor.u32 v16, v13;
	(pc) =	sbr.rel @p2 .LBB2_11-.Ltmp7, $4  }
0x113: {  	s13 =	sadd.s32 $0xFFFFFFFF, s10;
	s10 =	simm.s32 $0x4010;
	[tilespmem:v14+s24+$0x0] =	vst.idx.msk vm0, v13  }
0x114: {  	v13 =	vld [tilespmem:s10+$0x0]  }
0x115: {  	p1 =	por $0x1, $0x1;
	s12 =	simm.s32 $0x0  }
0x116: {  	s11 =	simm.s32 $0x8080;
	s19 =	simm.s32 $0x0;
	s29 =	spop (v2sf)  }
.LBB2_12:
0x117: {  	s12 =	sadd.s32 s12, s29;
	s11 =	sadd.s32 $0x10, s11;
	s19 =	sadd.s32 $0x10, s19  }
0x118: {  	p2 =	seq.s32 s13, $0x1;
	s13 =	sadd.s32 $0xFFFFFFFF, s13;
	v14 =	vor.u32 s19, v1;
	v15 =	vmov s12  }
0x119: {  	v16 =	vshra.s32 v13, $0x8;
	v13 =	vshll.u32 v13, $0xE;
	v15 =	vadd.s32 $0xFFFFFFFF, v15  }
0x11a: {  	vm1 =	vlt.s32 v14, v11;
	vm0 =	veq.s32 v16, v12;
	v13 =	vand.u32 $0x3FC000, v13  }
0x11b: {  	vm0 =	vmand vm1, vm0  }
0x11c: {  	v14 =	vsel vm0, $0x1, v2;
	v16 =	vmpcnt.ones.xlane vm0  }
0x11d: {  	(xrf0) =	vadd.scan.msk.s32 $0xffff, v14  }
0x11e: {  	(v2sf) =	vpush v16, $0x0;
	_ =	sdelay $0x3  }
0x11f: {  	v14 =	vbroadcast v15, $0x0  }
0x120: {  	v15, _, _ =	vpop (xrf0)  }
0x121: {  	v16 =	vld [tilespmem:s11+$0x0];
	v14 =	vadd.s32 v15, v14  }
0x122: {  	v14 =	vnsel vm0, $0x0, v14;
	_ =	sdelay $0x3  }
.Ltmp8:
0x123: {  	v13 =	vor.u32 v16, v13;
	(pc) =	sbr.rel @!p2 .LBB2_12-.Ltmp8, $3  }
0x124: {  	s10 =	sadd.s32 $0x10, s10;
	[tilespmem:v14+s24+$0x0] =	vst.idx.msk vm0, v13  }
0x125: {  	v13 =	vld [tilespmem:s10+$0x0];
	_ =	sdelay $0x1  }
0x126: {  	s29 =	spop (v2sf)  }
.LBB2_13:
0x127: {  	s10 =	sadd.s32 @p1 $0x10, s19;
	s13 =	simm.s32 $0x0  }
0x128: {  	s13 =	smov.u32 @p1 s10  }
0x129: {  	v14 =	vor.u32 s13, v1;
	v15 =	vshra.s32 v13, $0x8  }
0x12a: {  	vm0 =	veq.s32 v15, v12;
	vm1 =	vlt.s32 v14, v11  }
0x12b: {  	vm0 =	vmand vm1, vm0  }
0x12c: {  	v58 =	vmpcnt.ones.xlane vm0;
	_ =	sdelay $0x1  }
0x12d: {  	(v2sf) =	vpush v58, $0x0;
	_ =	sdelay $0x1  }
0x12e: {  	v59 =	vsel vm0, $0x1, v2  }
0x12f: {  	(xrf0) =	vadd.scan.msk.s32 $0xffff, v59  }
0x130: {  	s10 =	sadd.s32 @p1 s12, s29  }
0x131: {  	s0 =	smov.u32 @p1 s10  }
0x132: {  	v60 =	vmov s0  }
0x133: {  	v12 =	vadd.s32 $0xFFFFFFFF, v60  }
0x134: {  	s10 =	sadd.s32 @p1 $0x10, s11;
	v12 =	vbroadcast v12, $0x0  }
0x135: {  	s4 =	smov.u32 @p1 s10;
	v61, _, _ =	vpop (xrf0)  }
0x136: {  	v62 =	vld [tilespmem:s4+$0x0];
	v12 =	vadd.s32 v61, v12  }
0x137: {  	v12 =	vnsel vm0, $0x0, v12;
	_ =	sdelay $0x1  }
0x138: {  	v63 =	vshll.u32 v13, $0xE  }
0x139: {  	v13 =	vand.u32 $0x3FC000, v63  }
0x13a: {  	v13 =	vor.u32 v62, v13;
	s29 =	spop (v2sf)  }
0x13b: {  	[tilespmem:v12+s24+$0x0] =	vst.idx.msk vm0, v13;
	s4 =	sadd.s32 s0, s29  }
0x13c: {  	p1 =	slt.s32 s4, $0x1  }
.Ltmp9:
0x13d: {  	_ = 	snop;
	(pc) =	sbr.rel @p1 .LBB2_19-.Ltmp9, $1  }
0x13e: {  	_ =	sdelay $0x3  }
0x13f: {  	p2 =	sne.s32 s4, $0x1  }
.Ltmp10:
0x140: {  	_ = 	snop;
	(pc) =	sbr.rel @!p2 .LBB2_9-.Ltmp10, $3  }
0x141: {  	_ =	sdelay $0x1  }
0x142: {  	s10 =	simm.s32 $0x0  }
0x143: {  	s0 =	sshll.u32 s30, $0x7;
	s12 =	simm.s32 $0x1;
	p1 =	por $0x0, $0x0;
	v12 =	vmov s10  }
0x144: {  	_ =	sdelay $0x3  }
0x145: {  	v12 =	vld.idx.msk [tilespmem:v12+s24+$0x0], $0xffff;
	_ =	sdelay $0x4  }
0x146: {  	v13 =	vshra.s32 v12, $0xE  }
0x147: {  	v14 =	vshll.u32 v13, $0x3  }
0x148: {  	v13 =	vand.u32 $0x7F, v13;
	v14 =	vand.u32 $0xFFFFFC00, v14  }
0x149: {  	v13 =	vor.u32 v13, v14  }
0x14a: {  	v14 =	vadd.s32 v3, v13  }
0x14b: {  	(v2sf) =	vpush v12, $0x0  }
0x14c: {  	_ =	swait.ge [sflag:s25], $0x80  }
0x14d: {  	[sflag:s25] =	ssyncset.done $0x0  }
0x14e: {  	[sflag:s25] =	ssyncadd.s32 $0xFFFFFF80  }
0x14f: {  	v12 =	vld.idx.msk [tilespmem:v14+s16+$0x0], $0xffff  }
0x150: {  	v14 =	vadd.s32 v5, v13;
	_ =	sdelay $0x2  }
0x151: {  	s13 =	sand.u32 $0x780, s0  }
0x152: {  	[tilespmem:s13+$0x1E180] =	vst v12  }
0x153: {  	v12 =	vld.idx.msk [tilespmem:v14+s16+$0x0], $0xffff  }
0x154: {  	v14 =	vadd.s32 v6, v13;
	_ =	sdelay $0x3  }
0x155: {  	[tilespmem:s13+$0x1E190] =	vst v12  }
0x156: {  	v12 =	vld.idx.msk [tilespmem:v14+s16+$0x0], $0xffff  }
0x157: {  	v13 =	vadd.s32 v7, v13;
	_ =	sdelay $0x3  }
0x158: {  	[tilespmem:s13+$0x1E1A0] =	vst v12  }
0x159: {  	p2 =	sne.s32 s4, $0x2;
	v13 =	vld.idx.msk [tilespmem:v13+s16+$0x0], $0xffff  }
.Ltmp11:
0x15a: {  	_ = 	snop;
	(pc) =	sbr.rel @!p2 .LBB2_15-.Ltmp11, $4  }
0x15b: {  	s10 =	spop (v2sf);
	v12 =	vmov s12  }
0x15c: {  	s10 =	sshll.u32 s10, $0x4  }
0x15d: {  	s11 =	simm.s32 $0x2;
	s0 =	sadd.s32 $0x80, s0;
	s19 =	sand.u32 $0x3FFF0, s10  }
0x15e: {  	p1 =	por $0x1, $0x1;
	s10 =	sadd.s32 $0x1E180, s13;
	[tilespmem:s13+$0x1E1B0] =	vst v13;
	s13 =	sadd.s32 s7, s19  }
.LBB2_16:
0x15f: {  	[hbm4b:s13+s6] =	stream.linear.scatter [tilespmem:s10], [sflag:$0x4], $0x80, $0x38;
	[tilespmem:$0x1E980] =	vst v63  }
0x160: {  	s12 =	smov.u32 s11;
	s11 =	sadd.s32 $0x1, s11;
	v12 =	vld.idx.msk [tilespmem:v12+s24+$0x0], $0xffff  }
0x161: {  	p2 =	sne.s32 s4, s11;
	_ =	sdelay $0x4  }
0x162: {  	v13 =	vshra.s32 v12, $0xE;
	(v2sf) =	vpush v12, $0x0  }
0x163: {  	v12 =	vshll.u32 v13, $0x3  }
0x164: {  	v13 =	vand.u32 $0x7F, v13;
	v12 =	vand.u32 $0xFFFFFC00, v12  }
0x165: {  	v12 =	vor.u32 v13, v12  }
0x166: {  	v13 =	vadd.s32 v3, v12;
	_ =	sdelay $0x1  }
0x167: {  	_ =	swait.ge [sflag:s25], $0x80  }
0x168: {  	[sflag:s25] =	ssyncset.done $0x0  }
0x169: {  	[sflag:s25] =	ssyncadd.s32 $0xFFFFFF80  }
0x16a: {  	v13 =	vld.idx.msk [tilespmem:v13+s16+$0x0], $0xffff;
	_ =	sdelay $0x1  }
0x16b: {  	v14 =	vadd.s32 v5, v12;
	_ =	sdelay $0x2  }
0x16c: {  	s13 =	sand.u32 $0x780, s0  }
0x16d: {  	[tilespmem:s13+$0x1E180] =	vst v13;
	s10 =	spop (v2sf)  }
0x16e: {  	v13 =	vld.idx.msk [tilespmem:v14+s16+$0x0], $0xffff;
	s10 =	sshll.u32 s10, $0x4  }
0x16f: {  	s19 =	sand.u32 $0x3FFF0, s10  }
0x170: {  	v14 =	vadd.s32 v6, v12;
	_ =	sdelay $0x3  }
0x171: {  	[tilespmem:s13+$0x1E190] =	vst v13  }
0x172: {  	v13 =	vld.idx.msk [tilespmem:v14+s16+$0x0], $0xffff;
	_ =	sdelay $0x1  }
0x173: {  	v12 =	vadd.s32 v7, v12;
	_ =	sdelay $0x3  }
0x174: {  	[tilespmem:s13+$0x1E1A0] =	vst v13  }
0x175: {  	v13 =	vld.idx.msk [tilespmem:v12+s16+$0x0], $0xffff;
	_ =	sdelay $0x1  }
.Ltmp12:
0x176: {  	(pc) =	sbr.rel @p2 .LBB2_16-.Ltmp12, $2  }
0x177: {  	v12 =	vmov s12;
	_ =	sdelay $0x2  }
0x178: {  	s0 =	sadd.s32 $0x80, s0;
	s10 =	sadd.s32 $0x1E180, s13;
	[tilespmem:s13+$0x1E1B0] =	vst v13;
	s13 =	sadd.s32 s7, s19  }
0x179: {  	s12 =	smov.u32 s11  }
.LBB2_18:
0x17a: {  	_ =	sdelay $0x2  }
0x17b: {  	[hbm4b:s13+s6] =	stream.linear.scatter @p1 [tilespmem:s10], [sflag:$0x4], $0x80, $0x38;
	[tilespmem:$0x1E980] =	vst v63  }
0x17c: {  	v12 =	vld.idx.msk [tilespmem:v12+s24+$0x0], $0xffff;
	_ =	sdelay $0x4  }
0x17d: {  	v13 =	vshra.s32 v12, $0xE  }
0x17e: {  	v14 =	vshll.u32 v13, $0x3  }
0x17f: {  	v13 =	vand.u32 $0x7F, v13;
	v14 =	vand.u32 $0xFFFFFC00, v14  }
0x180: {  	v13 =	vor.u32 v13, v14  }
0x181: {  	v14 =	vadd.s32 v3, v13  }
0x182: {  	(v2sf) =	vpush v12, $0x0  }
0x183: {  	_ =	swait.ge [sflag:s25], $0x80  }
0x184: {  	[sflag:s25] =	ssyncset.done $0x0  }
0x185: {  	[sflag:s25] =	ssyncadd.s32 $0xFFFFFF80  }
0x186: {  	v61 =	vld.idx.msk [tilespmem:v14+s16+$0x0], $0xffff  }
0x187: {  	v62 =	vadd.s32 v5, v13;
	_ =	sdelay $0x2  }
0x188: {  	s0 =	sand.u32 $0x780, s0  }
0x189: {  	[tilespmem:s0+$0x1E180] =	vst v61  }
0x18a: {  	v12 =	vld.idx.msk [tilespmem:v62+s16+$0x0], $0xffff  }
0x18b: {  	v63 =	vadd.s32 v6, v13;
	_ =	sdelay $0x3  }
0x18c: {  	[tilespmem:s0+$0x1E190] =	vst v12  }
0x18d: {  	v12 =	vld.idx.msk [tilespmem:v63+s16+$0x0], $0xffff  }
0x18e: {  	v13 =	vadd.s32 v7, v13;
	_ =	sdelay $0x3  }
0x18f: {  	[tilespmem:s0+$0x1E1A0] =	vst v12  }
0x190: {  	v12 =	vld.idx.msk [tilespmem:v13+s16+$0x0], $0xffff;
	_ =	sdelay $0x1  }
0x191: {  	s4 =	spop (v2sf)  }
0x192: {  	s4 =	sshll.u32 s4, $0x4  }
0x193: {  	s4 =	sand.u32 $0x3FFF0, s4  }
0x194: {  	s30 =	sadd.s32 s12, s30;
	s19 =	sadd.s32 $0x1E180, s0;
	s29 =	sadd.s32 s7, s4;
	[tilespmem:s0+$0x1E1B0] =	vst v12  }
0x195: {  	[hbm4b:s29+s6] =	stream.linear.scatter [tilespmem:s19], [sflag:$0x4], $0x80, $0x38;
	[tilespmem:$0x1E980] =	vst v63  }
.LBB2_19:
0x196: {  	s0 =	smul.u32 $0x3, s5;
	_ =	sdelay $0x1  }
0x197: {  	s4 =	sadd.s32 $0x3, s0  }
0x198: {  	s10 =	sshll.u32 s4, $0xD  }
0x199: {  	p1 =	slt.u32 s4, s9;
	s10 =	sor.u32 s8, s10  }
0x19a: {  	s10 =	simm.s32 @!p1 $0x0  }
.Ltmp13:
0x19b: {  	s29 =	sadd.s32 s3, s10;
	(pc) =	sbr.rel @p0 .LBB2_34-.Ltmp13, $4  }
0x19c: {  	[tilespmem:s16], [sflag:$0x1] =	stream.strided.gather [hbm4b:s29+s15], $0x4000, s14, s15, $0x38;
	[tilespmem:$0x1E980] =	vst v63  }
0x19d: {  	_ =	swait.ge [sflag:s26], $0x4000  }
0x19e: {  	[sflag:s26] =	ssyncset.done $0x0  }
0x19f: {  	[sflag:s26] =	ssyncadd.s32 $0xFFFFC000  }
0x1a0: {  	p2 =	seq.s32 s31, $0x1  }
.Ltmp14:
0x1a1: {  	_ = 	snop;
	(pc) =	sbr.rel @p2 .LBB2_21-.Ltmp14, $3  }
0x1a2: {  	_ =	sdelay $0x1  }
0x1a3: {  	s1 =	sadd.s32 $0x20, s1;
	s11 =	simm.s32 $0x4000;
	s4 =	simm.s32 $0x8080  }
0x1a4: {  	s10 =	sadd.s32 $0xFFFFFFFF, s31;
	p1 =	por $0x0, $0x0;
	v12 =	vmov s1;
	s1 =	simm.s32 $0x0;
	v13 =	vld [tilespmem:s11+$0x0]  }
0x1a5: {  	_ =	sdelay $0x3  }
0x1a6: {  	v14 =	vor.u32 s1, v1;
	v15 =	vshra.s32 v13, $0x8  }
0x1a7: {  	vm1 =	vlt.s32 v14, v11;
	vm0 =	veq.s32 v15, v12  }
0x1a8: {  	vm0 =	vmand vm1, vm0  }
0x1a9: {  	v14 =	vmpcnt.ones.xlane vm0;
	_ =	sdelay $0x1  }
0x1aa: {  	(v2sf) =	vpush v14, $0x0;
	v14 =	vsel vm0, $0x1, v2  }
0x1ab: {  	(xrf0) =	vadd.scan.msk.s32 $0xffff, v14;
	_ =	sdelay $0x2  }
0x1ac: {  	v14 =	vmov s1  }
0x1ad: {  	v14 =	vadd.s32 $0xFFFFFFFF, v14  }
0x1ae: {  	v14 =	vbroadcast v14, $0x0  }
0x1af: {  	v15, _, _ =	vpop (xrf0)  }
0x1b0: {  	v16 =	vld [tilespmem:s4+$0x0];
	v14 =	vadd.s32 v15, v14  }
0x1b1: {  	v14 =	vnsel vm0, $0x0, v14;
	_ =	sdelay $0x1  }
0x1b2: {  	v13 =	vshll.u32 v13, $0xE  }
0x1b3: {  	p2 =	seq.s32 s10, $0x1;
	v13 =	vand.u32 $0x3FC000, v13  }
.Ltmp15:
0x1b4: {  	v13 =	vor.u32 v16, v13;
	(pc) =	sbr.rel @p2 .LBB2_26-.Ltmp15, $4  }
0x1b5: {  	s13 =	sadd.s32 $0xFFFFFFFF, s10;
	s10 =	simm.s32 $0x4010;
	[tilespmem:v14+s24+$0x0] =	vst.idx.msk vm0, v13  }
0x1b6: {  	v13 =	vld [tilespmem:s10+$0x0]  }
0x1b7: {  	p1 =	por $0x1, $0x1;
	s12 =	simm.s32 $0x0  }
0x1b8: {  	s11 =	simm.s32 $0x8080;
	s19 =	simm.s32 $0x0;
	s29 =	spop (v2sf)  }
.LBB2_27:
0x1b9: {  	s12 =	sadd.s32 s12, s29;
	s11 =	sadd.s32 $0x10, s11;
	s19 =	sadd.s32 $0x10, s19  }
0x1ba: {  	p2 =	seq.s32 s13, $0x1;
	s13 =	sadd.s32 $0xFFFFFFFF, s13;
	v14 =	vor.u32 s19, v1;
	v15 =	vmov s12  }
0x1bb: {  	v16 =	vshra.s32 v13, $0x8;
	v13 =	vshll.u32 v13, $0xE;
	v15 =	vadd.s32 $0xFFFFFFFF, v15  }
0x1bc: {  	vm1 =	vlt.s32 v14, v11;
	vm0 =	veq.s32 v16, v12;
	v13 =	vand.u32 $0x3FC000, v13  }
0x1bd: {  	vm0 =	vmand vm1, vm0  }
0x1be: {  	v14 =	vsel vm0, $0x1, v2;
	v16 =	vmpcnt.ones.xlane vm0  }
0x1bf: {  	(xrf0) =	vadd.scan.msk.s32 $0xffff, v14  }
0x1c0: {  	(v2sf) =	vpush v16, $0x0;
	_ =	sdelay $0x3  }
0x1c1: {  	v14 =	vbroadcast v15, $0x0  }
0x1c2: {  	v15, _, _ =	vpop (xrf0)  }
0x1c3: {  	v16 =	vld [tilespmem:s11+$0x0];
	v14 =	vadd.s32 v15, v14  }
0x1c4: {  	v14 =	vnsel vm0, $0x0, v14;
	_ =	sdelay $0x3  }
.Ltmp16:
0x1c5: {  	v13 =	vor.u32 v16, v13;
	(pc) =	sbr.rel @!p2 .LBB2_27-.Ltmp16, $3  }
0x1c6: {  	s10 =	sadd.s32 $0x10, s10;
	[tilespmem:v14+s24+$0x0] =	vst.idx.msk vm0, v13  }
0x1c7: {  	v13 =	vld [tilespmem:s10+$0x0];
	_ =	sdelay $0x1  }
0x1c8: {  	s29 =	spop (v2sf)  }
.LBB2_28:
0x1c9: {  	s10 =	sadd.s32 @p1 $0x10, s19;
	s13 =	simm.s32 $0x0  }
0x1ca: {  	s13 =	smov.u32 @p1 s10  }
0x1cb: {  	v14 =	vor.u32 s13, v1;
	v15 =	vshra.s32 v13, $0x8  }
0x1cc: {  	vm0 =	veq.s32 v15, v12;
	vm1 =	vlt.s32 v14, v11  }
0x1cd: {  	vm0 =	vmand vm1, vm0  }
0x1ce: {  	v58 =	vmpcnt.ones.xlane vm0;
	_ =	sdelay $0x1  }
0x1cf: {  	(v2sf) =	vpush v58, $0x0;
	_ =	sdelay $0x1  }
0x1d0: {  	v59 =	vsel vm0, $0x1, v2  }
0x1d1: {  	(xrf0) =	vadd.scan.msk.s32 $0xffff, v59  }
0x1d2: {  	s10 =	sadd.s32 @p1 s12, s29  }
0x1d3: {  	s1 =	smov.u32 @p1 s10  }
0x1d4: {  	v60 =	vmov s1  }
0x1d5: {  	v12 =	vadd.s32 $0xFFFFFFFF, v60  }
0x1d6: {  	s10 =	sadd.s32 @p1 $0x10, s11;
	v12 =	vbroadcast v12, $0x0  }
0x1d7: {  	s4 =	smov.u32 @p1 s10;
	v61, _, _ =	vpop (xrf0)  }
0x1d8: {  	v62 =	vld [tilespmem:s4+$0x0];
	v12 =	vadd.s32 v61, v12  }
0x1d9: {  	v12 =	vnsel vm0, $0x0, v12;
	_ =	sdelay $0x1  }
0x1da: {  	v63 =	vshll.u32 v13, $0xE  }
0x1db: {  	v13 =	vand.u32 $0x3FC000, v63  }
0x1dc: {  	v13 =	vor.u32 v62, v13;
	s29 =	spop (v2sf)  }
0x1dd: {  	[tilespmem:v12+s24+$0x0] =	vst.idx.msk vm0, v13;
	s4 =	sadd.s32 s1, s29  }
0x1de: {  	p1 =	slt.s32 s4, $0x1  }
.Ltmp17:
0x1df: {  	_ = 	snop;
	(pc) =	sbr.rel @p1 .LBB2_34-.Ltmp17, $1  }
0x1e0: {  	_ =	sdelay $0x3  }
0x1e1: {  	p2 =	sne.s32 s4, $0x1  }
.Ltmp18:
0x1e2: {  	_ = 	snop;
	(pc) =	sbr.rel @!p2 .LBB2_24-.Ltmp18, $3  }
0x1e3: {  	_ =	sdelay $0x1  }
0x1e4: {  	s10 =	simm.s32 $0x0  }
0x1e5: {  	s1 =	sshll.u32 s30, $0x7;
	s12 =	simm.s32 $0x1;
	p1 =	por $0x0, $0x0;
	v12 =	vmov s10  }
0x1e6: {  	_ =	sdelay $0x3  }
0x1e7: {  	v12 =	vld.idx.msk [tilespmem:v12+s24+$0x0], $0xffff;
	_ =	sdelay $0x4  }
0x1e8: {  	v13 =	vshra.s32 v12, $0xE  }
0x1e9: {  	v14 =	vshll.u32 v13, $0x3  }
0x1ea: {  	v13 =	vand.u32 $0x7F, v13;
	v14 =	vand.u32 $0xFFFFFC00, v14  }
0x1eb: {  	v13 =	vor.u32 v13, v14  }
0x1ec: {  	v14 =	vadd.s32 v3, v13  }
0x1ed: {  	(v2sf) =	vpush v12, $0x0  }
0x1ee: {  	_ =	swait.ge [sflag:s25], $0x80  }
0x1ef: {  	[sflag:s25] =	ssyncset.done $0x0  }
0x1f0: {  	[sflag:s25] =	ssyncadd.s32 $0xFFFFFF80  }
0x1f1: {  	v12 =	vld.idx.msk [tilespmem:v14+s17+$0x0], $0xffff  }
0x1f2: {  	v14 =	vadd.s32 v5, v13;
	_ =	sdelay $0x2  }
0x1f3: {  	s13 =	sand.u32 $0x780, s1  }
0x1f4: {  	[tilespmem:s13+$0x1E180] =	vst v12  }
0x1f5: {  	v12 =	vld.idx.msk [tilespmem:v14+s17+$0x0], $0xffff  }
0x1f6: {  	v14 =	vadd.s32 v6, v13;
	_ =	sdelay $0x3  }
0x1f7: {  	[tilespmem:s13+$0x1E190] =	vst v12  }
0x1f8: {  	v12 =	vld.idx.msk [tilespmem:v14+s17+$0x0], $0xffff  }
0x1f9: {  	v13 =	vadd.s32 v7, v13;
	_ =	sdelay $0x3  }
0x1fa: {  	[tilespmem:s13+$0x1E1A0] =	vst v12  }
0x1fb: {  	p2 =	sne.s32 s4, $0x2;
	v13 =	vld.idx.msk [tilespmem:v13+s17+$0x0], $0xffff  }
.Ltmp19:
0x1fc: {  	_ = 	snop;
	(pc) =	sbr.rel @!p2 .LBB2_30-.Ltmp19, $4  }
0x1fd: {  	s10 =	spop (v2sf);
	v12 =	vmov s12  }
0x1fe: {  	s10 =	sshll.u32 s10, $0x4  }
0x1ff: {  	s11 =	simm.s32 $0x2;
	s1 =	sadd.s32 $0x80, s1;
	s19 =	sand.u32 $0x3FFF0, s10  }
0x200: {  	p1 =	por $0x1, $0x1;
	s10 =	sadd.s32 $0x1E180, s13;
	[tilespmem:s13+$0x1E1B0] =	vst v13;
	s13 =	sadd.s32 s7, s19  }
.LBB2_31:
0x201: {  	[hbm4b:s13+s6] =	stream.linear.scatter [tilespmem:s10], [sflag:$0x4], $0x80, $0x38;
	[tilespmem:$0x1E980] =	vst v63  }
0x202: {  	s12 =	smov.u32 s11;
	s11 =	sadd.s32 $0x1, s11;
	v12 =	vld.idx.msk [tilespmem:v12+s24+$0x0], $0xffff  }
0x203: {  	p2 =	sne.s32 s4, s11;
	_ =	sdelay $0x4  }
0x204: {  	v13 =	vshra.s32 v12, $0xE;
	(v2sf) =	vpush v12, $0x0  }
0x205: {  	v12 =	vshll.u32 v13, $0x3  }
0x206: {  	v13 =	vand.u32 $0x7F, v13;
	v12 =	vand.u32 $0xFFFFFC00, v12  }
0x207: {  	v12 =	vor.u32 v13, v12  }
0x208: {  	v13 =	vadd.s32 v3, v12;
	_ =	sdelay $0x1  }
0x209: {  	_ =	swait.ge [sflag:s25], $0x80  }
0x20a: {  	[sflag:s25] =	ssyncset.done $0x0  }
0x20b: {  	[sflag:s25] =	ssyncadd.s32 $0xFFFFFF80  }
0x20c: {  	v13 =	vld.idx.msk [tilespmem:v13+s17+$0x0], $0xffff;
	_ =	sdelay $0x1  }
0x20d: {  	v14 =	vadd.s32 v5, v12;
	_ =	sdelay $0x2  }
0x20e: {  	s13 =	sand.u32 $0x780, s1  }
0x20f: {  	[tilespmem:s13+$0x1E180] =	vst v13;
	s10 =	spop (v2sf)  }
0x210: {  	v13 =	vld.idx.msk [tilespmem:v14+s17+$0x0], $0xffff;
	s10 =	sshll.u32 s10, $0x4  }
0x211: {  	s19 =	sand.u32 $0x3FFF0, s10  }
0x212: {  	v14 =	vadd.s32 v6, v12;
	_ =	sdelay $0x3  }
0x213: {  	[tilespmem:s13+$0x1E190] =	vst v13  }
0x214: {  	v13 =	vld.idx.msk [tilespmem:v14+s17+$0x0], $0xffff;
	_ =	sdelay $0x1  }
0x215: {  	v12 =	vadd.s32 v7, v12;
	_ =	sdelay $0x3  }
0x216: {  	[tilespmem:s13+$0x1E1A0] =	vst v13  }
0x217: {  	v13 =	vld.idx.msk [tilespmem:v12+s17+$0x0], $0xffff;
	_ =	sdelay $0x1  }
.Ltmp20:
0x218: {  	(pc) =	sbr.rel @p2 .LBB2_31-.Ltmp20, $2  }
0x219: {  	v12 =	vmov s12;
	_ =	sdelay $0x2  }
0x21a: {  	s1 =	sadd.s32 $0x80, s1;
	s10 =	sadd.s32 $0x1E180, s13;
	[tilespmem:s13+$0x1E1B0] =	vst v13;
	s13 =	sadd.s32 s7, s19  }
0x21b: {  	s12 =	smov.u32 s11  }
.LBB2_33:
0x21c: {  	_ =	sdelay $0x2  }
0x21d: {  	[hbm4b:s13+s6] =	stream.linear.scatter @p1 [tilespmem:s10], [sflag:$0x4], $0x80, $0x38;
	[tilespmem:$0x1E980] =	vst v63  }
0x21e: {  	v12 =	vld.idx.msk [tilespmem:v12+s24+$0x0], $0xffff;
	_ =	sdelay $0x4  }
0x21f: {  	v13 =	vshra.s32 v12, $0xE  }
0x220: {  	v14 =	vshll.u32 v13, $0x3  }
0x221: {  	v13 =	vand.u32 $0x7F, v13;
	v14 =	vand.u32 $0xFFFFFC00, v14  }
0x222: {  	v13 =	vor.u32 v13, v14  }
0x223: {  	v14 =	vadd.s32 v3, v13  }
0x224: {  	(v2sf) =	vpush v12, $0x0  }
0x225: {  	_ =	swait.ge [sflag:s25], $0x80  }
0x226: {  	[sflag:s25] =	ssyncset.done $0x0  }
0x227: {  	[sflag:s25] =	ssyncadd.s32 $0xFFFFFF80  }
0x228: {  	v61 =	vld.idx.msk [tilespmem:v14+s17+$0x0], $0xffff  }
0x229: {  	v62 =	vadd.s32 v5, v13;
	_ =	sdelay $0x2  }
0x22a: {  	s1 =	sand.u32 $0x780, s1  }
0x22b: {  	[tilespmem:s1+$0x1E180] =	vst v61  }
0x22c: {  	v12 =	vld.idx.msk [tilespmem:v62+s17+$0x0], $0xffff  }
0x22d: {  	v63 =	vadd.s32 v6, v13;
	_ =	sdelay $0x3  }
0x22e: {  	[tilespmem:s1+$0x1E190] =	vst v12  }
0x22f: {  	v12 =	vld.idx.msk [tilespmem:v63+s17+$0x0], $0xffff  }
0x230: {  	v13 =	vadd.s32 v7, v13;
	_ =	sdelay $0x3  }
0x231: {  	[tilespmem:s1+$0x1E1A0] =	vst v12  }
0x232: {  	v12 =	vld.idx.msk [tilespmem:v13+s17+$0x0], $0xffff;
	_ =	sdelay $0x1  }
0x233: {  	s4 =	spop (v2sf)  }
0x234: {  	s4 =	sshll.u32 s4, $0x4  }
0x235: {  	s4 =	sand.u32 $0x3FFF0, s4  }
0x236: {  	s30 =	sadd.s32 s12, s30;
	s19 =	sadd.s32 $0x1E180, s1;
	s29 =	sadd.s32 s7, s4;
	[tilespmem:s1+$0x1E1B0] =	vst v12  }
0x237: {  	[hbm4b:s29+s6] =	stream.linear.scatter [tilespmem:s19], [sflag:$0x4], $0x80, $0x38;
	[tilespmem:$0x1E980] =	vst v63  }
.LBB2_34:
0x238: {  	s1 =	sadd.s32 $0x4, s0  }
0x239: {  	s4 =	sshll.u32 s1, $0xD  }
0x23a: {  	p1 =	slt.u32 s1, s9;
	s4 =	sor.u32 s8, s4  }
0x23b: {  	s4 =	simm.s32 @!p1 $0x0  }
.Ltmp21:
0x23c: {  	s29 =	sadd.s32 s3, s4;
	(pc) =	sbr.rel @p0 .LBB2_49-.Ltmp21, $4  }
0x23d: {  	[tilespmem:s17], [sflag:$0x2] =	stream.strided.gather [hbm4b:s29+s15], $0x4000, s14, s15, $0x38;
	[tilespmem:$0x1E980] =	vst v63  }
0x23e: {  	_ =	swait.ge [sflag:s28], $0x4000  }
0x23f: {  	[sflag:s28] =	ssyncset.done $0x0  }
0x240: {  	[sflag:s28] =	ssyncadd.s32 $0xFFFFC000  }
0x241: {  	p2 =	seq.s32 s31, $0x1  }
.Ltmp22:
0x242: {  	s1 =	sadd.s32 $0x2, s0;
	(pc) =	sbr.rel @p2 .LBB2_36-.Ltmp22, $4  }
0x243: {  	s4 =	sshll.u32 s1, $0x5  }
0x244: {  	p1 =	slt.u32 s1, s9;
	s1 =	sor.u32 s2, s4  }
0x245: {  	s11 =	simm.s32 $0x4000;
	s10 =	sadd.s32 $0xFFFFFFFF, s31;
	s1 =	simm.s32 @!p1 $0xFFFFFFFF  }
0x246: {  	v13 =	vld [tilespmem:s11+$0x0];
	s4 =	simm.s32 $0x8080;
	p1 =	por $0x0, $0x0;
	v12 =	vmov s1;
	s1 =	simm.s32 $0x0  }
0x247: {  	_ =	sdelay $0x3  }
0x248: {  	v14 =	vor.u32 s1, v1;
	v15 =	vshra.s32 v13, $0x8  }
0x249: {  	vm1 =	vlt.s32 v14, v11;
	vm0 =	veq.s32 v15, v12  }
0x24a: {  	vm0 =	vmand vm1, vm0  }
0x24b: {  	v14 =	vmpcnt.ones.xlane vm0;
	_ =	sdelay $0x1  }
0x24c: {  	(v2sf) =	vpush v14, $0x0;
	v14 =	vsel vm0, $0x1, v2  }
0x24d: {  	(xrf0) =	vadd.scan.msk.s32 $0xffff, v14;
	_ =	sdelay $0x2  }
0x24e: {  	v14 =	vmov s1  }
0x24f: {  	v14 =	vadd.s32 $0xFFFFFFFF, v14  }
0x250: {  	v14 =	vbroadcast v14, $0x0  }
0x251: {  	v15, _, _ =	vpop (xrf0)  }
0x252: {  	v16 =	vld [tilespmem:s4+$0x0];
	v14 =	vadd.s32 v15, v14  }
0x253: {  	v14 =	vnsel vm0, $0x0, v14;
	_ =	sdelay $0x1  }
0x254: {  	v13 =	vshll.u32 v13, $0xE  }
0x255: {  	p2 =	seq.s32 s10, $0x1;
	v13 =	vand.u32 $0x3FC000, v13  }
.Ltmp23:
0x256: {  	v13 =	vor.u32 v16, v13;
	(pc) =	sbr.rel @p2 .LBB2_41-.Ltmp23, $4  }
0x257: {  	s13 =	sadd.s32 $0xFFFFFFFF, s10;
	s10 =	simm.s32 $0x4010;
	[tilespmem:v14+s24+$0x0] =	vst.idx.msk vm0, v13  }
0x258: {  	v13 =	vld [tilespmem:s10+$0x0]  }
0x259: {  	p1 =	por $0x1, $0x1;
	s12 =	simm.s32 $0x0  }
0x25a: {  	s11 =	simm.s32 $0x8080;
	s19 =	simm.s32 $0x0;
	s29 =	spop (v2sf)  }
.LBB2_42:
0x25b: {  	s12 =	sadd.s32 s12, s29;
	s11 =	sadd.s32 $0x10, s11;
	s19 =	sadd.s32 $0x10, s19  }
0x25c: {  	p2 =	seq.s32 s13, $0x1;
	s13 =	sadd.s32 $0xFFFFFFFF, s13;
	v14 =	vor.u32 s19, v1;
	v15 =	vmov s12  }
0x25d: {  	v16 =	vshra.s32 v13, $0x8;
	v13 =	vshll.u32 v13, $0xE;
	v15 =	vadd.s32 $0xFFFFFFFF, v15  }
0x25e: {  	vm1 =	vlt.s32 v14, v11;
	vm0 =	veq.s32 v16, v12;
	v13 =	vand.u32 $0x3FC000, v13  }
0x25f: {  	vm0 =	vmand vm1, vm0  }
0x260: {  	v14 =	vsel vm0, $0x1, v2;
	v16 =	vmpcnt.ones.xlane vm0  }
0x261: {  	(xrf0) =	vadd.scan.msk.s32 $0xffff, v14  }
0x262: {  	(v2sf) =	vpush v16, $0x0;
	_ =	sdelay $0x3  }
0x263: {  	v14 =	vbroadcast v15, $0x0  }
0x264: {  	v15, _, _ =	vpop (xrf0)  }
0x265: {  	v16 =	vld [tilespmem:s11+$0x0];
	v14 =	vadd.s32 v15, v14  }
0x266: {  	v14 =	vnsel vm0, $0x0, v14;
	_ =	sdelay $0x3  }
.Ltmp24:
0x267: {  	v13 =	vor.u32 v16, v13;
	(pc) =	sbr.rel @!p2 .LBB2_42-.Ltmp24, $3  }
0x268: {  	s10 =	sadd.s32 $0x10, s10;
	[tilespmem:v14+s24+$0x0] =	vst.idx.msk vm0, v13  }
0x269: {  	v13 =	vld [tilespmem:s10+$0x0];
	_ =	sdelay $0x1  }
0x26a: {  	s29 =	spop (v2sf)  }
.LBB2_43:
0x26b: {  	s10 =	sadd.s32 @p1 $0x10, s19;
	s13 =	simm.s32 $0x0  }
0x26c: {  	s13 =	smov.u32 @p1 s10  }
0x26d: {  	v14 =	vor.u32 s13, v1;
	v15 =	vshra.s32 v13, $0x8  }
0x26e: {  	vm0 =	veq.s32 v15, v12;
	vm1 =	vlt.s32 v14, v11  }
0x26f: {  	vm0 =	vmand vm1, vm0  }
0x270: {  	v58 =	vmpcnt.ones.xlane vm0;
	_ =	sdelay $0x1  }
0x271: {  	(v2sf) =	vpush v58, $0x0;
	_ =	sdelay $0x1  }
0x272: {  	v59 =	vsel vm0, $0x1, v2  }
0x273: {  	(xrf0) =	vadd.scan.msk.s32 $0xffff, v59  }
0x274: {  	s10 =	sadd.s32 @p1 s12, s29  }
0x275: {  	s1 =	smov.u32 @p1 s10  }
0x276: {  	v60 =	vmov s1  }
0x277: {  	v12 =	vadd.s32 $0xFFFFFFFF, v60  }
0x278: {  	s10 =	sadd.s32 @p1 $0x10, s11;
	v12 =	vbroadcast v12, $0x0  }
0x279: {  	s4 =	smov.u32 @p1 s10;
	v61, _, _ =	vpop (xrf0)  }
0x27a: {  	v62 =	vld [tilespmem:s4+$0x0];
	v12 =	vadd.s32 v61, v12  }
0x27b: {  	v12 =	vnsel vm0, $0x0, v12;
	_ =	sdelay $0x1  }
0x27c: {  	v63 =	vshll.u32 v13, $0xE  }
0x27d: {  	v13 =	vand.u32 $0x3FC000, v63  }
0x27e: {  	v13 =	vor.u32 v62, v13;
	s29 =	spop (v2sf)  }
0x27f: {  	[tilespmem:v12+s24+$0x0] =	vst.idx.msk vm0, v13;
	s4 =	sadd.s32 s1, s29  }
0x280: {  	p1 =	slt.s32 s4, $0x1  }
.Ltmp25:
0x281: {  	_ = 	snop;
	(pc) =	sbr.rel @p1 .LBB2_49-.Ltmp25, $1  }
0x282: {  	_ =	sdelay $0x3  }
0x283: {  	p2 =	sne.s32 s4, $0x1  }
.Ltmp26:
0x284: {  	_ = 	snop;
	(pc) =	sbr.rel @!p2 .LBB2_39-.Ltmp26, $3  }
0x285: {  	_ =	sdelay $0x1  }
0x286: {  	s10 =	simm.s32 $0x0  }
0x287: {  	s1 =	sshll.u32 s30, $0x7;
	s12 =	simm.s32 $0x1;
	p1 =	por $0x0, $0x0;
	v12 =	vmov s10  }
0x288: {  	_ =	sdelay $0x3  }
0x289: {  	v12 =	vld.idx.msk [tilespmem:v12+s24+$0x0], $0xffff;
	_ =	sdelay $0x4  }
0x28a: {  	v13 =	vshra.s32 v12, $0xE  }
0x28b: {  	v14 =	vshll.u32 v13, $0x3  }
0x28c: {  	v13 =	vand.u32 $0x7F, v13;
	v14 =	vand.u32 $0xFFFFFC00, v14  }
0x28d: {  	v13 =	vor.u32 v13, v14  }
0x28e: {  	v14 =	vadd.s32 v3, v13  }
0x28f: {  	(v2sf) =	vpush v12, $0x0  }
0x290: {  	_ =	swait.ge [sflag:s25], $0x80  }
0x291: {  	[sflag:s25] =	ssyncset.done $0x0  }
0x292: {  	[sflag:s25] =	ssyncadd.s32 $0xFFFFFF80  }
0x293: {  	v12 =	vld.idx.msk [tilespmem:v14+s18+$0x0], $0xffff  }
0x294: {  	v14 =	vadd.s32 v5, v13;
	_ =	sdelay $0x2  }
0x295: {  	s13 =	sand.u32 $0x780, s1  }
0x296: {  	[tilespmem:s13+$0x1E180] =	vst v12  }
0x297: {  	v12 =	vld.idx.msk [tilespmem:v14+s18+$0x0], $0xffff  }
0x298: {  	v14 =	vadd.s32 v6, v13;
	_ =	sdelay $0x3  }
0x299: {  	[tilespmem:s13+$0x1E190] =	vst v12  }
0x29a: {  	v12 =	vld.idx.msk [tilespmem:v14+s18+$0x0], $0xffff  }
0x29b: {  	v13 =	vadd.s32 v7, v13;
	_ =	sdelay $0x3  }
0x29c: {  	[tilespmem:s13+$0x1E1A0] =	vst v12  }
0x29d: {  	p2 =	sne.s32 s4, $0x2;
	v13 =	vld.idx.msk [tilespmem:v13+s18+$0x0], $0xffff  }
.Ltmp27:
0x29e: {  	_ = 	snop;
	(pc) =	sbr.rel @!p2 .LBB2_45-.Ltmp27, $4  }
0x29f: {  	s10 =	spop (v2sf);
	v12 =	vmov s12  }
0x2a0: {  	s10 =	sshll.u32 s10, $0x4  }
0x2a1: {  	s11 =	simm.s32 $0x2;
	s1 =	sadd.s32 $0x80, s1;
	s19 =	sand.u32 $0x3FFF0, s10  }
0x2a2: {  	p1 =	por $0x1, $0x1;
	s10 =	sadd.s32 $0x1E180, s13;
	[tilespmem:s13+$0x1E1B0] =	vst v13;
	s13 =	sadd.s32 s7, s19  }
.LBB2_46:
0x2a3: {  	[hbm4b:s13+s6] =	stream.linear.scatter [tilespmem:s10], [sflag:$0x4], $0x80, $0x38;
	[tilespmem:$0x1E980] =	vst v63  }
0x2a4: {  	s12 =	smov.u32 s11;
	s11 =	sadd.s32 $0x1, s11;
	v12 =	vld.idx.msk [tilespmem:v12+s24+$0x0], $0xffff  }
0x2a5: {  	p2 =	sne.s32 s4, s11;
	_ =	sdelay $0x4  }
0x2a6: {  	v13 =	vshra.s32 v12, $0xE;
	(v2sf) =	vpush v12, $0x0  }
0x2a7: {  	v12 =	vshll.u32 v13, $0x3  }
0x2a8: {  	v13 =	vand.u32 $0x7F, v13;
	v12 =	vand.u32 $0xFFFFFC00, v12  }
0x2a9: {  	v12 =	vor.u32 v13, v12  }
0x2aa: {  	v13 =	vadd.s32 v3, v12;
	_ =	sdelay $0x1  }
0x2ab: {  	_ =	swait.ge [sflag:s25], $0x80  }
0x2ac: {  	[sflag:s25] =	ssyncset.done $0x0  }
0x2ad: {  	[sflag:s25] =	ssyncadd.s32 $0xFFFFFF80  }
0x2ae: {  	v13 =	vld.idx.msk [tilespmem:v13+s18+$0x0], $0xffff;
	_ =	sdelay $0x1  }
0x2af: {  	v14 =	vadd.s32 v5, v12;
	_ =	sdelay $0x2  }
0x2b0: {  	s13 =	sand.u32 $0x780, s1  }
0x2b1: {  	[tilespmem:s13+$0x1E180] =	vst v13;
	s10 =	spop (v2sf)  }
0x2b2: {  	v13 =	vld.idx.msk [tilespmem:v14+s18+$0x0], $0xffff;
	s10 =	sshll.u32 s10, $0x4  }
0x2b3: {  	s19 =	sand.u32 $0x3FFF0, s10  }
0x2b4: {  	v14 =	vadd.s32 v6, v12;
	_ =	sdelay $0x3  }
0x2b5: {  	[tilespmem:s13+$0x1E190] =	vst v13  }
0x2b6: {  	v13 =	vld.idx.msk [tilespmem:v14+s18+$0x0], $0xffff;
	_ =	sdelay $0x1  }
0x2b7: {  	v12 =	vadd.s32 v7, v12;
	_ =	sdelay $0x3  }
0x2b8: {  	[tilespmem:s13+$0x1E1A0] =	vst v13  }
0x2b9: {  	v13 =	vld.idx.msk [tilespmem:v12+s18+$0x0], $0xffff;
	_ =	sdelay $0x1  }
.Ltmp28:
0x2ba: {  	(pc) =	sbr.rel @p2 .LBB2_46-.Ltmp28, $2  }
0x2bb: {  	v12 =	vmov s12;
	_ =	sdelay $0x2  }
0x2bc: {  	s1 =	sadd.s32 $0x80, s1;
	s10 =	sadd.s32 $0x1E180, s13;
	[tilespmem:s13+$0x1E1B0] =	vst v13;
	s13 =	sadd.s32 s7, s19  }
.Ltmp29:
0x2bd: {  	(pc) =	sbr.rel .LBB2_48-.Ltmp29, $2  }
0x2be: {  	_ =	sdelay $0x2  }
0x2bf: {  	s12 =	smov.u32 s11  }
.LBB2_6:
.Ltmp30:
0x2c0: {  	(pc) =	sbr.rel .LBB2_13-.Ltmp30, $2  }
0x2c1: {  	_ =	sdelay $0x2  }
0x2c2: {  	s12 =	simm.s32 $0x0;
	s11 =	simm.s32 $0x8080;
	s19 =	simm.s32 $0x0  }
.LBB2_21:
.Ltmp31:
0x2c3: {  	(pc) =	sbr.rel .LBB2_28-.Ltmp31, $2  }
0x2c4: {  	_ =	sdelay $0x2  }
0x2c5: {  	s12 =	simm.s32 $0x0;
	s11 =	simm.s32 $0x8080;
	s19 =	simm.s32 $0x0  }
.LBB2_36:
.Ltmp32:
0x2c6: {  	(pc) =	sbr.rel .LBB2_43-.Ltmp32, $2  }
0x2c7: {  	_ =	sdelay $0x2  }
0x2c8: {  	s12 =	simm.s32 $0x0;
	s11 =	simm.s32 $0x8080;
	s19 =	simm.s32 $0x0  }
.LBB2_11:
.Ltmp33:
0x2c9: {  	(pc) =	sbr.rel .LBB2_13-.Ltmp33, $2  }
0x2ca: {  	_ =	sdelay $0x2  }
0x2cb: {  	s12 =	simm.s32 $0x0;
	s11 =	simm.s32 $0x8080;
	s19 =	simm.s32 $0x0  }
.LBB2_26:
.Ltmp34:
0x2cc: {  	(pc) =	sbr.rel .LBB2_28-.Ltmp34, $2  }
0x2cd: {  	_ =	sdelay $0x2  }
0x2ce: {  	s12 =	simm.s32 $0x0;
	s11 =	simm.s32 $0x8080;
	s19 =	simm.s32 $0x0  }
.LBB2_41:
.Ltmp35:
0x2cf: {  	(pc) =	sbr.rel .LBB2_43-.Ltmp35, $2  }
0x2d0: {  	_ =	sdelay $0x2  }
0x2d1: {  	s12 =	simm.s32 $0x0;
	s11 =	simm.s32 $0x8080;
	s19 =	simm.s32 $0x0  }
.LBB2_9:
.Ltmp36:
0x2d2: {  	(pc) =	sbr.rel .LBB2_18-.Ltmp36, $2  }
0x2d3: {  	_ =	sdelay $0x2  }
0x2d4: {  	_ = 	snop  }
.LBB2_24:
.Ltmp37:
0x2d5: {  	(pc) =	sbr.rel .LBB2_33-.Ltmp37, $2  }
0x2d6: {  	_ =	sdelay $0x2  }
0x2d7: {  	_ = 	snop  }
.LBB2_15:
.Ltmp38:
0x2d8: {  	(pc) =	sbr.rel .LBB2_18-.Ltmp38, $2  }
0x2d9: {  	_ =	sdelay $0x2  }
0x2da: {  	s12 =	simm.s32 $0x2  }
.LBB2_30:
.Ltmp39:
0x2db: {  	(pc) =	sbr.rel .LBB2_33-.Ltmp39, $2  }
0x2dc: {  	_ =	sdelay $0x2  }
0x2dd: {  	s12 =	simm.s32 $0x2  }
.LBB2_45:
.Ltmp40:
0x2de: {  	(pc) =	sbr.rel .LBB2_48-.Ltmp40, $2  }
0x2df: {  	_ =	sdelay $0x2  }
0x2e0: {  	s12 =	simm.s32 $0x2  }
.LBB2_50:
0x2e1: {  	_ =	swait.ge [sflag:s23], $0x4000  }
0x2e2: {  	[sflag:s23] =	ssyncset.done $0x0  }
0x2e3: {  	[sflag:s23] =	ssyncadd.s32 $0xFFFFC000  }
0x2e4: {  	p0 =	sgt.s32 s31, $0x0;
	_ =	swait.ge [sflag:s26], $0x4000  }
.Ltmp41:
0x2e5: {  	[sflag:s26] =	ssyncset.done $0x0;
	(pc) =	sbr.rel @!p0 .LBB2_63-.Ltmp41, $4  }
0x2e6: {  	[sflag:s26] =	ssyncadd.s32 $0xFFFFC000  }
0x2e7: {  	_ =	swait.ge [sflag:s28], $0x4000  }
0x2e8: {  	[sflag:s28] =	ssyncset.done $0x0  }
0x2e9: {  	s4 =	rddreg [dreg:$0x9];
	[sflag:s28] =	ssyncadd.s32 $0xFFFFC000  }
0x2ea: {  	p1 =	seq.s32 s31, $0x1  }
.Ltmp42:
0x2eb: {  	_ = 	snop;
	(pc) =	sbr.rel @p1 .LBB2_52-.Ltmp42, $3  }
0x2ec: {  	_ =	sdelay $0x1  }
0x2ed: {  	s5 =	simm.s32 $0x4000;
	s1 =	simm.s32 $0x8080  }
0x2ee: {  	s0 =	simm.s32 $0x0;
	s4 =	sadd.s32 $0xFFFFFFFF, s31;
	p0 =	por $0x0, $0x0;
	v12 =	vld [tilespmem:s5+$0x0]  }
0x2ef: {  	_ =	sdelay $0x3  }
0x2f0: {  	v13 =	vor.u32 s0, v1;
	v14 =	vand.u32 $0xFFFFFF00, v12  }
0x2f1: {  	vm1 =	vlt.s32 v13, v11;
	vm0 =	veq.s32 v14, $0xF4200  }
0x2f2: {  	vm0 =	vmand vm1, vm0  }
0x2f3: {  	v13 =	vmpcnt.ones.xlane vm0;
	_ =	sdelay $0x1  }
0x2f4: {  	(v2sf) =	vpush v13, $0x0;
	v13 =	vsel vm0, $0x1, v2  }
0x2f5: {  	(xrf0) =	vadd.scan.msk.s32 $0xffff, v13;
	_ =	sdelay $0x2  }
0x2f6: {  	v13 =	vmov s0  }
0x2f7: {  	v13 =	vadd.s32 $0xFFFFFFFF, v13  }
0x2f8: {  	v13 =	vbroadcast v13, $0x0  }
0x2f9: {  	v14, _, _ =	vpop (xrf0)  }
0x2fa: {  	v15 =	vld [tilespmem:s1+$0x0];
	v13 =	vadd.s32 v14, v13  }
0x2fb: {  	v13 =	vnsel vm0, $0x0, v13;
	_ =	sdelay $0x1  }
0x2fc: {  	v12 =	vshll.u32 v12, $0xE  }
0x2fd: {  	p1 =	seq.s32 s4, $0x1;
	v12 =	vand.u32 $0x3FC000, v12  }
.Ltmp43:
0x2fe: {  	v12 =	vor.u32 v15, v12;
	(pc) =	sbr.rel @p1 .LBB2_57-.Ltmp43, $4  }
0x2ff: {  	s10 =	simm.s32 $0x4010;
	[tilespmem:v13+s24+$0x0] =	vst.idx.msk vm0, v12  }
0x300: {  	v12 =	vld [tilespmem:s10+$0x0]  }
0x301: {  	s11 =	sadd.s32 $0xFFFFFFFF, s4;
	p0 =	por $0x1, $0x1;
	s5 =	simm.s32 $0x0  }
0x302: {  	s4 =	simm.s32 $0x8080;
	s12 =	simm.s32 $0x0;
	s13 =	spop (v2sf)  }
.LBB2_58:
0x303: {  	s5 =	sadd.s32 s5, s13;
	s4 =	sadd.s32 $0x10, s4;
	s12 =	sadd.s32 $0x10, s12  }
0x304: {  	p1 =	seq.s32 s11, $0x1;
	s11 =	sadd.s32 $0xFFFFFFFF, s11;
	v13 =	vor.u32 s12, v1;
	v14 =	vmov s5  }
0x305: {  	v15 =	vand.u32 $0xFFFFFF00, v12;
	v12 =	vshll.u32 v12, $0xE;
	v14 =	vadd.s32 $0xFFFFFFFF, v14  }
0x306: {  	vm1 =	vlt.s32 v13, v11;
	vm0 =	veq.s32 v15, $0xF4200;
	v12 =	vand.u32 $0x3FC000, v12  }
0x307: {  	vm0 =	vmand vm1, vm0  }
0x308: {  	v13 =	vsel vm0, $0x1, v2;
	v15 =	vmpcnt.ones.xlane vm0  }
0x309: {  	(xrf0) =	vadd.scan.msk.s32 $0xffff, v13  }
0x30a: {  	(v2sf) =	vpush v15, $0x0;
	_ =	sdelay $0x3  }
0x30b: {  	v13 =	vbroadcast v14, $0x0  }
0x30c: {  	v14, _, _ =	vpop (xrf0)  }
0x30d: {  	v15 =	vld [tilespmem:s4+$0x0];
	v13 =	vadd.s32 v14, v13  }
0x30e: {  	v13 =	vnsel vm0, $0x0, v13;
	_ =	sdelay $0x3  }
.Ltmp44:
0x30f: {  	v12 =	vor.u32 v15, v12;
	(pc) =	sbr.rel @!p1 .LBB2_58-.Ltmp44, $3  }
0x310: {  	s10 =	sadd.s32 $0x10, s10;
	[tilespmem:v13+s24+$0x0] =	vst.idx.msk vm0, v12  }
0x311: {  	v12 =	vld [tilespmem:s10+$0x0];
	_ =	sdelay $0x1  }
0x312: {  	s13 =	spop (v2sf)  }
.LBB2_59:
0x313: {  	s10 =	sadd.s32 @p0 $0x10, s12;
	s11 =	simm.s32 $0x0  }
0x314: {  	s11 =	smov.u32 @p0 s10  }
0x315: {  	v13 =	vor.u32 s11, v1;
	v14 =	vand.u32 $0xFFFFFF00, v12  }
0x316: {  	vm0 =	veq.s32 v14, $0xF4200;
	vm1 =	vlt.s32 v13, v11  }
0x317: {  	vm0 =	vmand vm1, vm0  }
0x318: {  	v11 =	vmpcnt.ones.xlane vm0;
	_ =	sdelay $0x1  }
0x319: {  	(v2sf) =	vpush v11, $0x0;
	_ =	sdelay $0x1  }
0x31a: {  	v11 =	vsel vm0, $0x1, v2  }
0x31b: {  	(xrf0) =	vadd.scan.msk.s32 $0xffff, v11  }
0x31c: {  	s5 =	sadd.s32 @p0 s5, s13  }
0x31d: {  	s0 =	smov.u32 @p0 s5  }
0x31e: {  	v11 =	vmov s0  }
0x31f: {  	v11 =	vadd.s32 $0xFFFFFFFF, v11  }
0x320: {  	s4 =	sadd.s32 @p0 $0x10, s4;
	v11 =	vbroadcast v11, $0x0  }
0x321: {  	s1 =	smov.u32 @p0 s4;
	v61, _, _ =	vpop (xrf0)  }
0x322: {  	v62 =	vld [tilespmem:s1+$0x0];
	v11 =	vadd.s32 v61, v11  }
0x323: {  	v11 =	vnsel vm0, $0x0, v11;
	_ =	sdelay $0x1  }
0x324: {  	v63 =	vshll.u32 v12, $0xE  }
0x325: {  	v12 =	vand.u32 $0x3FC000, v63  }
0x326: {  	v12 =	vor.u32 v62, v12;
	s31 =	spop (v2sf)  }
0x327: {  	[tilespmem:v11+s24+$0x0] =	vst.idx.msk vm0, v12;
	s1 =	sadd.s32 s0, s31  }
0x328: {  	p0 =	slt.s32 s1, $0x1  }
.Ltmp45:
0x329: {  	_ = 	snop;
	(pc) =	sbr.rel @p0 .LBB2_63-.Ltmp45, $2  }
0x32a: {  	_ =	sdelay $0x2  }
0x32b: {  	s4 =	rddreg [dreg:$0x9]  }
0x32c: {  	p1 =	sne.s32 s1, $0x1  }
.Ltmp46:
0x32d: {  	_ = 	snop;
	(pc) =	sbr.rel @!p1 .LBB2_55-.Ltmp46, $3  }
0x32e: {  	_ =	sdelay $0x1  }
0x32f: {  	s4 =	simm.s32 $0x0  }
0x330: {  	s0 =	sshll.u32 s30, $0x7;
	s5 =	simm.s32 $0x1;
	p0 =	por $0x0, $0x0;
	v11 =	vmov s4  }
0x331: {  	_ =	sdelay $0x3  }
0x332: {  	v11 =	vld.idx.msk [tilespmem:v11+s24+$0x0], $0xffff;
	_ =	sdelay $0x4  }
0x333: {  	v12 =	vshra.s32 v11, $0xE  }
0x334: {  	v13 =	vadd.s32 v4, v12  }
0x335: {  	(v2sf) =	vpush v11, $0x0  }
0x336: {  	_ =	swait.ge [sflag:s25], $0x80  }
0x337: {  	[sflag:s25] =	ssyncset.done $0x0  }
0x338: {  	[sflag:s25] =	ssyncadd.s32 $0xFFFFFF80  }
0x339: {  	v11 =	vld.idx.msk [tilespmem:v13+s20+$0x0], $0xffff  }
0x33a: {  	v62 =	vadd.s32 v8, v12;
	_ =	sdelay $0x2  }
0x33b: {  	s11 =	sand.u32 $0x780, s0  }
0x33c: {  	[tilespmem:s11+$0x1E180] =	vst v11  }
0x33d: {  	v11 =	vld.idx.msk [tilespmem:v62+s20+$0x0], $0xffff  }
0x33e: {  	v63 =	vadd.s32 v9, v12;
	_ =	sdelay $0x3  }
0x33f: {  	[tilespmem:s11+$0x1E190] =	vst v11  }
0x340: {  	v11 =	vld.idx.msk [tilespmem:v63+s20+$0x0], $0xffff  }
0x341: {  	v12 =	vadd.s32 v10, v12;
	_ =	sdelay $0x3  }
0x342: {  	[tilespmem:s11+$0x1E1A0] =	vst v11  }
0x343: {  	p1 =	sne.s32 s1, $0x2;
	v12 =	vld.idx.msk [tilespmem:v12+s20+$0x0], $0xffff  }
.Ltmp47:
0x344: {  	_ = 	snop;
	(pc) =	sbr.rel @!p1 .LBB2_62-.Ltmp47, $4  }
0x345: {  	s10 =	spop (v2sf);
	v11 =	vmov s5  }
0x346: {  	s10 =	sshll.u32 s10, $0x4  }
0x347: {  	s4 =	simm.s32 $0x2;
	s0 =	sadd.s32 $0x80, s0;
	s12 =	sand.u32 $0x3FFF0, s10  }
0x348: {  	p0 =	por $0x1, $0x1;
	s10 =	sadd.s32 $0x1E180, s11;
	s5 =	sadd.s32 s7, s12;
	[tilespmem:s11+$0x1E1B0] =	vst v12  }
.LBB2_61:
0x349: {  	[hbm4b:s5+s6] =	stream.linear.scatter [tilespmem:s10], [sflag:$0x4], $0x80, $0x38;
	[tilespmem:$0x1E980] =	vst v63  }
0x34a: {  	s5 =	smov.u32 s4;
	s4 =	sadd.s32 $0x1, s4;
	v11 =	vld.idx.msk [tilespmem:v11+s24+$0x0], $0xffff  }
0x34b: {  	p1 =	sne.s32 s1, s4;
	_ =	sdelay $0x4  }
0x34c: {  	v12 =	vshra.s32 v11, $0xE;
	(v2sf) =	vpush v11, $0x0  }
0x34d: {  	v11 =	vadd.s32 v4, v12;
	_ =	sdelay $0x1  }
0x34e: {  	_ =	swait.ge [sflag:s25], $0x80  }
0x34f: {  	[sflag:s25] =	ssyncset.done $0x0  }
0x350: {  	[sflag:s25] =	ssyncadd.s32 $0xFFFFFF80  }
0x351: {  	v11 =	vld.idx.msk [tilespmem:v11+s20+$0x0], $0xffff;
	_ =	sdelay $0x1  }
0x352: {  	v13 =	vadd.s32 v8, v12;
	_ =	sdelay $0x2  }
0x353: {  	s11 =	sand.u32 $0x780, s0  }
0x354: {  	[tilespmem:s11+$0x1E180] =	vst v11  }
0x355: {  	v11 =	vld.idx.msk [tilespmem:v13+s20+$0x0], $0xffff;
	_ =	sdelay $0x1  }
0x356: {  	v13 =	vadd.s32 v9, v12;
	s10 =	spop (v2sf)  }
0x357: {  	s10 =	sshll.u32 s10, $0x4  }
0x358: {  	s12 =	sand.u32 $0x3FFF0, s10;
	_ =	sdelay $0x1  }
0x359: {  	[tilespmem:s11+$0x1E190] =	vst v11  }
0x35a: {  	v11 =	vld.idx.msk [tilespmem:v13+s20+$0x0], $0xffff;
	_ =	sdelay $0x1  }
0x35b: {  	v12 =	vadd.s32 v10, v12;
	_ =	sdelay $0x3  }
0x35c: {  	[tilespmem:s11+$0x1E1A0] =	vst v11  }
0x35d: {  	v12 =	vld.idx.msk [tilespmem:v12+s20+$0x0], $0xffff;
	_ =	sdelay $0x1  }
.Ltmp48:
0x35e: {  	(pc) =	sbr.rel @p1 .LBB2_61-.Ltmp48, $2  }
0x35f: {  	v11 =	vmov s5;
	_ =	sdelay $0x2  }
0x360: {  	s0 =	sadd.s32 $0x80, s0;
	s10 =	sadd.s32 $0x1E180, s11;
	s5 =	sadd.s32 s7, s12;
	[tilespmem:s11+$0x1E1B0] =	vst v12  }
.Ltmp49:
0x361: {  	_ = 	snop;
	(pc) =	sbr.rel .LBB2_62-.Ltmp49, $1  }
0x362: {  	_ =	sdelay $0x3  }
.LBB2_52:
.Ltmp50:
0x363: {  	(pc) =	sbr.rel .LBB2_59-.Ltmp50, $2  }
0x364: {  	_ =	sdelay $0x2  }
0x365: {  	s5 =	simm.s32 $0x0;
	s4 =	simm.s32 $0x8080;
	s12 =	simm.s32 $0x0  }
.LBB2_57:
.Ltmp51:
0x366: {  	(pc) =	sbr.rel .LBB2_59-.Ltmp51, $2  }
0x367: {  	_ =	sdelay $0x2  }
0x368: {  	s5 =	simm.s32 $0x0;
	s4 =	simm.s32 $0x8080;
	s12 =	simm.s32 $0x0  }
.LBB2_64:
0x369: {  	_ =	sfence.sel $0x180000  }
0x36a: {  	[bflag:$0x0] =	sbarrier.arrive $0xFFFF  }
0x36b: {  	_ =	strace $0x90000047  }
0x36c: {  	s0 =	stileid.u32;
	[bflag:$0x2] =	sbarrier.arrive $0xFFFF  }
0x36d: {  	p0 =	sne.s32 s0, $0x0;
	s0 =	rddreg [dreg:$0x4]  }
0x36e: {  	s0 =	sadd.s32 @!p0 $0x100000, s0  }
0x36f: {  	[sflag:s0] =	ssyncadd.tile.s32 @!p0 $0x1;
	_ =	shalt  }
.Lfunc_end2:
_tile_overlayer_lowered:
.L_overlay_start_2:
0x370: {  	(tag) =	ssettag $0x2  }
0x371: {  	s0 =	rddreg [dreg:$0x0];
	s2 =	stileid.u32  }
0x372: {  	s1 =	rddreg [dreg:$0x1];
	p0 =	sne.s32 s2, $0x0  }
0x373: {  	s3 =	rddreg [dreg:$0x2];
	[bflag:$0x3] =	sbarrier.arrive $0xFFFF;
	s2 =	simm.s32 @!p0 $0x1C05  }
0x374: {  	[timem:s3], [sflag:s2] =	dma.local @!p0 [hbm:s0], s1  }
0x375: {  	s0 =	simm.s32 @!p0 $0x5  }
0x376: {  	_ =	swait.ge @!p0 [sflag:s0], s1  }
0x377: {  	s1 =	ssub.s32 @!p0 $0x0, s1;
	[sflag:s0] =	ssyncset.done @!p0 $0x0  }
0x378: {  	[sflag:s0] =	ssyncadd.s32 @!p0 s1  }
0x379: {  	[bflag:$0x3] =	sbarrier.arrive $0xFFFF  }
0x37a: {  	_ =	shalt  }

</sc_bundles>
